<compile_context>
chip_gen: v7x
topology: tpu7x:2x2x1
jax: 0.10.2.dev20260603
libtpu: 0.0.44.dev20260713+nightly
codegen_flags: <defaults>
</compile_context>

<pallas_src>
import jax
import jax.numpy as jnp
from jax import lax
from jax.experimental import pallas as pl
from jax.experimental.pallas import tpu as pltpu, tpu_sc as plsc

B = 4096
H = 256
FUSED = 768
K = 8
BLK = 512
NBLK = B // BLK
BIG = 1e30


def _ln(v, g, b):
    mu = jnp.mean(v, axis=-1, keepdims=True)
    var = jnp.mean((v - mu) ** 2, axis=-1, keepdims=True)
    return (v - mu) / jnp.sqrt(var + 1e-5) * g + b


def _fuse_knn_body(x0, x1a, x1b, x1c, x2, cc, ct, imr, imc,
                   lg0, lb0, wp0, bp0, lg1, lb1, wp1, bp1, lg2, lb2, wp2, bp2,
                   wg1, bg1, wg2, bg2,
                   fused_o, nidx_o, w_o, ent_o):
    i = pl.program_id(0)
    x1 = jnp.concatenate([x1a[...], x1b[...], x1c[...]], axis=1)
    v0 = jnp.dot(_ln(x0[...], lg0[...], lb0[...]), wp0[...],
                 preferred_element_type=jnp.float32) + bp0[...]
    v1 = jnp.dot(_ln(x1, lg1[...], lb1[...]), wp1[...],
                 preferred_element_type=jnp.float32) + bp1[...]
    v2 = jnp.dot(_ln(x2[...], lg2[...], lb2[...]), wp2[...],
                 preferred_element_type=jnp.float32) + bp2[...]
    concat = jnp.concatenate([v0, v1, v2], axis=1)
    gh = jnp.maximum(jnp.dot(concat, wg1[...], preferred_element_type=jnp.float32)
                     + bg1[...], 0.0)
    gl = jnp.dot(gh, wg2[...], preferred_element_type=jnp.float32) + bg2[...]
    gm = jnp.max(gl, axis=1, keepdims=True)
    ge = jnp.exp(gl - gm)
    gp = ge / jnp.sum(ge, axis=1, keepdims=True)
    ent_blk = -jnp.sum(gp * jnp.log(gp + 1e-8))

    @pl.when(i == 0)
    def _():
        ent_o[0, 0] = 0.0
    ent_o[0, 0] += ent_blk * (0.01 / B)

    fused_o[...] = jnp.concatenate(
        [v0 * gp[:, 0:1], v1 * gp[:, 1:2], v2 * gp[:, 2:3]], axis=1)

    cb = cc[...]
    cxb = cb[:, 0:1]
    cyb = cb[:, 1:2]
    cx = ct[0:1, :]
    cy = ct[1:2, :]
    sqr = cxb * cxb + cyb * cyb
    sqc = cx * cx + cy * cy
    bf = lambda a: a.astype(jnp.bfloat16).astype(jnp.float32)
    prod = bf(cxb) * bf(cx) + bf(cyb) * bf(cy)
    d2 = sqr + sqc - 2.0 * prod
    rowid = (jnp.float32(i * BLK) +
             lax.broadcasted_iota(jnp.int32, (BLK, 1), 0).astype(jnp.float32))
    colid = lax.broadcasted_iota(jnp.int32, (BLK, B), 1).astype(jnp.float32)
    diag = colid == rowid
    eq = imr[...] == imc[...]
    cnt = jnp.sum(jnp.where(eq, 1.0, 0.0), axis=1, keepdims=True)
    has_n = cnt > 1.5
    excl = diag | (has_n & jnp.logical_not(eq))
    sel = jnp.where(excl, BIG, d2)
    vals = []
    idxs = []
    for _ in range(K):
        mn = jnp.min(sel, axis=1, keepdims=True)
        mask = sel == mn
        amin = jnp.min(jnp.where(mask, colid, 1e9), axis=1, keepdims=True)
        vals.append(jnp.where(mn >= 1e29, -1e9,
                              -jnp.sqrt(jnp.maximum(mn, 1e-12))))
        idxs.append(amin)
        sel = jnp.where(colid == amin, BIG, sel)
    valsm = jnp.concatenate(vals, axis=1)
    nidx_o[...] = jnp.concatenate(idxs, axis=1).astype(jnp.int32)
    we = jnp.exp(valsm - valsm[:, 0:1])
    w = we / jnp.sum(we, axis=1, keepdims=True)
    w_o[...] = jnp.concatenate([w, jnp.zeros((BLK, 8), jnp.float32)], axis=1)


def _classifier_body(fused, agg, wu1, bu1, wu2, bu2, wc1, bc1,
                     bn_g, bn_b, bn_m, bn_v, wc2, bc2, out):
    h1 = jnp.maximum(jnp.dot(agg[...], wu1[...],
                             preferred_element_type=jnp.float32) + bu1[...], 0.0)
    upd = jnp.dot(h1, wu2[...], preferred_element_type=jnp.float32) + bu2[...]
    ctx = fused[...] + 0.5 * upd
    h = jnp.dot(ctx, wc1[...], preferred_element_type=jnp.float32) + bc1[...]
    h = (h - bn_m[...]) / jnp.sqrt(bn_v[...] + 1e-5) * bn_g[...] + bn_b[...]
    h = jnp.maximum(h, 0.0)
    out[...] = jnp.dot(h, wc2[...], preferred_element_type=jnp.float32) + bc2[...]


CH = 8
RPW = B // 32
NCH = RPW // CH


def _sc_agg_body(fused_hbm, idx_hbm, w_hbm, out_hbm,
                 idx_v, rows_v, w_v, agg_v, sem0, sem1):
    wid = lax.axis_index("s") * 2 + lax.axis_index("c")
    base = wid * RPW
    sems = (sem0, sem1)
    pltpu.sync_copy(w_hbm.at[pl.ds(base, RPW)], w_v)

    def start_gather(c, b):
        row0 = base + c * CH
        pltpu.sync_copy(idx_hbm.at[pl.ds(row0 * K, CH * K)], idx_v.at[b])
        pltpu.async_copy(fused_hbm.at[idx_v.at[b]], rows_v.at[b], sems[b])

    for b in range(2):
        start_gather(b, b)

    def compute_chunk(c, b):
        pltpu.make_async_copy(fused_hbm.at[idx_v.at[b]],
                              rows_v.at[b], sems[b]).wait()

        def row_body(rr, carry):
            wrow = w_v[c * CH + rr, :]
            splats = [wrow.at[jnp.full((16,), k, jnp.int32)]
                      .get(mode="promise_in_bounds") for k in range(K)]

            def s_body(s, carry3):
                for u in range(4):
                    col = s * 64 + u * 16
                    a = splats[0] * rows_v[b, rr * K, pl.ds(col, 16)]
                    for k in range(1, K):
                        a = a + splats[k] * rows_v[b, rr * K + k, pl.ds(col, 16)]
                    agg_v[rr, pl.ds(col, 16)] = a
                return carry3

            return lax.fori_loop(0, FUSED // 64, s_body, carry)

        lax.fori_loop(0, CH, row_body, 0)
        pltpu.sync_copy(agg_v, out_hbm.at[pl.ds(base + c * CH, CH)])

    def superstep(g, carry):
        for b in range(2):
            c = 2 * g + b
            compute_chunk(c, b)

            @pl.when(c + 2 < NCH)
            def _():
                start_gather(c + 2, b)
        return carry

    lax.fori_loop(0, NCH // 2, superstep, 0)


def _make_sc_agg():
    mesh = plsc.VectorSubcoreMesh(core_axis_name="c", subcore_axis_name="s")
    return pl.kernel(
        _sc_agg_body,
        out_type=jax.ShapeDtypeStruct((B, FUSED), jnp.float32),
        mesh=mesh,
        scratch_types=[
            pltpu.VMEM((2, CH * K), jnp.int32),
            pltpu.VMEM((2, CH * K, FUSED), jnp.float32),
            pltpu.VMEM((RPW, 16), jnp.float32),
            pltpu.VMEM((CH, FUSED), jnp.float32),
            pltpu.SemaphoreType.DMA,
            pltpu.SemaphoreType.DMA,
        ],
    )


def _call_fuse_knn(x, ln_g0, ln_b0, Wp0, bp0, ln_g1, ln_b1, Wp1, bp1,
                   ln_g2, ln_b2, Wp2, bp2, Wg1, bg1, Wg2, bg2):
    cc = x[:, 1536:1538]
    ct = cc.T
    imc = x[:, 1540:1541]
    imr = imc.T
    r = lambda a: a.reshape(1, -1)
    wg2p = jnp.concatenate([Wg2, jnp.zeros((128, 5), jnp.float32)], axis=1)
    bg2p = jnp.concatenate([bg2, jnp.full((5,), -1e30, jnp.float32)]).reshape(1, 8)

    row_spec = lambda c: pl.BlockSpec((BLK, c), lambda i: (i, 0))
    full_spec = lambda rr, c: pl.BlockSpec((rr, c), lambda i: (0, 0))

    fused, nidx, w16, ent = pl.pallas_call(
        _fuse_knn_body,
        grid=(NBLK,),
        in_specs=[
            pl.BlockSpec((BLK, 512), lambda i: (i, 0)),
            pl.BlockSpec((BLK, 256), lambda i: (i, 2)),
            pl.BlockSpec((BLK, 256), lambda i: (i, 3)),
            pl.BlockSpec((BLK, 256), lambda i: (i, 4)),
            pl.BlockSpec((BLK, 256), lambda i: (i, 5)),
            row_spec(2),
            full_spec(2, B), full_spec(1, B), row_spec(1),
            full_spec(1, 512), full_spec(1, 512), full_spec(512, H), full_spec(1, H),
            full_spec(1, 768), full_spec(1, 768), full_spec(768, H), full_spec(1, H),
            full_spec(1, 256), full_spec(1, 256), full_spec(256, H), full_spec(1, H),
            full_spec(768, 128), full_spec(1, 128), full_spec(128, 8), full_spec(1, 8),
        ],
        out_specs=[
            row_spec(FUSED), row_spec(K), row_spec(16),
            pl.BlockSpec((1, 1), lambda i: (0, 0), memory_space=pltpu.SMEM),
        ],
        out_shape=[
            jax.ShapeDtypeStruct((B, FUSED), jnp.float32),
            jax.ShapeDtypeStruct((B, K), jnp.int32),
            jax.ShapeDtypeStruct((B, 16), jnp.float32),
            jax.ShapeDtypeStruct((1, 1), jnp.float32),
        ],
    )(x, x, x, x, x, cc, ct, imr, imc,
      r(ln_g0), r(ln_b0), Wp0, r(bp0), r(ln_g1), r(ln_b1), Wp1, r(bp1),
      r(ln_g2), r(ln_b2), Wp2, r(bp2), Wg1, r(bg1), wg2p, bg2p)
    return fused, nidx, w16, ent


def _call_classifier(fused, agg, Wu1, bu1, Wu2, bu2, Wc1, bc1,
                     bn_g, bn_b, bn_m, bn_v, Wc2, bc2):
    r = lambda a: a.reshape(1, -1)
    row_spec = lambda c: pl.BlockSpec((BLK, c), lambda i: (i, 0))
    full_spec = lambda rr, c: pl.BlockSpec((rr, c), lambda i: (0, 0))
    logits = pl.pallas_call(
        _classifier_body,
        grid=(NBLK,),
        in_specs=[
            row_spec(FUSED), row_spec(FUSED),
            full_spec(FUSED, FUSED), full_spec(1, FUSED),
            full_spec(FUSED, FUSED), full_spec(1, FUSED),
            full_spec(FUSED, H), full_spec(1, H),
            full_spec(1, H), full_spec(1, H), full_spec(1, H), full_spec(1, H),
            full_spec(H, 5), full_spec(1, 5),
        ],
        out_specs=[row_spec(5)],
        out_shape=[jax.ShapeDtypeStruct((B, 5), jnp.float32)],
    )(fused, agg, Wu1, r(bu1), Wu2, r(bu2), Wc1, r(bc1),
      r(bn_g), r(bn_b), r(bn_m), r(bn_v), Wc2, r(bc2))[0]
    return logits


def kernel(x, ln_g0, ln_b0, Wp0, bp0, ln_g1, ln_b1, Wp1, bp1, ln_g2, ln_b2,
           Wp2, bp2, Wg1, bg1, Wg2, bg2, Wu1, bu1, Wu2, bu2, Wc1, bc1,
           bn_g, bn_b, bn_m, bn_v, Wc2, bc2):
    fused, nidx, w16, ent = _call_fuse_knn(
        x, ln_g0, ln_b0, Wp0, bp0, ln_g1, ln_b1, Wp1, bp1,
        ln_g2, ln_b2, Wp2, bp2, Wg1, bg1, Wg2, bg2)
    agg = _make_sc_agg()(fused, nidx.reshape(-1), w16)
    logits = _call_classifier(fused, agg, Wu1, bu1, Wu2, bu2, Wc1, bc1,
                              bn_g, bn_b, bn_m, bn_v, Wc2, bc2)
    return (logits, ent[0, 0])

# --- scband reference (transcript-rebuilt; emitter-appended) ---
"""Pipeline reference for scband-context-graph-fusion-classifier-90022514524606 (READ-ONLY COPY).

The authoritative reference and input builder live on the scoring server;
editing this copy changes nothing except your own understanding.
"""

import jax, jax.numpy as jnp
import numpy as np

B = 4096
H = 256
FUSED = 768


def _ln(v, g, b):
    mu = jnp.mean(v, axis=-1, keepdims=True)
    var = jnp.mean((v - mu) ** 2, axis=-1, keepdims=True)
    return (v - mu) / jnp.sqrt(var + 1e-5) * g + b


def setup_inputs(seed: int = 0) -> dict:
    key = jax.random.key(seed)
    ks = jax.random.split(key, 32)
    dims = [512, 768, 256]
    inp = {'x': jax.random.normal(ks[0], (B, 1541), dtype=jnp.float32)}
    for i, d in enumerate(dims):
        inp['ln_g%d' % i] = jnp.ones((d,), jnp.float32)
        inp['ln_b%d' % i] = jnp.zeros((d,), jnp.float32)
        inp['Wp%d' % i] = jax.random.normal(ks[1 + i], (d, H), dtype=jnp.float32) * 0.02
        inp['bp%d' % i] = jnp.zeros((H,), jnp.float32)
    inp['Wg1'] = jax.random.normal(ks[10], (FUSED, 128), dtype=jnp.float32) * 0.02
    inp['bg1'] = jnp.zeros((128,), jnp.float32)
    inp['Wg2'] = jax.random.normal(ks[11], (128, 3), dtype=jnp.float32) * 0.02
    inp['bg2'] = jnp.zeros((3,), jnp.float32)
    inp['Wu1'] = jax.random.normal(ks[12], (FUSED, FUSED), dtype=jnp.float32) * 0.02
    inp['bu1'] = jnp.zeros((FUSED,), jnp.float32)
    inp['Wu2'] = jax.random.normal(ks[13], (FUSED, FUSED), dtype=jnp.float32) * 0.02
    inp['bu2'] = jnp.zeros((FUSED,), jnp.float32)
    inp['Wc1'] = jax.random.normal(ks[14], (FUSED, H), dtype=jnp.float32) * 0.02
    inp['bc1'] = jnp.zeros((H,), jnp.float32)
    inp['bn_g'] = jnp.ones((H,), jnp.float32)
    inp['bn_b'] = jnp.zeros((H,), jnp.float32)
    inp['bn_m'] = jnp.zeros((H,), jnp.float32)
    inp['bn_v'] = jnp.ones((H,), jnp.float32)
    inp['Wc2'] = jax.random.normal(ks[15], (H, 5), dtype=jnp.float32) * 0.02
    inp['bc2'] = jnp.zeros((5,), jnp.float32)
    return inp


def reference(x, ln_g0, ln_b0, Wp0, bp0, ln_g1, ln_b1, Wp1, bp1, ln_g2, ln_b2, Wp2, bp2,
              Wg1, bg1, Wg2, bg2, Wu1, bu1, Wu2, bu2, Wc1, bc1, bn_g, bn_b, bn_m, bn_v, Wc2, bc2):
    # per-modality layernorm + projection (bbox_ctx and img_uid excluded from fusion)
    v0 = _ln(x[:, 0:512], ln_g0, ln_b0) @ Wp0 + bp0
    v1 = _ln(x[:, 512:1280], ln_g1, ln_b1) @ Wp1 + bp1
    v2 = _ln(x[:, 1280:1536], ln_g2, ln_b2) @ Wp2 + bp2
    concat = jnp.concatenate([v0, v1, v2], axis=1)
    # gate network (dropout is identity in eval)
    gh = jax.nn.relu(concat @ Wg1 + bg1)
    gl = gh @ Wg2 + bg2
    gp = jax.nn.softmax(gl / max(1.0, 1e-06), axis=1)
    entropy = -jnp.sum(gp * jnp.log(gp + 1e-8), axis=1)
    ent_loss = jnp.mean(entropy) * 0.01
    fused = jnp.concatenate([v0 * gp[:, 0:1], v1 * gp[:, 1:2], v2 * gp[:, 2:3]], axis=1)
    # context aggregation: spatial kNN graph over the batch
    coords = x[:, 1536:1538]
    sq = jnp.sum(coords ** 2, axis=1)
    d2 = sq[:, None] + sq[None, :] - 2.0 * (coords @ coords.T)
    dist = jnp.sqrt(jnp.maximum(d2, 1e-12))
    sim = -dist
    img = x[:, 1540]
    same = img[None, :] == img[:, None]
    diag = jnp.arange(B)
    same = same.at[diag, diag].set(False)
    any_same = jnp.any(same)
    sim_same = jnp.where(same, sim, -1e9)
    has_n = jnp.any(same, axis=1)
    sim = jnp.where(any_same, jnp.where(has_n[:, None], sim_same, sim), sim)
    sim = sim.at[diag, diag].set(-1e9)
    k = min(8, B - 1)
    vals, nidx = jax.lax.top_k(sim, k)
    w = jax.nn.softmax(vals, axis=1)
    neigh = fused[nidx]
    agg = jnp.sum(neigh * w[..., None], axis=1)
    upd = jax.nn.relu(agg @ Wu1 + bu1) @ Wu2 + bu2
    ctx = fused + 0.5 * upd
    # classifier with eval-mode batchnorm
    h = ctx @ Wc1 + bc1
    h = (h - bn_m) / jnp.sqrt(bn_v + 1e-5) * bn_g + bn_b
    h = jax.nn.relu(h)
    logits = h @ Wc2 + bc2
    return (logits, ent_loss)

if __name__ == "__main__":
    import jax
    _d = setup_inputs()
    print(jax.jit(kernel)(*tuple(_d.values())))

</pallas_src>

<mosaic_0001>
#map = affine_map<(d0, d1) -> (0, 0)>
#map1 = affine_map<(d0, d1) -> (0)>
module attributes {stable_mosaic.version = 14 : i64} {
  func.func @_sc_agg_body(%arg0: i32, %arg1: i32, %arg2: memref<4096x768xf32, #tpu.memory_space<hbm>>, %arg3: memref<32768xi32, #tpu.memory_space<hbm>>, %arg4: memref<4096x16xf32, #tpu.memory_space<hbm>>, %arg5: memref<4096x768xf32, #tpu.memory_space<hbm>>, %arg6: memref<2x64xi32, #tpu.memory_space<vmem>>, %arg7: memref<2x64x768xf32, #tpu.memory_space<vmem>>, %arg8: memref<128x16xf32, #tpu.memory_space<vmem>>, %arg9: memref<8x768xf32, #tpu.memory_space<vmem>>, %arg10: memref<!tpu.dma_semaphore, #tpu.memory_space<semaphore_mem>>, %arg11: memref<!tpu.dma_semaphore, #tpu.memory_space<semaphore_mem>>) attributes {dimension_semantics = [#tpu.dimension_semantics<core_parallel>, #tpu.dimension_semantics<subcore_parallel>], iteration_bounds = array<i64: 2, 16>, scalar_prefetch = 0 : i64, scratch_operands = 6 : i64, tpu.core_type = #tpu.core_type<sc_vector_subcore>, window_params = [{transform_indices = #map}, {transform_indices = #map1}, {transform_indices = #map}, {transform_indices = #map}]} {
    %mul3A = arith.constant 2 : i32
    %mul3A_0 = arith.muli %arg1, %mul3A : i32
    %add3A = arith.addi %mul3A_0, %arg0 : i32
    %mul3A_1 = arith.constant 128 : i32
    %mul3A_2 = arith.muli %add3A, %mul3A_1 : i32
    "tpu.region"() ({
      %run_scoped3A_40 = tpu.sem_alloc : memref<!tpu.dma_semaphore, #tpu.memory_space<semaphore_mem>>
      %dma_start3A_41 = arith.constant 0 : i32
      %dma_start3A_42 = tpu.memref_slice %arg4[%mul3A_2, %dma_start3A_41] : memref<4096x16xf32, #tpu.memory_space<hbm>> -> memref<128x16xf32, #tpu.memory_space<hbm>>
      %dma_start3A_43 = arith.constant 0 : i32
      %dma_start3A_44 = tpu.memref_slice %arg4[%mul3A_2, %dma_start3A_43] : memref<4096x16xf32, #tpu.memory_space<hbm>> -> memref<128x16xf32, #tpu.memory_space<hbm>>
      tpu.enqueue_dma source(%dma_start3A_44 : memref<128x16xf32, #tpu.memory_space<hbm>>) target(%arg8 : memref<128x16xf32, #tpu.memory_space<vmem>>) target_semaphore(%run_scoped3A_40 : memref<!tpu.dma_semaphore, #tpu.memory_space<semaphore_mem>>)
      %dma_wait3A = arith.constant 0 : i32
      %dma_wait3A_45 = tpu.memref_slice %arg4[%mul3A_2, %dma_wait3A] : memref<4096x16xf32, #tpu.memory_space<hbm>> -> memref<128x16xf32, #tpu.memory_space<hbm>>
      %dma_wait3A_46 = arith.constant 0 : i32
      %dma_wait3A_47 = tpu.memref_slice %arg4[%mul3A_2, %dma_wait3A_46] : memref<4096x16xf32, #tpu.memory_space<hbm>> -> memref<128x16xf32, #tpu.memory_space<hbm>>
      tpu.wait_dma2 semaphore(%run_scoped3A_40 : memref<!tpu.dma_semaphore, #tpu.memory_space<semaphore_mem>>) src(%dma_wait3A_47 : memref<128x16xf32, #tpu.memory_space<hbm>>) dst(%arg8 : memref<128x16xf32, #tpu.memory_space<vmem>>)
      tpu.yield
    }) : () -> ()
    %add3A_3 = arith.constant 0 : i32
    %add3A_4 = arith.addi %mul3A_2, %add3A_3 : i32
    %mul3A_5 = arith.constant 8 : i32
    %mul3A_6 = arith.muli %add3A_4, %mul3A_5 : i32
    %run_scoped3A = arith.constant 0 : i32
    "tpu.region"() ({
      %run_scoped3A_40 = tpu.sem_alloc : memref<!tpu.dma_semaphore, #tpu.memory_space<semaphore_mem>>
      %dma_start3A_41 = arith.constant 0 : i32
      %dma_start3A_42 = tpu.memref_slice %arg6[%run_scoped3A, %dma_start3A_41] : memref<2x64xi32, #tpu.memory_space<vmem>> -> memref<1x64xi32, #tpu.memory_space<vmem>>
      %dma_start3A_43 = tpu.memref_squeeze %dma_start3A_42 : memref<1x64xi32, #tpu.memory_space<vmem>> -> memref<64xi32, #tpu.memory_space<vmem>>
      %dma_start3A_44 = tpu.memref_slice %arg3[%mul3A_6] : memref<32768xi32, #tpu.memory_space<hbm>> -> memref<64xi32, #tpu.memory_space<hbm>>
      %dma_start3A_45 = arith.constant 0 : i32
      %dma_start3A_46 = tpu.memref_slice %arg6[%run_scoped3A, %dma_start3A_45] : memref<2x64xi32, #tpu.memory_space<vmem>> -> memref<1x64xi32, #tpu.memory_space<vmem>>
      %dma_start3A_47 = tpu.memref_squeeze %dma_start3A_46 : memref<1x64xi32, #tpu.memory_space<vmem>> -> memref<64xi32, #tpu.memory_space<vmem>>
      %dma_start3A_48 = tpu.memref_slice %arg3[%mul3A_6] : memref<32768xi32, #tpu.memory_space<hbm>> -> memref<64xi32, #tpu.memory_space<hbm>>
      tpu.enqueue_dma source(%dma_start3A_48 : memref<64xi32, #tpu.memory_space<hbm>>) target(%dma_start3A_47 : memref<64xi32, #tpu.memory_space<vmem>>) target_semaphore(%run_scoped3A_40 : memref<!tpu.dma_semaphore, #tpu.memory_space<semaphore_mem>>)
      %dma_wait3A = arith.constant 0 : i32
      %dma_wait3A_49 = tpu.memref_slice %arg6[%run_scoped3A, %dma_wait3A] : memref<2x64xi32, #tpu.memory_space<vmem>> -> memref<1x64xi32, #tpu.memory_space<vmem>>
      %dma_wait3A_50 = tpu.memref_squeeze %dma_wait3A_49 : memref<1x64xi32, #tpu.memory_space<vmem>> -> memref<64xi32, #tpu.memory_space<vmem>>
      %dma_wait3A_51 = tpu.memref_slice %arg3[%mul3A_6] : memref<32768xi32, #tpu.memory_space<hbm>> -> memref<64xi32, #tpu.memory_space<hbm>>
      %dma_wait3A_52 = arith.constant 0 : i32
      %dma_wait3A_53 = tpu.memref_slice %arg6[%run_scoped3A, %dma_wait3A_52] : memref<2x64xi32, #tpu.memory_space<vmem>> -> memref<1x64xi32, #tpu.memory_space<vmem>>
      %dma_wait3A_54 = tpu.memref_squeeze %dma_wait3A_53 : memref<1x64xi32, #tpu.memory_space<vmem>> -> memref<64xi32, #tpu.memory_space<vmem>>
      %dma_wait3A_55 = tpu.memref_slice %arg3[%mul3A_6] : memref<32768xi32, #tpu.memory_space<hbm>> -> memref<64xi32, #tpu.memory_space<hbm>>
      tpu.wait_dma2 semaphore(%run_scoped3A_40 : memref<!tpu.dma_semaphore, #tpu.memory_space<semaphore_mem>>) src(%dma_wait3A_55 : memref<64xi32, #tpu.memory_space<hbm>>) dst(%dma_wait3A_54 : memref<64xi32, #tpu.memory_space<vmem>>)
      tpu.yield
    }) : () -> ()
    %dma_start3A = arith.constant 0 : i32
    %dma_start3A_7 = arith.constant 0 : i32
    %dma_start3A_8 = arith.constant 0 : i32
    %dma_start3A_9 = arith.constant 0 : i32
    %dma_start3A_10 = tpu.memref_slice %arg7[%dma_start3A_7, %dma_start3A_8, %dma_start3A_9] : memref<2x64x768xf32, #tpu.memory_space<vmem>> -> memref<1x64x768xf32, #tpu.memory_space<vmem>>
    %dma_start3A_11 = tpu.memref_squeeze %dma_start3A_10 : memref<1x64x768xf32, #tpu.memory_space<vmem>> -> memref<64x768xf32, #tpu.memory_space<vmem>>
    %dma_start3A_12 = arith.constant 0 : i32
    %dma_start3A_13 = tpu.memref_slice %arg6[%dma_start3A, %dma_start3A_12] : memref<2x64xi32, #tpu.memory_space<vmem>> -> memref<1x64xi32, #tpu.memory_space<vmem>>
    %dma_start3A_14 = tpu.memref_squeeze %dma_start3A_13 : memref<1x64xi32, #tpu.memory_space<vmem>> -> memref<64xi32, #tpu.memory_space<vmem>>
    %dma_start3A_15 = arith.constant 0 : i32
    %dma_start3A_16 = arith.constant 0 : i32
    %dma_start3A_17 = tpu.memref_slice %arg2[%dma_start3A_15, %dma_start3A_16] : memref<4096x768xf32, #tpu.memory_space<hbm>> -> memref<4096x768xf32, #tpu.memory_space<hbm>>
    tpu.enqueue_indirect_dma source(%dma_start3A_17 : memref<4096x768xf32, #tpu.memory_space<hbm>>) target(%dma_start3A_11 : memref<64x768xf32, #tpu.memory_space<vmem>>) offsets(%dma_start3A_14 : memref<64xi32, #tpu.memory_space<vmem>>) semaphore(%arg10 : memref<!tpu.dma_semaphore, #tpu.memory_space<semaphore_mem>>)
    %add3A_18 = arith.constant 8 : i32
    %add3A_19 = arith.addi %mul3A_2, %add3A_18 : i32
    %mul3A_20 = arith.constant 8 : i32
    %mul3A_21 = arith.muli %add3A_19, %mul3A_20 : i32
    %run_scoped3A_22 = arith.constant 1 : i32
    "tpu.region"() ({
      %run_scoped3A_40 = tpu.sem_alloc : memref<!tpu.dma_semaphore, #tpu.memory_space<semaphore_mem>>
      %dma_start3A_41 = arith.constant 0 : i32
      %dma_start3A_42 = tpu.memref_slice %arg6[%run_scoped3A_22, %dma_start3A_41] : memref<2x64xi32, #tpu.memory_space<vmem>> -> memref<1x64xi32, #tpu.memory_space<vmem>>
      %dma_start3A_43 = tpu.memref_squeeze %dma_start3A_42 : memref<1x64xi32, #tpu.memory_space<vmem>> -> memref<64xi32, #tpu.memory_space<vmem>>
      %dma_start3A_44 = tpu.memref_slice %arg3[%mul3A_21] : memref<32768xi32, #tpu.memory_space<hbm>> -> memref<64xi32, #tpu.memory_space<hbm>>
      %dma_start3A_45 = arith.constant 0 : i32
      %dma_start3A_46 = tpu.memref_slice %arg6[%run_scoped3A_22, %dma_start3A_45] : memref<2x64xi32, #tpu.memory_space<vmem>> -> memref<1x64xi32, #tpu.memory_space<vmem>>
      %dma_start3A_47 = tpu.memref_squeeze %dma_start3A_46 : memref<1x64xi32, #tpu.memory_space<vmem>> -> memref<64xi32, #tpu.memory_space<vmem>>
      %dma_start3A_48 = tpu.memref_slice %arg3[%mul3A_21] : memref<32768xi32, #tpu.memory_space<hbm>> -> memref<64xi32, #tpu.memory_space<hbm>>
      tpu.enqueue_dma source(%dma_start3A_48 : memref<64xi32, #tpu.memory_space<hbm>>) target(%dma_start3A_47 : memref<64xi32, #tpu.memory_space<vmem>>) target_semaphore(%run_scoped3A_40 : memref<!tpu.dma_semaphore, #tpu.memory_space<semaphore_mem>>)
      %dma_wait3A = arith.constant 0 : i32
      %dma_wait3A_49 = tpu.memref_slice %arg6[%run_scoped3A_22, %dma_wait3A] : memref<2x64xi32, #tpu.memory_space<vmem>> -> memref<1x64xi32, #tpu.memory_space<vmem>>
      %dma_wait3A_50 = tpu.memref_squeeze %dma_wait3A_49 : memref<1x64xi32, #tpu.memory_space<vmem>> -> memref<64xi32, #tpu.memory_space<vmem>>
      %dma_wait3A_51 = tpu.memref_slice %arg3[%mul3A_21] : memref<32768xi32, #tpu.memory_space<hbm>> -> memref<64xi32, #tpu.memory_space<hbm>>
      %dma_wait3A_52 = arith.constant 0 : i32
      %dma_wait3A_53 = tpu.memref_slice %arg6[%run_scoped3A_22, %dma_wait3A_52] : memref<2x64xi32, #tpu.memory_space<vmem>> -> memref<1x64xi32, #tpu.memory_space<vmem>>
      %dma_wait3A_54 = tpu.memref_squeeze %dma_wait3A_53 : memref<1x64xi32, #tpu.memory_space<vmem>> -> memref<64xi32, #tpu.memory_space<vmem>>
      %dma_wait3A_55 = tpu.memref_slice %arg3[%mul3A_21] : memref<32768xi32, #tpu.memory_space<hbm>> -> memref<64xi32, #tpu.memory_space<hbm>>
      tpu.wait_dma2 semaphore(%run_scoped3A_40 : memref<!tpu.dma_semaphore, #tpu.memory_space<semaphore_mem>>) src(%dma_wait3A_55 : memref<64xi32, #tpu.memory_space<hbm>>) dst(%dma_wait3A_54 : memref<64xi32, #tpu.memory_space<vmem>>)
      tpu.yield
    }) : () -> ()
    %dma_start3A_23 = arith.constant 1 : i32
    %dma_start3A_24 = arith.constant 1 : i32
    %dma_start3A_25 = arith.constant 0 : i32
    %dma_start3A_26 = arith.constant 0 : i32
    %dma_start3A_27 = tpu.memref_slice %arg7[%dma_start3A_24, %dma_start3A_25, %dma_start3A_26] : memref<2x64x768xf32, #tpu.memory_space<vmem>> -> memref<1x64x768xf32, #tpu.memory_space<vmem>>
    %dma_start3A_28 = tpu.memref_squeeze %dma_start3A_27 : memref<1x64x768xf32, #tpu.memory_space<vmem>> -> memref<64x768xf32, #tpu.memory_space<vmem>>
    %dma_start3A_29 = arith.constant 0 : i32
    %dma_start3A_30 = tpu.memref_slice %arg6[%dma_start3A_23, %dma_start3A_29] : memref<2x64xi32, #tpu.memory_space<vmem>> -> memref<1x64xi32, #tpu.memory_space<vmem>>
    %dma_start3A_31 = tpu.memref_squeeze %dma_start3A_30 : memref<1x64xi32, #tpu.memory_space<vmem>> -> memref<64xi32, #tpu.memory_space<vmem>>
    %dma_start3A_32 = arith.constant 0 : i32
    %dma_start3A_33 = arith.constant 0 : i32
    %dma_start3A_34 = tpu.memref_slice %arg2[%dma_start3A_32, %dma_start3A_33] : memref<4096x768xf32, #tpu.memory_space<hbm>> -> memref<4096x768xf32, #tpu.memory_space<hbm>>
    tpu.enqueue_indirect_dma source(%dma_start3A_34 : memref<4096x768xf32, #tpu.memory_space<hbm>>) target(%dma_start3A_28 : memref<64x768xf32, #tpu.memory_space<vmem>>) offsets(%dma_start3A_31 : memref<64xi32, #tpu.memory_space<vmem>>) semaphore(%arg11 : memref<!tpu.dma_semaphore, #tpu.memory_space<semaphore_mem>>)
    %scan3A = arith.constant 0 : i32
    %scan3A_35 = arith.constant 0 : i32
    %scan3A_36 = arith.constant 8 : i32
    %scan3A_37 = arith.addi %scan3A_35, %scan3A_36 : i32
    %scan3A_38 = arith.constant 1 : i32
    scf.for %scan3A_40 = %scan3A_35 to %scan3A_37 step %scan3A_38  : i32 {
      %mul3A_41 = arith.constant 2 : i32
      %mul3A_42 = arith.muli %mul3A_41, %scan3A_40 : i32
      %add3A_43 = arith.constant 0 : i32
      %add3A_44 = arith.addi %mul3A_42, %add3A_43 : i32
      %dma_wait3A = arith.constant 0 : i32
      %dma_wait3A_45 = arith.constant 0 : i32
      %dma_wait3A_46 = arith.constant 0 : i32
      %dma_wait3A_47 = arith.constant 0 : i32
      %dma_wait3A_48 = tpu.memref_slice %arg7[%dma_wait3A_45, %dma_wait3A_46, %dma_wait3A_47] : memref<2x64x768xf32, #tpu.memory_space<vmem>> -> memref<1x64x768xf32, #tpu.memory_space<vmem>>
      %dma_wait3A_49 = tpu.memref_squeeze %dma_wait3A_48 : memref<1x64x768xf32, #tpu.memory_space<vmem>> -> memref<64x768xf32, #tpu.memory_space<vmem>>
      %dma_wait3A_50 = arith.constant 0 : i32
      %dma_wait3A_51 = tpu.memref_slice %arg6[%dma_wait3A, %dma_wait3A_50] : memref<2x64xi32, #tpu.memory_space<vmem>> -> memref<1x64xi32, #tpu.memory_space<vmem>>
      %dma_wait3A_52 = tpu.memref_squeeze %dma_wait3A_51 : memref<1x64xi32, #tpu.memory_space<vmem>> -> memref<64xi32, #tpu.memory_space<vmem>>
      %dma_wait3A_53 = arith.constant 0 : i32
      %dma_wait3A_54 = arith.constant 0 : i32
      %dma_wait3A_55 = tpu.memref_slice %arg2[%dma_wait3A_53, %dma_wait3A_54] : memref<4096x768xf32, #tpu.memory_space<hbm>> -> memref<4096x768xf32, #tpu.memory_space<hbm>>
      tpu.wait_indirect_dma semaphore(%arg10 : memref<!tpu.dma_semaphore, #tpu.memory_space<semaphore_mem>>) src(%dma_wait3A_55 : memref<4096x768xf32, #tpu.memory_space<hbm>>) dst(%dma_wait3A_49 : memref<64x768xf32, #tpu.memory_space<vmem>>)
      %scan3A_56 = arith.constant 0 : i32
      %scan3A_57 = arith.constant 0 : i32
      %scan3A_58 = arith.constant 8 : i32
      %scan3A_59 = arith.addi %scan3A_57, %scan3A_58 : i32
      %scan3A_60 = arith.constant 1 : i32
      scf.for %scan3A_101 = %scan3A_57 to %scan3A_59 step %scan3A_60  : i32 {
        %mul3A_102 = arith.constant 8 : i32
        %mul3A_103 = arith.muli %add3A_44, %mul3A_102 : i32
        %add3A_104 = arith.addi %mul3A_103, %scan3A_101 : i32
        %get3A = arith.index_cast %add3A_104 : i32 to index
        %get3A_105 = arith.constant 0 : index
        %get3A_106 = tpu.vector_load %arg8[%get3A, %get3A_105] {strides = array<i32>} : memref<128x16xf32, #tpu.memory_space<vmem>>, vector<1x16xf32>,
        %get3A_107 = vector.shape_cast %get3A_106 : vector<1x16xf32> to vector<16xf32>
        %broadcast_in_dim3A = arith.constant 0 : i32
        %broadcast_in_dim3A_108 = vector.broadcast %broadcast_in_dim3A : i32 to vector<16xi32>
        %lt3A_109 = arith.constant 0 : i32
        %lt3A_110 = vector.broadcast %lt3A_109 : i32 to vector<16xi32>
        %lt3A_111 = arith.cmpi slt, %broadcast_in_dim3A_108, %lt3A_110 : vector<16xi32>
        %add3A_112 = arith.constant 16 : i32
        %add3A_113 = vector.broadcast %add3A_112 : i32 to vector<16xi32>
        %add3A_114 = arith.addi %broadcast_in_dim3A_108, %add3A_113 : vector<16xi32>
        %select_n3A = arith.select %lt3A_111, %add3A_114, %broadcast_in_dim3A_108 : vector<16xi1>, vector<16xi32>
        %broadcast_in_dim3A_115 = vector.shape_cast %select_n3A : vector<16xi32> to vector<16x1xi32>
        %gather3A = vector.shape_cast %broadcast_in_dim3A_115 : vector<16x1xi32> to vector<16xi32>
        %gather3A_116 = tpu.dynamic_gather %get3A_107[%gather3A] in [0] : vector<16xf32>, vector<16xi32> -> vector<16xf32>
        %broadcast_in_dim3A_117 = arith.constant 1 : i32
        %broadcast_in_dim3A_118 = vector.broadcast %broadcast_in_dim3A_117 : i32 to vector<16xi32>
        %lt3A_119 = arith.constant 0 : i32
        %lt3A_120 = vector.broadcast %lt3A_119 : i32 to vector<16xi32>
        %lt3A_121 = arith.cmpi slt, %broadcast_in_dim3A_118, %lt3A_120 : vector<16xi32>
        %add3A_122 = arith.constant 16 : i32
        %add3A_123 = vector.broadcast %add3A_122 : i32 to vector<16xi32>
        %add3A_124 = arith.addi %broadcast_in_dim3A_118, %add3A_123 : vector<16xi32>
        %select_n3A_125 = arith.select %lt3A_121, %add3A_124, %broadcast_in_dim3A_118 : vector<16xi1>, vector<16xi32>
        %broadcast_in_dim3A_126 = vector.shape_cast %select_n3A_125 : vector<16xi32> to vector<16x1xi32>
        %gather3A_127 = vector.shape_cast %broadcast_in_dim3A_126 : vector<16x1xi32> to vector<16xi32>
        %gather3A_128 = tpu.dynamic_gather %get3A_107[%gather3A_127] in [0] : vector<16xf32>, vector<16xi32> -> vector<16xf32>
        %broadcast_in_dim3A_129 = arith.constant 2 : i32
        %broadcast_in_dim3A_130 = vector.broadcast %broadcast_in_dim3A_129 : i32 to vector<16xi32>
        %lt3A_131 = arith.constant 0 : i32
        %lt3A_132 = vector.broadcast %lt3A_131 : i32 to vector<16xi32>
        %lt3A_133 = arith.cmpi slt, %broadcast_in_dim3A_130, %lt3A_132 : vector<16xi32>
        %add3A_134 = arith.constant 16 : i32
        %add3A_135 = vector.broadcast %add3A_134 : i32 to vector<16xi32>
        %add3A_136 = arith.addi %broadcast_in_dim3A_130, %add3A_135 : vector<16xi32>
        %select_n3A_137 = arith.select %lt3A_133, %add3A_136, %broadcast_in_dim3A_130 : vector<16xi1>, vector<16xi32>
        %broadcast_in_dim3A_138 = vector.shape_cast %select_n3A_137 : vector<16xi32> to vector<16x1xi32>
        %gather3A_139 = vector.shape_cast %broadcast_in_dim3A_138 : vector<16x1xi32> to vector<16xi32>
        %gather3A_140 = tpu.dynamic_gather %get3A_107[%gather3A_139] in [0] : vector<16xf32>, vector<16xi32> -> vector<16xf32>
        %broadcast_in_dim3A_141 = arith.constant 3 : i32
        %broadcast_in_dim3A_142 = vector.broadcast %broadcast_in_dim3A_141 : i32 to vector<16xi32>
        %lt3A_143 = arith.constant 0 : i32
        %lt3A_144 = vector.broadcast %lt3A_143 : i32 to vector<16xi32>
        %lt3A_145 = arith.cmpi slt, %broadcast_in_dim3A_142, %lt3A_144 : vector<16xi32>
        %add3A_146 = arith.constant 16 : i32
        %add3A_147 = vector.broadcast %add3A_146 : i32 to vector<16xi32>
        %add3A_148 = arith.addi %broadcast_in_dim3A_142, %add3A_147 : vector<16xi32>
        %select_n3A_149 = arith.select %lt3A_145, %add3A_148, %broadcast_in_dim3A_142 : vector<16xi1>, vector<16xi32>
        %broadcast_in_dim3A_150 = vector.shape_cast %select_n3A_149 : vector<16xi32> to vector<16x1xi32>
        %gather3A_151 = vector.shape_cast %broadcast_in_dim3A_150 : vector<16x1xi32> to vector<16xi32>
        %gather3A_152 = tpu.dynamic_gather %get3A_107[%gather3A_151] in [0] : vector<16xf32>, vector<16xi32> -> vector<16xf32>
        %broadcast_in_dim3A_153 = arith.constant 4 : i32
        %broadcast_in_dim3A_154 = vector.broadcast %broadcast_in_dim3A_153 : i32 to vector<16xi32>
        %lt3A_155 = arith.constant 0 : i32
        %lt3A_156 = vector.broadcast %lt3A_155 : i32 to vector<16xi32>
        %lt3A_157 = arith.cmpi slt, %broadcast_in_dim3A_154, %lt3A_156 : vector<16xi32>
        %add3A_158 = arith.constant 16 : i32
        %add3A_159 = vector.broadcast %add3A_158 : i32 to vector<16xi32>
        %add3A_160 = arith.addi %broadcast_in_dim3A_154, %add3A_159 : vector<16xi32>
        %select_n3A_161 = arith.select %lt3A_157, %add3A_160, %broadcast_in_dim3A_154 : vector<16xi1>, vector<16xi32>
        %broadcast_in_dim3A_162 = vector.shape_cast %select_n3A_161 : vector<16xi32> to vector<16x1xi32>
        %gather3A_163 = vector.shape_cast %broadcast_in_dim3A_162 : vector<16x1xi32> to vector<16xi32>
        %gather3A_164 = tpu.dynamic_gather %get3A_107[%gather3A_163] in [0] : vector<16xf32>, vector<16xi32> -> vector<16xf32>
        %broadcast_in_dim3A_165 = arith.constant 5 : i32
        %broadcast_in_dim3A_166 = vector.broadcast %broadcast_in_dim3A_165 : i32 to vector<16xi32>
        %lt3A_167 = arith.constant 0 : i32
        %lt3A_168 = vector.broadcast %lt3A_167 : i32 to vector<16xi32>
        %lt3A_169 = arith.cmpi slt, %broadcast_in_dim3A_166, %lt3A_168 : vector<16xi32>
        %add3A_170 = arith.constant 16 : i32
        %add3A_171 = vector.broadcast %add3A_170 : i32 to vector<16xi32>
        %add3A_172 = arith.addi %broadcast_in_dim3A_166, %add3A_171 : vector<16xi32>
        %select_n3A_173 = arith.select %lt3A_169, %add3A_172, %broadcast_in_dim3A_166 : vector<16xi1>, vector<16xi32>
        %broadcast_in_dim3A_174 = vector.shape_cast %select_n3A_173 : vector<16xi32> to vector<16x1xi32>
        %gather3A_175 = vector.shape_cast %broadcast_in_dim3A_174 : vector<16x1xi32> to vector<16xi32>
        %gather3A_176 = tpu.dynamic_gather %get3A_107[%gather3A_175] in [0] : vector<16xf32>, vector<16xi32> -> vector<16xf32>
        %broadcast_in_dim3A_177 = arith.constant 6 : i32
        %broadcast_in_dim3A_178 = vector.broadcast %broadcast_in_dim3A_177 : i32 to vector<16xi32>
        %lt3A_179 = arith.constant 0 : i32
        %lt3A_180 = vector.broadcast %lt3A_179 : i32 to vector<16xi32>
        %lt3A_181 = arith.cmpi slt, %broadcast_in_dim3A_178, %lt3A_180 : vector<16xi32>
        %add3A_182 = arith.constant 16 : i32
        %add3A_183 = vector.broadcast %add3A_182 : i32 to vector<16xi32>
        %add3A_184 = arith.addi %broadcast_in_dim3A_178, %add3A_183 : vector<16xi32>
        %select_n3A_185 = arith.select %lt3A_181, %add3A_184, %broadcast_in_dim3A_178 : vector<16xi1>, vector<16xi32>
        %broadcast_in_dim3A_186 = vector.shape_cast %select_n3A_185 : vector<16xi32> to vector<16x1xi32>
        %gather3A_187 = vector.shape_cast %broadcast_in_dim3A_186 : vector<16x1xi32> to vector<16xi32>
        %gather3A_188 = tpu.dynamic_gather %get3A_107[%gather3A_187] in [0] : vector<16xf32>, vector<16xi32> -> vector<16xf32>
        %broadcast_in_dim3A_189 = arith.constant 7 : i32
        %broadcast_in_dim3A_190 = vector.broadcast %broadcast_in_dim3A_189 : i32 to vector<16xi32>
        %lt3A_191 = arith.constant 0 : i32
        %lt3A_192 = vector.broadcast %lt3A_191 : i32 to vector<16xi32>
        %lt3A_193 = arith.cmpi slt, %broadcast_in_dim3A_190, %lt3A_192 : vector<16xi32>
        %add3A_194 = arith.constant 16 : i32
        %add3A_195 = vector.broadcast %add3A_194 : i32 to vector<16xi32>
        %add3A_196 = arith.addi %broadcast_in_dim3A_190, %add3A_195 : vector<16xi32>
        %select_n3A_197 = arith.select %lt3A_193, %add3A_196, %broadcast_in_dim3A_190 : vector<16xi1>, vector<16xi32>
        %broadcast_in_dim3A_198 = vector.shape_cast %select_n3A_197 : vector<16xi32> to vector<16x1xi32>
        %gather3A_199 = vector.shape_cast %broadcast_in_dim3A_198 : vector<16x1xi32> to vector<16xi32>
        %gather3A_200 = tpu.dynamic_gather %get3A_107[%gather3A_199] in [0] : vector<16xf32>, vector<16xi32> -> vector<16xf32>
        %scan3A_201 = arith.constant 0 : i32
        %scan3A_202 = arith.constant 12 : i32
        %scan3A_203 = arith.addi %scan3A_201, %scan3A_202 : i32
        %scan3A_204 = arith.constant 1 : i32
        scf.for %scan3A_206 = %scan3A_201 to %scan3A_203 step %scan3A_204  : i32 {
          %mul3A_207 = arith.constant 64 : i32
          %mul3A_208 = arith.muli %scan3A_206, %mul3A_207 : i32
          %add3A_209 = arith.constant 0 : i32
          %add3A_210 = arith.addi %mul3A_208, %add3A_209 : i32
          %mul3A_211 = arith.constant 8 : i32
          %mul3A_212 = arith.muli %scan3A_101, %mul3A_211 : i32
          %get3A_213 = arith.constant 0 : i32
          %get3A_214 = arith.index_cast %get3A_213 : i32 to index
          %get3A_215 = arith.index_cast %mul3A_212 : i32 to index
          %get3A_216 = arith.index_cast %add3A_210 : i32 to index
          %get3A_217 = tpu.vector_load %arg7[%get3A_214, %get3A_215, %get3A_216] {strides = array<i32>} : memref<2x64x768xf32, #tpu.memory_space<vmem>>, vector<1x1x16xf32>,
          %get3A_218 = vector.shape_cast %get3A_217 : vector<1x1x16xf32> to vector<16xf32>
          %mul3A_219 = arith.mulf %gather3A_116, %get3A_218 : vector<16xf32>
          %mul3A_220 = arith.constant 8 : i32
          %mul3A_221 = arith.muli %scan3A_101, %mul3A_220 : i32
          %add3A_222 = arith.constant 1 : i32
          %add3A_223 = arith.addi %mul3A_221, %add3A_222 : i32
          %get3A_224 = arith.constant 0 : i32
          %get3A_225 = arith.index_cast %get3A_224 : i32 to index
          %get3A_226 = arith.index_cast %add3A_223 : i32 to index
          %get3A_227 = arith.index_cast %add3A_210 : i32 to index
          %get3A_228 = tpu.vector_load %arg7[%get3A_225, %get3A_226, %get3A_227] {strides = array<i32>} : memref<2x64x768xf32, #tpu.memory_space<vmem>>, vector<1x1x16xf32>,
          %get3A_229 = vector.shape_cast %get3A_228 : vector<1x1x16xf32> to vector<16xf32>
          %mul3A_230 = arith.mulf %gather3A_128, %get3A_229 : vector<16xf32>
          %add3A_231 = arith.addf %mul3A_219, %mul3A_230 : vector<16xf32>
          %mul3A_232 = arith.constant 8 : i32
          %mul3A_233 = arith.muli %scan3A_101, %mul3A_232 : i32
          %add3A_234 = arith.constant 2 : i32
          %add3A_235 = arith.addi %mul3A_233, %add3A_234 : i32
          %get3A_236 = arith.constant 0 : i32
          %get3A_237 = arith.index_cast %get3A_236 : i32 to index
          %get3A_238 = arith.index_cast %add3A_235 : i32 to index
          %get3A_239 = arith.index_cast %add3A_210 : i32 to index
          %get3A_240 = tpu.vector_load %arg7[%get3A_237, %get3A_238, %get3A_239] {strides = array<i32>} : memref<2x64x768xf32, #tpu.memory_space<vmem>>, vector<1x1x16xf32>,
          %get3A_241 = vector.shape_cast %get3A_240 : vector<1x1x16xf32> to vector<16xf32>
          %mul3A_242 = arith.mulf %gather3A_140, %get3A_241 : vector<16xf32>
          %add3A_243 = arith.addf %add3A_231, %mul3A_242 : vector<16xf32>
          %mul3A_244 = arith.constant 8 : i32
          %mul3A_245 = arith.muli %scan3A_101, %mul3A_244 : i32
          %add3A_246 = arith.constant 3 : i32
          %add3A_247 = arith.addi %mul3A_245, %add3A_246 : i32
          %get3A_248 = arith.constant 0 : i32
          %get3A_249 = arith.index_cast %get3A_248 : i32 to index
          %get3A_250 = arith.index_cast %add3A_247 : i32 to index
          %get3A_251 = arith.index_cast %add3A_210 : i32 to index
          %get3A_252 = tpu.vector_load %arg7[%get3A_249, %get3A_250, %get3A_251] {strides = array<i32>} : memref<2x64x768xf32, #tpu.memory_space<vmem>>, vector<1x1x16xf32>,
          %get3A_253 = vector.shape_cast %get3A_252 : vector<1x1x16xf32> to vector<16xf32>
          %mul3A_254 = arith.mulf %gather3A_152, %get3A_253 : vector<16xf32>
          %add3A_255 = arith.addf %add3A_243, %mul3A_254 : vector<16xf32>
          %mul3A_256 = arith.constant 8 : i32
          %mul3A_257 = arith.muli %scan3A_101, %mul3A_256 : i32
          %add3A_258 = arith.constant 4 : i32
          %add3A_259 = arith.addi %mul3A_257, %add3A_258 : i32
          %get3A_260 = arith.constant 0 : i32
          %get3A_261 = arith.index_cast %get3A_260 : i32 to index
          %get3A_262 = arith.index_cast %add3A_259 : i32 to index
          %get3A_263 = arith.index_cast %add3A_210 : i32 to index
          %get3A_264 = tpu.vector_load %arg7[%get3A_261, %get3A_262, %get3A_263] {strides = array<i32>} : memref<2x64x768xf32, #tpu.memory_space<vmem>>, vector<1x1x16xf32>,
          %get3A_265 = vector.shape_cast %get3A_264 : vector<1x1x16xf32> to vector<16xf32>
          %mul3A_266 = arith.mulf %gather3A_164, %get3A_265 : vector<16xf32>
          %add3A_267 = arith.addf %add3A_255, %mul3A_266 : vector<16xf32>
          %mul3A_268 = arith.constant 8 : i32
          %mul3A_269 = arith.muli %scan3A_101, %mul3A_268 : i32
          %add3A_270 = arith.constant 5 : i32
          %add3A_271 = arith.addi %mul3A_269, %add3A_270 : i32
          %get3A_272 = arith.constant 0 : i32
          %get3A_273 = arith.index_cast %get3A_272 : i32 to index
          %get3A_274 = arith.index_cast %add3A_271 : i32 to index
          %get3A_275 = arith.index_cast %add3A_210 : i32 to index
          %get3A_276 = tpu.vector_load %arg7[%get3A_273, %get3A_274, %get3A_275] {strides = array<i32>} : memref<2x64x768xf32, #tpu.memory_space<vmem>>, vector<1x1x16xf32>,
          %get3A_277 = vector.shape_cast %get3A_276 : vector<1x1x16xf32> to vector<16xf32>
          %mul3A_278 = arith.mulf %gather3A_176, %get3A_277 : vector<16xf32>
          %add3A_279 = arith.addf %add3A_267, %mul3A_278 : vector<16xf32>
          %mul3A_280 = arith.constant 8 : i32
          %mul3A_281 = arith.muli %scan3A_101, %mul3A_280 : i32
          %add3A_282 = arith.constant 6 : i32
          %add3A_283 = arith.addi %mul3A_281, %add3A_282 : i32
          %get3A_284 = arith.constant 0 : i32
          %get3A_285 = arith.index_cast %get3A_284 : i32 to index
          %get3A_286 = arith.index_cast %add3A_283 : i32 to index
          %get3A_287 = arith.index_cast %add3A_210 : i32 to index
          %get3A_288 = tpu.vector_load %arg7[%get3A_285, %get3A_286, %get3A_287] {strides = array<i32>} : memref<2x64x768xf32, #tpu.memory_space<vmem>>, vector<1x1x16xf32>,
          %get3A_289 = vector.shape_cast %get3A_288 : vector<1x1x16xf32> to vector<16xf32>
          %mul3A_290 = arith.mulf %gather3A_188, %get3A_289 : vector<16xf32>
          %add3A_291 = arith.addf %add3A_279, %mul3A_290 : vector<16xf32>
          %mul3A_292 = arith.constant 8 : i32
          %mul3A_293 = arith.muli %scan3A_101, %mul3A_292 : i32
          %add3A_294 = arith.constant 7 : i32
          %add3A_295 = arith.addi %mul3A_293, %add3A_294 : i32
          %get3A_296 = arith.constant 0 : i32
          %get3A_297 = arith.index_cast %get3A_296 : i32 to index
          %get3A_298 = arith.index_cast %add3A_295 : i32 to index
          %get3A_299 = arith.index_cast %add3A_210 : i32 to index
          %get3A_300 = tpu.vector_load %arg7[%get3A_297, %get3A_298, %get3A_299] {strides = array<i32>} : memref<2x64x768xf32, #tpu.memory_space<vmem>>, vector<1x1x16xf32>,
          %get3A_301 = vector.shape_cast %get3A_300 : vector<1x1x16xf32> to vector<16xf32>
          %mul3A_302 = arith.mulf %gather3A_200, %get3A_301 : vector<16xf32>
          %add3A_303 = arith.addf %add3A_291, %mul3A_302 : vector<16xf32>
          %swap3A = arith.index_cast %scan3A_101 : i32 to index
          %swap3A_304 = arith.index_cast %add3A_210 : i32 to index
          %swap3A_305 = tpu.vector_load %arg9[%swap3A, %swap3A_304] {strides = array<i32>} : memref<8x768xf32, #tpu.memory_space<vmem>>, vector<1x16xf32>,
          %swap3A_306 = vector.shape_cast %swap3A_305 : vector<1x16xf32> to vector<16xf32>
          %swap3A_307 = vector.shape_cast %add3A_303 : vector<16xf32> to vector<1x16xf32>
          tpu.vector_store %arg9[%swap3A, %swap3A_304], %swap3A_307 {strides = array<i32>} : memref<8x768xf32, #tpu.memory_space<vmem>>, vector<1x16xf32>,
          %mul3A_308 = arith.constant 64 : i32
          %mul3A_309 = arith.muli %scan3A_206, %mul3A_308 : i32
          %add3A_310 = arith.constant 16 : i32
          %add3A_311 = arith.addi %mul3A_309, %add3A_310 : i32
          %mul3A_312 = arith.constant 8 : i32
          %mul3A_313 = arith.muli %scan3A_101, %mul3A_312 : i32
          %get3A_314 = arith.constant 0 : i32
          %get3A_315 = arith.index_cast %get3A_314 : i32 to index
          %get3A_316 = arith.index_cast %mul3A_313 : i32 to index
          %get3A_317 = arith.index_cast %add3A_311 : i32 to index
          %get3A_318 = tpu.vector_load %arg7[%get3A_315, %get3A_316, %get3A_317] {strides = array<i32>} : memref<2x64x768xf32, #tpu.memory_space<vmem>>, vector<1x1x16xf32>,
          %get3A_319 = vector.shape_cast %get3A_318 : vector<1x1x16xf32> to vector<16xf32>
          %mul3A_320 = arith.mulf %gather3A_116, %get3A_319 : vector<16xf32>
          %mul3A_321 = arith.constant 8 : i32
          %mul3A_322 = arith.muli %scan3A_101, %mul3A_321 : i32
          %add3A_323 = arith.constant 1 : i32
          %add3A_324 = arith.addi %mul3A_322, %add3A_323 : i32
          %get3A_325 = arith.constant 0 : i32
          %get3A_326 = arith.index_cast %get3A_325 : i32 to index
          %get3A_327 = arith.index_cast %add3A_324 : i32 to index
          %get3A_328 = arith.index_cast %add3A_311 : i32 to index
          %get3A_329 = tpu.vector_load %arg7[%get3A_326, %get3A_327, %get3A_328] {strides = array<i32>} : memref<2x64x768xf32, #tpu.memory_space<vmem>>, vector<1x1x16xf32>,
          %get3A_330 = vector.shape_cast %get3A_329 : vector<1x1x16xf32> to vector<16xf32>
          %mul3A_331 = arith.mulf %gather3A_128, %get3A_330 : vector<16xf32>
          %add3A_332 = arith.addf %mul3A_320, %mul3A_331 : vector<16xf32>
          %mul3A_333 = arith.constant 8 : i32
          %mul3A_334 = arith.muli %scan3A_101, %mul3A_333 : i32
          %add3A_335 = arith.constant 2 : i32
          %add3A_336 = arith.addi %mul3A_334, %add3A_335 : i32
          %get3A_337 = arith.constant 0 : i32
          %get3A_338 = arith.index_cast %get3A_337 : i32 to index
          %get3A_339 = arith.index_cast %add3A_336 : i32 to index
          %get3A_340 = arith.index_cast %add3A_311 : i32 to index
          %get3A_341 = tpu.vector_load %arg7[%get3A_338, %get3A_339, %get3A_340] {strides = array<i32>} : memref<2x64x768xf32, #tpu.memory_space<vmem>>, vector<1x1x16xf32>,
          %get3A_342 = vector.shape_cast %get3A_341 : vector<1x1x16xf32> to vector<16xf32>
          %mul3A_343 = arith.mulf %gather3A_140, %get3A_342 : vector<16xf32>
          %add3A_344 = arith.addf %add3A_332, %mul3A_343 : vector<16xf32>
          %mul3A_345 = arith.constant 8 : i32
          %mul3A_346 = arith.muli %scan3A_101, %mul3A_345 : i32
          %add3A_347 = arith.constant 3 : i32
          %add3A_348 = arith.addi %mul3A_346, %add3A_347 : i32
          %get3A_349 = arith.constant 0 : i32
          %get3A_350 = arith.index_cast %get3A_349 : i32 to index
          %get3A_351 = arith.index_cast %add3A_348 : i32 to index
          %get3A_352 = arith.index_cast %add3A_311 : i32 to index
          %get3A_353 = tpu.vector_load %arg7[%get3A_350, %get3A_351, %get3A_352] {strides = array<i32>} : memref<2x64x768xf32, #tpu.memory_space<vmem>>, vector<1x1x16xf32>,
          %get3A_354 = vector.shape_cast %get3A_353 : vector<1x1x16xf32> to vector<16xf32>
          %mul3A_355 = arith.mulf %gather3A_152, %get3A_354 : vector<16xf32>
          %add3A_356 = arith.addf %add3A_344, %mul3A_355 : vector<16xf32>
          %mul3A_357 = arith.constant 8 : i32
          %mul3A_358 = arith.muli %scan3A_101, %mul3A_357 : i32
          %add3A_359 = arith.constant 4 : i32
          %add3A_360 = arith.addi %mul3A_358, %add3A_359 : i32
          %get3A_361 = arith.constant 0 : i32
          %get3A_362 = arith.index_cast %get3A_361 : i32 to index
          %get3A_363 = arith.index_cast %add3A_360 : i32 to index
          %get3A_364 = arith.index_cast %add3A_311 : i32 to index
          %get3A_365 = tpu.vector_load %arg7[%get3A_362, %get3A_363, %get3A_364] {strides = array<i32>} : memref<2x64x768xf32, #tpu.memory_space<vmem>>, vector<1x1x16xf32>,
          %get3A_366 = vector.shape_cast %get3A_365 : vector<1x1x16xf32> to vector<16xf32>
          %mul3A_367 = arith.mulf %gather3A_164, %get3A_366 : vector<16xf32>
          %add3A_368 = arith.addf %add3A_356, %mul3A_367 : vector<16xf32>
          %mul3A_369 = arith.constant 8 : i32
          %mul3A_370 = arith.muli %scan3A_101, %mul3A_369 : i32
          %add3A_371 = arith.constant 5 : i32
          %add3A_372 = arith.addi %mul3A_370, %add3A_371 : i32
          %get3A_373 = arith.constant 0 : i32
          %get3A_374 = arith.index_cast %get3A_373 : i32 to index
          %get3A_375 = arith.index_cast %add3A_372 : i32 to index
          %get3A_376 = arith.index_cast %add3A_311 : i32 to index
          %get3A_377 = tpu.vector_load %arg7[%get3A_374, %get3A_375, %get3A_376] {strides = array<i32>} : memref<2x64x768xf32, #tpu.memory_space<vmem>>, vector<1x1x16xf32>,
          %get3A_378 = vector.shape_cast %get3A_377 : vector<1x1x16xf32> to vector<16xf32>
          %mul3A_379 = arith.mulf %gather3A_176, %get3A_378 : vector<16xf32>
          %add3A_380 = arith.addf %add3A_368, %mul3A_379 : vector<16xf32>
          %mul3A_381 = arith.constant 8 : i32
          %mul3A_382 = arith.muli %scan3A_101, %mul3A_381 : i32
          %add3A_383 = arith.constant 6 : i32
          %add3A_384 = arith.addi %mul3A_382, %add3A_383 : i32
          %get3A_385 = arith.constant 0 : i32
          %get3A_386 = arith.index_cast %get3A_385 : i32 to index
          %get3A_387 = arith.index_cast %add3A_384 : i32 to index
          %get3A_388 = arith.index_cast %add3A_311 : i32 to index
          %get3A_389 = tpu.vector_load %arg7[%get3A_386, %get3A_387, %get3A_388] {strides = array<i32>} : memref<2x64x768xf32, #tpu.memory_space<vmem>>, vector<1x1x16xf32>,
          %get3A_390 = vector.shape_cast %get3A_389 : vector<1x1x16xf32> to vector<16xf32>
          %mul3A_391 = arith.mulf %gather3A_188, %get3A_390 : vector<16xf32>
          %add3A_392 = arith.addf %add3A_380, %mul3A_391 : vector<16xf32>
          %mul3A_393 = arith.constant 8 : i32
          %mul3A_394 = arith.muli %scan3A_101, %mul3A_393 : i32
          %add3A_395 = arith.constant 7 : i32
          %add3A_396 = arith.addi %mul3A_394, %add3A_395 : i32
          %get3A_397 = arith.constant 0 : i32
          %get3A_398 = arith.index_cast %get3A_397 : i32 to index
          %get3A_399 = arith.index_cast %add3A_396 : i32 to index
          %get3A_400 = arith.index_cast %add3A_311 : i32 to index
          %get3A_401 = tpu.vector_load %arg7[%get3A_398, %get3A_399, %get3A_400] {strides = array<i32>} : memref<2x64x768xf32, #tpu.memory_space<vmem>>, vector<1x1x16xf32>,
          %get3A_402 = vector.shape_cast %get3A_401 : vector<1x1x16xf32> to vector<16xf32>
          %mul3A_403 = arith.mulf %gather3A_200, %get3A_402 : vector<16xf32>
          %add3A_404 = arith.addf %add3A_392, %mul3A_403 : vector<16xf32>
          %swap3A_405 = arith.index_cast %scan3A_101 : i32 to index
          %swap3A_406 = arith.index_cast %add3A_311 : i32 to index
          %swap3A_407 = tpu.vector_load %arg9[%swap3A_405, %swap3A_406] {strides = array<i32>} : memref<8x768xf32, #tpu.memory_space<vmem>>, vector<1x16xf32>,
          %swap3A_408 = vector.shape_cast %swap3A_407 : vector<1x16xf32> to vector<16xf32>
          %swap3A_409 = vector.shape_cast %add3A_404 : vector<16xf32> to vector<1x16xf32>
          tpu.vector_store %arg9[%swap3A_405, %swap3A_406], %swap3A_409 {strides = array<i32>} : memref<8x768xf32, #tpu.memory_space<vmem>>, vector<1x16xf32>,
          %mul3A_410 = arith.constant 64 : i32
          %mul3A_411 = arith.muli %scan3A_206, %mul3A_410 : i32
          %add3A_412 = arith.constant 32 : i32
          %add3A_413 = arith.addi %mul3A_411, %add3A_412 : i32
          %mul3A_414 = arith.constant 8 : i32
          %mul3A_415 = arith.muli %scan3A_101, %mul3A_414 : i32
          %get3A_416 = arith.constant 0 : i32
          %get3A_417 = arith.index_cast %get3A_416 : i32 to index
          %get3A_418 = arith.index_cast %mul3A_415 : i32 to index
          %get3A_419 = arith.index_cast %add3A_413 : i32 to index
          %get3A_420 = tpu.vector_load %arg7[%get3A_417, %get3A_418, %get3A_419] {strides = array<i32>} : memref<2x64x768xf32, #tpu.memory_space<vmem>>, vector<1x1x16xf32>,
          %get3A_421 = vector.shape_cast %get3A_420 : vector<1x1x16xf32> to vector<16xf32>
          %mul3A_422 = arith.mulf %gather3A_116, %get3A_421 : vector<16xf32>
          %mul3A_423 = arith.constant 8 : i32
          %mul3A_424 = arith.muli %scan3A_101, %mul3A_423 : i32
          %add3A_425 = arith.constant 1 : i32
          %add3A_426 = arith.addi %mul3A_424, %add3A_425 : i32
          %get3A_427 = arith.constant 0 : i32
          %get3A_428 = arith.index_cast %get3A_427 : i32 to index
          %get3A_429 = arith.index_cast %add3A_426 : i32 to index
          %get3A_430 = arith.index_cast %add3A_413 : i32 to index
          %get3A_431 = tpu.vector_load %arg7[%get3A_428, %get3A_429, %get3A_430] {strides = array<i32>} : memref<2x64x768xf32, #tpu.memory_space<vmem>>, vector<1x1x16xf32>,
          %get3A_432 = vector.shape_cast %get3A_431 : vector<1x1x16xf32> to vector<16xf32>
          %mul3A_433 = arith.mulf %gather3A_128, %get3A_432 : vector<16xf32>
          %add3A_434 = arith.addf %mul3A_422, %mul3A_433 : vector<16xf32>
          %mul3A_435 = arith.constant 8 : i32
          %mul3A_436 = arith.muli %scan3A_101, %mul3A_435 : i32
          %add3A_437 = arith.constant 2 : i32
          %add3A_438 = arith.addi %mul3A_436, %add3A_437 : i32
          %get3A_439 = arith.constant 0 : i32
          %get3A_440 = arith.index_cast %get3A_439 : i32 to index
          %get3A_441 = arith.index_cast %add3A_438 : i32 to index
          %get3A_442 = arith.index_cast %add3A_413 : i32 to index
          %get3A_443 = tpu.vector_load %arg7[%get3A_440, %get3A_441, %get3A_442] {strides = array<i32>} : memref<2x64x768xf32, #tpu.memory_space<vmem>>, vector<1x1x16xf32>,
          %get3A_444 = vector.shape_cast %get3A_443 : vector<1x1x16xf32> to vector<16xf32>
          %mul3A_445 = arith.mulf %gather3A_140, %get3A_444 : vector<16xf32>
          %add3A_446 = arith.addf %add3A_434, %mul3A_445 : vector<16xf32>
          %mul3A_447 = arith.constant 8 : i32
          %mul3A_448 = arith.muli %scan3A_101, %mul3A_447 : i32
          %add3A_449 = arith.constant 3 : i32
          %add3A_450 = arith.addi %mul3A_448, %add3A_449 : i32
          %get3A_451 = arith.constant 0 : i32
          %get3A_452 = arith.index_cast %get3A_451 : i32 to index
          %get3A_453 = arith.index_cast %add3A_450 : i32 to index
          %get3A_454 = arith.index_cast %add3A_413 : i32 to index
          %get3A_455 = tpu.vector_load %arg7[%get3A_452, %get3A_453, %get3A_454] {strides = array<i32>} : memref<2x64x768xf32, #tpu.memory_space<vmem>>, vector<1x1x16xf32>,
          %get3A_456 = vector.shape_cast %get3A_455 : vector<1x1x16xf32> to vector<16xf32>
          %mul3A_457 = arith.mulf %gather3A_152, %get3A_456 : vector<16xf32>
          %add3A_458 = arith.addf %add3A_446, %mul3A_457 : vector<16xf32>
          %mul3A_459 = arith.constant 8 : i32
          %mul3A_460 = arith.muli %scan3A_101, %mul3A_459 : i32
          %add3A_461 = arith.constant 4 : i32
          %add3A_462 = arith.addi %mul3A_460, %add3A_461 : i32
          %get3A_463 = arith.constant 0 : i32
          %get3A_464 = arith.index_cast %get3A_463 : i32 to index
          %get3A_465 = arith.index_cast %add3A_462 : i32 to index
          %get3A_466 = arith.index_cast %add3A_413 : i32 to index
          %get3A_467 = tpu.vector_load %arg7[%get3A_464, %get3A_465, %get3A_466] {strides = array<i32>} : memref<2x64x768xf32, #tpu.memory_space<vmem>>, vector<1x1x16xf32>,
          %get3A_468 = vector.shape_cast %get3A_467 : vector<1x1x16xf32> to vector<16xf32>
          %mul3A_469 = arith.mulf %gather3A_164, %get3A_468 : vector<16xf32>
          %add3A_470 = arith.addf %add3A_458, %mul3A_469 : vector<16xf32>
          %mul3A_471 = arith.constant 8 : i32
          %mul3A_472 = arith.muli %scan3A_101, %mul3A_471 : i32
          %add3A_473 = arith.constant 5 : i32
          %add3A_474 = arith.addi %mul3A_472, %add3A_473 : i32
          %get3A_475 = arith.constant 0 : i32
          %get3A_476 = arith.index_cast %get3A_475 : i32 to index
          %get3A_477 = arith.index_cast %add3A_474 : i32 to index
          %get3A_478 = arith.index_cast %add3A_413 : i32 to index
          %get3A_479 = tpu.vector_load %arg7[%get3A_476, %get3A_477, %get3A_478] {strides = array<i32>} : memref<2x64x768xf32, #tpu.memory_space<vmem>>, vector<1x1x16xf32>,
          %get3A_480 = vector.shape_cast %get3A_479 : vector<1x1x16xf32> to vector<16xf32>
          %mul3A_481 = arith.mulf %gather3A_176, %get3A_480 : vector<16xf32>
          %add3A_482 = arith.addf %add3A_470, %mul3A_481 : vector<16xf32>
          %mul3A_483 = arith.constant 8 : i32
          %mul3A_484 = arith.muli %scan3A_101, %mul3A_483 : i32
          %add3A_485 = arith.constant 6 : i32
          %add3A_486 = arith.addi %mul3A_484, %add3A_485 : i32
          %get3A_487 = arith.constant 0 : i32
          %get3A_488 = arith.index_cast %get3A_487 : i32 to index
          %get3A_489 = arith.index_cast %add3A_486 : i32 to index
          %get3A_490 = arith.index_cast %add3A_413 : i32 to index
          %get3A_491 = tpu.vector_load %arg7[%get3A_488, %get3A_489, %get3A_490] {strides = array<i32>} : memref<2x64x768xf32, #tpu.memory_space<vmem>>, vector<1x1x16xf32>,
          %get3A_492 = vector.shape_cast %get3A_491 : vector<1x1x16xf32> to vector<16xf32>
          %mul3A_493 = arith.mulf %gather3A_188, %get3A_492 : vector<16xf32>
          %add3A_494 = arith.addf %add3A_482, %mul3A_493 : vector<16xf32>
          %mul3A_495 = arith.constant 8 : i32
          %mul3A_496 = arith.muli %scan3A_101, %mul3A_495 : i32
          %add3A_497 = arith.constant 7 : i32
          %add3A_498 = arith.addi %mul3A_496, %add3A_497 : i32
          %get3A_499 = arith.constant 0 : i32
          %get3A_500 = arith.index_cast %get3A_499 : i32 to index
          %get3A_501 = arith.index_cast %add3A_498 : i32 to index
          %get3A_502 = arith.index_cast %add3A_413 : i32 to index
          %get3A_503 = tpu.vector_load %arg7[%get3A_500, %get3A_501, %get3A_502] {strides = array<i32>} : memref<2x64x768xf32, #tpu.memory_space<vmem>>, vector<1x1x16xf32>,
          %get3A_504 = vector.shape_cast %get3A_503 : vector<1x1x16xf32> to vector<16xf32>
          %mul3A_505 = arith.mulf %gather3A_200, %get3A_504 : vector<16xf32>
          %add3A_506 = arith.addf %add3A_494, %mul3A_505 : vector<16xf32>
          %swap3A_507 = arith.index_cast %scan3A_101 : i32 to index
          %swap3A_508 = arith.index_cast %add3A_413 : i32 to index
          %swap3A_509 = tpu.vector_load %arg9[%swap3A_507, %swap3A_508] {strides = array<i32>} : memref<8x768xf32, #tpu.memory_space<vmem>>, vector<1x16xf32>,
          %swap3A_510 = vector.shape_cast %swap3A_509 : vector<1x16xf32> to vector<16xf32>
          %swap3A_511 = vector.shape_cast %add3A_506 : vector<16xf32> to vector<1x16xf32>
          tpu.vector_store %arg9[%swap3A_507, %swap3A_508], %swap3A_511 {strides = array<i32>} : memref<8x768xf32, #tpu.memory_space<vmem>>, vector<1x16xf32>,
          %mul3A_512 = arith.constant 64 : i32
          %mul3A_513 = arith.muli %scan3A_206, %mul3A_512 : i32
          %add3A_514 = arith.constant 48 : i32
          %add3A_515 = arith.addi %mul3A_513, %add3A_514 : i32
          %mul3A_516 = arith.constant 8 : i32
          %mul3A_517 = arith.muli %scan3A_101, %mul3A_516 : i32
          %get3A_518 = arith.constant 0 : i32
          %get3A_519 = arith.index_cast %get3A_518 : i32 to index
          %get3A_520 = arith.index_cast %mul3A_517 : i32 to index
          %get3A_521 = arith.index_cast %add3A_515 : i32 to index
          %get3A_522 = tpu.vector_load %arg7[%get3A_519, %get3A_520, %get3A_521] {strides = array<i32>} : memref<2x64x768xf32, #tpu.memory_space<vmem>>, vector<1x1x16xf32>,
          %get3A_523 = vector.shape_cast %get3A_522 : vector<1x1x16xf32> to vector<16xf32>
          %mul3A_524 = arith.mulf %gather3A_116, %get3A_523 : vector<16xf32>
          %mul3A_525 = arith.constant 8 : i32
          %mul3A_526 = arith.muli %scan3A_101, %mul3A_525 : i32
          %add3A_527 = arith.constant 1 : i32
          %add3A_528 = arith.addi %mul3A_526, %add3A_527 : i32
          %get3A_529 = arith.constant 0 : i32
          %get3A_530 = arith.index_cast %get3A_529 : i32 to index
          %get3A_531 = arith.index_cast %add3A_528 : i32 to index
          %get3A_532 = arith.index_cast %add3A_515 : i32 to index
          %get3A_533 = tpu.vector_load %arg7[%get3A_530, %get3A_531, %get3A_532] {strides = array<i32>} : memref<2x64x768xf32, #tpu.memory_space<vmem>>, vector<1x1x16xf32>,
          %get3A_534 = vector.shape_cast %get3A_533 : vector<1x1x16xf32> to vector<16xf32>
          %mul3A_535 = arith.mulf %gather3A_128, %get3A_534 : vector<16xf32>
          %add3A_536 = arith.addf %mul3A_524, %mul3A_535 : vector<16xf32>
          %mul3A_537 = arith.constant 8 : i32
          %mul3A_538 = arith.muli %scan3A_101, %mul3A_537 : i32
          %add3A_539 = arith.constant 2 : i32
          %add3A_540 = arith.addi %mul3A_538, %add3A_539 : i32
          %get3A_541 = arith.constant 0 : i32
          %get3A_542 = arith.index_cast %get3A_541 : i32 to index
          %get3A_543 = arith.index_cast %add3A_540 : i32 to index
          %get3A_544 = arith.index_cast %add3A_515 : i32 to index
          %get3A_545 = tpu.vector_load %arg7[%get3A_542, %get3A_543, %get3A_544] {strides = array<i32>} : memref<2x64x768xf32, #tpu.memory_space<vmem>>, vector<1x1x16xf32>,
          %get3A_546 = vector.shape_cast %get3A_545 : vector<1x1x16xf32> to vector<16xf32>
          %mul3A_547 = arith.mulf %gather3A_140, %get3A_546 : vector<16xf32>
          %add3A_548 = arith.addf %add3A_536, %mul3A_547 : vector<16xf32>
          %mul3A_549 = arith.constant 8 : i32
          %mul3A_550 = arith.muli %scan3A_101, %mul3A_549 : i32
          %add3A_551 = arith.constant 3 : i32
          %add3A_552 = arith.addi %mul3A_550, %add3A_551 : i32
          %get3A_553 = arith.constant 0 : i32
          %get3A_554 = arith.index_cast %get3A_553 : i32 to index
          %get3A_555 = arith.index_cast %add3A_552 : i32 to index
          %get3A_556 = arith.index_cast %add3A_515 : i32 to index
          %get3A_557 = tpu.vector_load %arg7[%get3A_554, %get3A_555, %get3A_556] {strides = array<i32>} : memref<2x64x768xf32, #tpu.memory_space<vmem>>, vector<1x1x16xf32>,
          %get3A_558 = vector.shape_cast %get3A_557 : vector<1x1x16xf32> to vector<16xf32>
          %mul3A_559 = arith.mulf %gather3A_152, %get3A_558 : vector<16xf32>
          %add3A_560 = arith.addf %add3A_548, %mul3A_559 : vector<16xf32>
          %mul3A_561 = arith.constant 8 : i32
          %mul3A_562 = arith.muli %scan3A_101, %mul3A_561 : i32
          %add3A_563 = arith.constant 4 : i32
          %add3A_564 = arith.addi %mul3A_562, %add3A_563 : i32
          %get3A_565 = arith.constant 0 : i32
          %get3A_566 = arith.index_cast %get3A_565 : i32 to index
          %get3A_567 = arith.index_cast %add3A_564 : i32 to index
          %get3A_568 = arith.index_cast %add3A_515 : i32 to index
          %get3A_569 = tpu.vector_load %arg7[%get3A_566, %get3A_567, %get3A_568] {strides = array<i32>} : memref<2x64x768xf32, #tpu.memory_space<vmem>>, vector<1x1x16xf32>,
          %get3A_570 = vector.shape_cast %get3A_569 : vector<1x1x16xf32> to vector<16xf32>
          %mul3A_571 = arith.mulf %gather3A_164, %get3A_570 : vector<16xf32>
          %add3A_572 = arith.addf %add3A_560, %mul3A_571 : vector<16xf32>
          %mul3A_573 = arith.constant 8 : i32
          %mul3A_574 = arith.muli %scan3A_101, %mul3A_573 : i32
          %add3A_575 = arith.constant 5 : i32
          %add3A_576 = arith.addi %mul3A_574, %add3A_575 : i32
          %get3A_577 = arith.constant 0 : i32
          %get3A_578 = arith.index_cast %get3A_577 : i32 to index
          %get3A_579 = arith.index_cast %add3A_576 : i32 to index
          %get3A_580 = arith.index_cast %add3A_515 : i32 to index
          %get3A_581 = tpu.vector_load %arg7[%get3A_578, %get3A_579, %get3A_580] {strides = array<i32>} : memref<2x64x768xf32, #tpu.memory_space<vmem>>, vector<1x1x16xf32>,
          %get3A_582 = vector.shape_cast %get3A_581 : vector<1x1x16xf32> to vector<16xf32>
          %mul3A_583 = arith.mulf %gather3A_176, %get3A_582 : vector<16xf32>
          %add3A_584 = arith.addf %add3A_572, %mul3A_583 : vector<16xf32>
          %mul3A_585 = arith.constant 8 : i32
          %mul3A_586 = arith.muli %scan3A_101, %mul3A_585 : i32
          %add3A_587 = arith.constant 6 : i32
          %add3A_588 = arith.addi %mul3A_586, %add3A_587 : i32
          %get3A_589 = arith.constant 0 : i32
          %get3A_590 = arith.index_cast %get3A_589 : i32 to index
          %get3A_591 = arith.index_cast %add3A_588 : i32 to index
          %get3A_592 = arith.index_cast %add3A_515 : i32 to index
          %get3A_593 = tpu.vector_load %arg7[%get3A_590, %get3A_591, %get3A_592] {strides = array<i32>} : memref<2x64x768xf32, #tpu.memory_space<vmem>>, vector<1x1x16xf32>,
          %get3A_594 = vector.shape_cast %get3A_593 : vector<1x1x16xf32> to vector<16xf32>
          %mul3A_595 = arith.mulf %gather3A_188, %get3A_594 : vector<16xf32>
          %add3A_596 = arith.addf %add3A_584, %mul3A_595 : vector<16xf32>
          %mul3A_597 = arith.constant 8 : i32
          %mul3A_598 = arith.muli %scan3A_101, %mul3A_597 : i32
          %add3A_599 = arith.constant 7 : i32
          %add3A_600 = arith.addi %mul3A_598, %add3A_599 : i32
          %get3A_601 = arith.constant 0 : i32
          %get3A_602 = arith.index_cast %get3A_601 : i32 to index
          %get3A_603 = arith.index_cast %add3A_600 : i32 to index
          %get3A_604 = arith.index_cast %add3A_515 : i32 to index
          %get3A_605 = tpu.vector_load %arg7[%get3A_602, %get3A_603, %get3A_604] {strides = array<i32>} : memref<2x64x768xf32, #tpu.memory_space<vmem>>, vector<1x1x16xf32>,
          %get3A_606 = vector.shape_cast %get3A_605 : vector<1x1x16xf32> to vector<16xf32>
          %mul3A_607 = arith.mulf %gather3A_200, %get3A_606 : vector<16xf32>
          %add3A_608 = arith.addf %add3A_596, %mul3A_607 : vector<16xf32>
          %swap3A_609 = arith.index_cast %scan3A_101 : i32 to index
          %swap3A_610 = arith.index_cast %add3A_515 : i32 to index
          %swap3A_611 = tpu.vector_load %arg9[%swap3A_609, %swap3A_610] {strides = array<i32>} : memref<8x768xf32, #tpu.memory_space<vmem>>, vector<1x16xf32>,
          %swap3A_612 = vector.shape_cast %swap3A_611 : vector<1x16xf32> to vector<16xf32>
          %swap3A_613 = vector.shape_cast %add3A_608 : vector<16xf32> to vector<1x16xf32>
          tpu.vector_store %arg9[%swap3A_609, %swap3A_610], %swap3A_613 {strides = array<i32>} : memref<8x768xf32, #tpu.memory_space<vmem>>, vector<1x16xf32>,
        }
        %scan3A_205 = arith.constant 12 : i32
      }
      %scan3A_61 = arith.constant 8 : i32
      %mul3A_62 = arith.constant 8 : i32
      %mul3A_63 = arith.muli %add3A_44, %mul3A_62 : i32
      %add3A_64 = arith.addi %mul3A_2, %mul3A_63 : i32
      "tpu.region"() ({
        %run_scoped3A_101 = tpu.sem_alloc : memref<!tpu.dma_semaphore, #tpu.memory_space<semaphore_mem>>
        %dma_start3A_102 = arith.constant 0 : i32
        %dma_start3A_103 = tpu.memref_slice %arg5[%add3A_64, %dma_start3A_102] : memref<4096x768xf32, #tpu.memory_space<hbm>> -> memref<8x768xf32, #tpu.memory_space<hbm>>
        %dma_start3A_104 = arith.constant 0 : i32
        %dma_start3A_105 = tpu.memref_slice %arg5[%add3A_64, %dma_start3A_104] : memref<4096x768xf32, #tpu.memory_space<hbm>> -> memref<8x768xf32, #tpu.memory_space<hbm>>
        tpu.enqueue_dma source(%arg9 : memref<8x768xf32, #tpu.memory_space<vmem>>) target(%dma_start3A_105 : memref<8x768xf32, #tpu.memory_space<hbm>>) target_semaphore(%run_scoped3A_101 : memref<!tpu.dma_semaphore, #tpu.memory_space<semaphore_mem>>)
        %dma_wait3A_106 = arith.constant 0 : i32
        %dma_wait3A_107 = tpu.memref_slice %arg5[%add3A_64, %dma_wait3A_106] : memref<4096x768xf32, #tpu.memory_space<hbm>> -> memref<8x768xf32, #tpu.memory_space<hbm>>
        %dma_wait3A_108 = arith.constant 0 : i32
        %dma_wait3A_109 = tpu.memref_slice %arg5[%add3A_64, %dma_wait3A_108] : memref<4096x768xf32, #tpu.memory_space<hbm>> -> memref<8x768xf32, #tpu.memory_space<hbm>>
        tpu.wait_dma2 semaphore(%run_scoped3A_101 : memref<!tpu.dma_semaphore, #tpu.memory_space<semaphore_mem>>) src(%arg9 : memref<8x768xf32, #tpu.memory_space<vmem>>) dst(%dma_wait3A_109 : memref<8x768xf32, #tpu.memory_space<hbm>>)
        tpu.yield
      }) : () -> ()
      %add3A_65 = arith.constant 2 : i32
      %add3A_66 = arith.addi %add3A_44, %add3A_65 : i32
      %lt3A = arith.constant 16 : i32
      %lt3A_67 = arith.cmpi slt, %add3A_66, %lt3A : i32
      %convert_element_type3A = arith.extui %lt3A_67 : i1 to i32
      %cond3A = arith.constant 0 : i32
      %cond3A_68 = arith.cmpi ne, %convert_element_type3A, %cond3A : i32
      scf.if %cond3A_68 {
        %add3A_101 = arith.constant 2 : i32
        %add3A_102 = arith.addi %add3A_44, %add3A_101 : i32
        %mul3A_103 = arith.constant 8 : i32
        %mul3A_104 = arith.muli %add3A_102, %mul3A_103 : i32
        %add3A_105 = arith.addi %mul3A_2, %mul3A_104 : i32
        %mul3A_106 = arith.constant 8 : i32
        %mul3A_107 = arith.muli %add3A_105, %mul3A_106 : i32
        %run_scoped3A_108 = arith.constant 0 : i32
        "tpu.region"() ({
          %run_scoped3A_121 = tpu.sem_alloc : memref<!tpu.dma_semaphore, #tpu.memory_space<semaphore_mem>>
          %dma_start3A_122 = arith.constant 0 : i32
          %dma_start3A_123 = tpu.memref_slice %arg6[%run_scoped3A_108, %dma_start3A_122] : memref<2x64xi32, #tpu.memory_space<vmem>> -> memref<1x64xi32, #tpu.memory_space<vmem>>
          %dma_start3A_124 = tpu.memref_squeeze %dma_start3A_123 : memref<1x64xi32, #tpu.memory_space<vmem>> -> memref<64xi32, #tpu.memory_space<vmem>>
          %dma_start3A_125 = tpu.memref_slice %arg3[%mul3A_107] : memref<32768xi32, #tpu.memory_space<hbm>> -> memref<64xi32, #tpu.memory_space<hbm>>
          %dma_start3A_126 = arith.constant 0 : i32
          %dma_start3A_127 = tpu.memref_slice %arg6[%run_scoped3A_108, %dma_start3A_126] : memref<2x64xi32, #tpu.memory_space<vmem>> -> memref<1x64xi32, #tpu.memory_space<vmem>>
          %dma_start3A_128 = tpu.memref_squeeze %dma_start3A_127 : memref<1x64xi32, #tpu.memory_space<vmem>> -> memref<64xi32, #tpu.memory_space<vmem>>
          %dma_start3A_129 = tpu.memref_slice %arg3[%mul3A_107] : memref<32768xi32, #tpu.memory_space<hbm>> -> memref<64xi32, #tpu.memory_space<hbm>>
          tpu.enqueue_dma source(%dma_start3A_129 : memref<64xi32, #tpu.memory_space<hbm>>) target(%dma_start3A_128 : memref<64xi32, #tpu.memory_space<vmem>>) target_semaphore(%run_scoped3A_121 : memref<!tpu.dma_semaphore, #tpu.memory_space<semaphore_mem>>)
          %dma_wait3A_130 = arith.constant 0 : i32
          %dma_wait3A_131 = tpu.memref_slice %arg6[%run_scoped3A_108, %dma_wait3A_130] : memref<2x64xi32, #tpu.memory_space<vmem>> -> memref<1x64xi32, #tpu.memory_space<vmem>>
          %dma_wait3A_132 = tpu.memref_squeeze %dma_wait3A_131 : memref<1x64xi32, #tpu.memory_space<vmem>> -> memref<64xi32, #tpu.memory_space<vmem>>
          %dma_wait3A_133 = tpu.memref_slice %arg3[%mul3A_107] : memref<32768xi32, #tpu.memory_space<hbm>> -> memref<64xi32, #tpu.memory_space<hbm>>
          %dma_wait3A_134 = arith.constant 0 : i32
          %dma_wait3A_135 = tpu.memref_slice %arg6[%run_scoped3A_108, %dma_wait3A_134] : memref<2x64xi32, #tpu.memory_space<vmem>> -> memref<1x64xi32, #tpu.memory_space<vmem>>
          %dma_wait3A_136 = tpu.memref_squeeze %dma_wait3A_135 : memref<1x64xi32, #tpu.memory_space<vmem>> -> memref<64xi32, #tpu.memory_space<vmem>>
          %dma_wait3A_137 = tpu.memref_slice %arg3[%mul3A_107] : memref<32768xi32, #tpu.memory_space<hbm>> -> memref<64xi32, #tpu.memory_space<hbm>>
          tpu.wait_dma2 semaphore(%run_scoped3A_121 : memref<!tpu.dma_semaphore, #tpu.memory_space<semaphore_mem>>) src(%dma_wait3A_137 : memref<64xi32, #tpu.memory_space<hbm>>) dst(%dma_wait3A_136 : memref<64xi32, #tpu.memory_space<vmem>>)
          tpu.yield
        }) : () -> ()
        %dma_start3A_109 = arith.constant 0 : i32
        %dma_start3A_110 = arith.constant 0 : i32
        %dma_start3A_111 = arith.constant 0 : i32
        %dma_start3A_112 = arith.constant 0 : i32
        %dma_start3A_113 = tpu.memref_slice %arg7[%dma_start3A_110, %dma_start3A_111, %dma_start3A_112] : memref<2x64x768xf32, #tpu.memory_space<vmem>> -> memref<1x64x768xf32, #tpu.memory_space<vmem>>
        %dma_start3A_114 = tpu.memref_squeeze %dma_start3A_113 : memref<1x64x768xf32, #tpu.memory_space<vmem>> -> memref<64x768xf32, #tpu.memory_space<vmem>>
        %dma_start3A_115 = arith.constant 0 : i32
        %dma_start3A_116 = tpu.memref_slice %arg6[%dma_start3A_109, %dma_start3A_115] : memref<2x64xi32, #tpu.memory_space<vmem>> -> memref<1x64xi32, #tpu.memory_space<vmem>>
        %dma_start3A_117 = tpu.memref_squeeze %dma_start3A_116 : memref<1x64xi32, #tpu.memory_space<vmem>> -> memref<64xi32, #tpu.memory_space<vmem>>
        %dma_start3A_118 = arith.constant 0 : i32
        %dma_start3A_119 = arith.constant 0 : i32
        %dma_start3A_120 = tpu.memref_slice %arg2[%dma_start3A_118, %dma_start3A_119] : memref<4096x768xf32, #tpu.memory_space<hbm>> -> memref<4096x768xf32, #tpu.memory_space<hbm>>
        tpu.enqueue_indirect_dma source(%dma_start3A_120 : memref<4096x768xf32, #tpu.memory_space<hbm>>) target(%dma_start3A_114 : memref<64x768xf32, #tpu.memory_space<vmem>>) offsets(%dma_start3A_117 : memref<64xi32, #tpu.memory_space<vmem>>) semaphore(%arg10 : memref<!tpu.dma_semaphore, #tpu.memory_space<semaphore_mem>>)
      } else {
      }
      %mul3A_69 = arith.constant 2 : i32
      %mul3A_70 = arith.muli %mul3A_69, %scan3A_40 : i32
      %add3A_71 = arith.constant 1 : i32
      %add3A_72 = arith.addi %mul3A_70, %add3A_71 : i32
      %dma_wait3A_73 = arith.constant 1 : i32
      %dma_wait3A_74 = arith.constant 1 : i32
      %dma_wait3A_75 = arith.constant 0 : i32
      %dma_wait3A_76 = arith.constant 0 : i32
      %dma_wait3A_77 = tpu.memref_slice %arg7[%dma_wait3A_74, %dma_wait3A_75, %dma_wait3A_76] : memref<2x64x768xf32, #tpu.memory_space<vmem>> -> memref<1x64x768xf32, #tpu.memory_space<vmem>>
      %dma_wait3A_78 = tpu.memref_squeeze %dma_wait3A_77 : memref<1x64x768xf32, #tpu.memory_space<vmem>> -> memref<64x768xf32, #tpu.memory_space<vmem>>
      %dma_wait3A_79 = arith.constant 0 : i32
      %dma_wait3A_80 = tpu.memref_slice %arg6[%dma_wait3A_73, %dma_wait3A_79] : memref<2x64xi32, #tpu.memory_space<vmem>> -> memref<1x64xi32, #tpu.memory_space<vmem>>
      %dma_wait3A_81 = tpu.memref_squeeze %dma_wait3A_80 : memref<1x64xi32, #tpu.memory_space<vmem>> -> memref<64xi32, #tpu.memory_space<vmem>>
      %dma_wait3A_82 = arith.constant 0 : i32
      %dma_wait3A_83 = arith.constant 0 : i32
      %dma_wait3A_84 = tpu.memref_slice %arg2[%dma_wait3A_82, %dma_wait3A_83] : memref<4096x768xf32, #tpu.memory_space<hbm>> -> memref<4096x768xf32, #tpu.memory_space<hbm>>
      tpu.wait_indirect_dma semaphore(%arg11 : memref<!tpu.dma_semaphore, #tpu.memory_space<semaphore_mem>>) src(%dma_wait3A_84 : memref<4096x768xf32, #tpu.memory_space<hbm>>) dst(%dma_wait3A_78 : memref<64x768xf32, #tpu.memory_space<vmem>>)
      %scan3A_85 = arith.constant 0 : i32
      %scan3A_86 = arith.constant 0 : i32
      %scan3A_87 = arith.constant 8 : i32
      %scan3A_88 = arith.addi %scan3A_86, %scan3A_87 : i32
      %scan3A_89 = arith.constant 1 : i32
      scf.for %scan3A_101 = %scan3A_86 to %scan3A_88 step %scan3A_89  : i32 {
        %mul3A_102 = arith.constant 8 : i32
        %mul3A_103 = arith.muli %add3A_72, %mul3A_102 : i32
        %add3A_104 = arith.addi %mul3A_103, %scan3A_101 : i32
        %get3A = arith.index_cast %add3A_104 : i32 to index
        %get3A_105 = arith.constant 0 : index
        %get3A_106 = tpu.vector_load %arg8[%get3A, %get3A_105] {strides = array<i32>} : memref<128x16xf32, #tpu.memory_space<vmem>>, vector<1x16xf32>,
        %get3A_107 = vector.shape_cast %get3A_106 : vector<1x16xf32> to vector<16xf32>
        %broadcast_in_dim3A = arith.constant 0 : i32
        %broadcast_in_dim3A_108 = vector.broadcast %broadcast_in_dim3A : i32 to vector<16xi32>
        %lt3A_109 = arith.constant 0 : i32
        %lt3A_110 = vector.broadcast %lt3A_109 : i32 to vector<16xi32>
        %lt3A_111 = arith.cmpi slt, %broadcast_in_dim3A_108, %lt3A_110 : vector<16xi32>
        %add3A_112 = arith.constant 16 : i32
        %add3A_113 = vector.broadcast %add3A_112 : i32 to vector<16xi32>
        %add3A_114 = arith.addi %broadcast_in_dim3A_108, %add3A_113 : vector<16xi32>
        %select_n3A = arith.select %lt3A_111, %add3A_114, %broadcast_in_dim3A_108 : vector<16xi1>, vector<16xi32>
        %broadcast_in_dim3A_115 = vector.shape_cast %select_n3A : vector<16xi32> to vector<16x1xi32>
        %gather3A = vector.shape_cast %broadcast_in_dim3A_115 : vector<16x1xi32> to vector<16xi32>
        %gather3A_116 = tpu.dynamic_gather %get3A_107[%gather3A] in [0] : vector<16xf32>, vector<16xi32> -> vector<16xf32>
        %broadcast_in_dim3A_117 = arith.constant 1 : i32
        %broadcast_in_dim3A_118 = vector.broadcast %broadcast_in_dim3A_117 : i32 to vector<16xi32>
        %lt3A_119 = arith.constant 0 : i32
        %lt3A_120 = vector.broadcast %lt3A_119 : i32 to vector<16xi32>
        %lt3A_121 = arith.cmpi slt, %broadcast_in_dim3A_118, %lt3A_120 : vector<16xi32>
        %add3A_122 = arith.constant 16 : i32
        %add3A_123 = vector.broadcast %add3A_122 : i32 to vector<16xi32>
        %add3A_124 = arith.addi %broadcast_in_dim3A_118, %add3A_123 : vector<16xi32>
        %select_n3A_125 = arith.select %lt3A_121, %add3A_124, %broadcast_in_dim3A_118 : vector<16xi1>, vector<16xi32>
        %broadcast_in_dim3A_126 = vector.shape_cast %select_n3A_125 : vector<16xi32> to vector<16x1xi32>
        %gather3A_127 = vector.shape_cast %broadcast_in_dim3A_126 : vector<16x1xi32> to vector<16xi32>
        %gather3A_128 = tpu.dynamic_gather %get3A_107[%gather3A_127] in [0] : vector<16xf32>, vector<16xi32> -> vector<16xf32>
        %broadcast_in_dim3A_129 = arith.constant 2 : i32
        %broadcast_in_dim3A_130 = vector.broadcast %broadcast_in_dim3A_129 : i32 to vector<16xi32>
        %lt3A_131 = arith.constant 0 : i32
        %lt3A_132 = vector.broadcast %lt3A_131 : i32 to vector<16xi32>
        %lt3A_133 = arith.cmpi slt, %broadcast_in_dim3A_130, %lt3A_132 : vector<16xi32>
        %add3A_134 = arith.constant 16 : i32
        %add3A_135 = vector.broadcast %add3A_134 : i32 to vector<16xi32>
        %add3A_136 = arith.addi %broadcast_in_dim3A_130, %add3A_135 : vector<16xi32>
        %select_n3A_137 = arith.select %lt3A_133, %add3A_136, %broadcast_in_dim3A_130 : vector<16xi1>, vector<16xi32>
        %broadcast_in_dim3A_138 = vector.shape_cast %select_n3A_137 : vector<16xi32> to vector<16x1xi32>
        %gather3A_139 = vector.shape_cast %broadcast_in_dim3A_138 : vector<16x1xi32> to vector<16xi32>
        %gather3A_140 = tpu.dynamic_gather %get3A_107[%gather3A_139] in [0] : vector<16xf32>, vector<16xi32> -> vector<16xf32>
        %broadcast_in_dim3A_141 = arith.constant 3 : i32
        %broadcast_in_dim3A_142 = vector.broadcast %broadcast_in_dim3A_141 : i32 to vector<16xi32>
        %lt3A_143 = arith.constant 0 : i32
        %lt3A_144 = vector.broadcast %lt3A_143 : i32 to vector<16xi32>
        %lt3A_145 = arith.cmpi slt, %broadcast_in_dim3A_142, %lt3A_144 : vector<16xi32>
        %add3A_146 = arith.constant 16 : i32
        %add3A_147 = vector.broadcast %add3A_146 : i32 to vector<16xi32>
        %add3A_148 = arith.addi %broadcast_in_dim3A_142, %add3A_147 : vector<16xi32>
        %select_n3A_149 = arith.select %lt3A_145, %add3A_148, %broadcast_in_dim3A_142 : vector<16xi1>, vector<16xi32>
        %broadcast_in_dim3A_150 = vector.shape_cast %select_n3A_149 : vector<16xi32> to vector<16x1xi32>
        %gather3A_151 = vector.shape_cast %broadcast_in_dim3A_150 : vector<16x1xi32> to vector<16xi32>
        %gather3A_152 = tpu.dynamic_gather %get3A_107[%gather3A_151] in [0] : vector<16xf32>, vector<16xi32> -> vector<16xf32>
        %broadcast_in_dim3A_153 = arith.constant 4 : i32
        %broadcast_in_dim3A_154 = vector.broadcast %broadcast_in_dim3A_153 : i32 to vector<16xi32>
        %lt3A_155 = arith.constant 0 : i32
        %lt3A_156 = vector.broadcast %lt3A_155 : i32 to vector<16xi32>
        %lt3A_157 = arith.cmpi slt, %broadcast_in_dim3A_154, %lt3A_156 : vector<16xi32>
        %add3A_158 = arith.constant 16 : i32
        %add3A_159 = vector.broadcast %add3A_158 : i32 to vector<16xi32>
        %add3A_160 = arith.addi %broadcast_in_dim3A_154, %add3A_159 : vector<16xi32>
        %select_n3A_161 = arith.select %lt3A_157, %add3A_160, %broadcast_in_dim3A_154 : vector<16xi1>, vector<16xi32>
        %broadcast_in_dim3A_162 = vector.shape_cast %select_n3A_161 : vector<16xi32> to vector<16x1xi32>
        %gather3A_163 = vector.shape_cast %broadcast_in_dim3A_162 : vector<16x1xi32> to vector<16xi32>
        %gather3A_164 = tpu.dynamic_gather %get3A_107[%gather3A_163] in [0] : vector<16xf32>, vector<16xi32> -> vector<16xf32>
        %broadcast_in_dim3A_165 = arith.constant 5 : i32
        %broadcast_in_dim3A_166 = vector.broadcast %broadcast_in_dim3A_165 : i32 to vector<16xi32>
        %lt3A_167 = arith.constant 0 : i32
        %lt3A_168 = vector.broadcast %lt3A_167 : i32 to vector<16xi32>
        %lt3A_169 = arith.cmpi slt, %broadcast_in_dim3A_166, %lt3A_168 : vector<16xi32>
        %add3A_170 = arith.constant 16 : i32
        %add3A_171 = vector.broadcast %add3A_170 : i32 to vector<16xi32>
        %add3A_172 = arith.addi %broadcast_in_dim3A_166, %add3A_171 : vector<16xi32>
        %select_n3A_173 = arith.select %lt3A_169, %add3A_172, %broadcast_in_dim3A_166 : vector<16xi1>, vector<16xi32>
        %broadcast_in_dim3A_174 = vector.shape_cast %select_n3A_173 : vector<16xi32> to vector<16x1xi32>
        %gather3A_175 = vector.shape_cast %broadcast_in_dim3A_174 : vector<16x1xi32> to vector<16xi32>
        %gather3A_176 = tpu.dynamic_gather %get3A_107[%gather3A_175] in [0] : vector<16xf32>, vector<16xi32> -> vector<16xf32>
        %broadcast_in_dim3A_177 = arith.constant 6 : i32
        %broadcast_in_dim3A_178 = vector.broadcast %broadcast_in_dim3A_177 : i32 to vector<16xi32>
        %lt3A_179 = arith.constant 0 : i32
        %lt3A_180 = vector.broadcast %lt3A_179 : i32 to vector<16xi32>
        %lt3A_181 = arith.cmpi slt, %broadcast_in_dim3A_178, %lt3A_180 : vector<16xi32>
        %add3A_182 = arith.constant 16 : i32
        %add3A_183 = vector.broadcast %add3A_182 : i32 to vector<16xi32>
        %add3A_184 = arith.addi %broadcast_in_dim3A_178, %add3A_183 : vector<16xi32>
        %select_n3A_185 = arith.select %lt3A_181, %add3A_184, %broadcast_in_dim3A_178 : vector<16xi1>, vector<16xi32>
        %broadcast_in_dim3A_186 = vector.shape_cast %select_n3A_185 : vector<16xi32> to vector<16x1xi32>
        %gather3A_187 = vector.shape_cast %broadcast_in_dim3A_186 : vector<16x1xi32> to vector<16xi32>
        %gather3A_188 = tpu.dynamic_gather %get3A_107[%gather3A_187] in [0] : vector<16xf32>, vector<16xi32> -> vector<16xf32>
        %broadcast_in_dim3A_189 = arith.constant 7 : i32
        %broadcast_in_dim3A_190 = vector.broadcast %broadcast_in_dim3A_189 : i32 to vector<16xi32>
        %lt3A_191 = arith.constant 0 : i32
        %lt3A_192 = vector.broadcast %lt3A_191 : i32 to vector<16xi32>
        %lt3A_193 = arith.cmpi slt, %broadcast_in_dim3A_190, %lt3A_192 : vector<16xi32>
        %add3A_194 = arith.constant 16 : i32
        %add3A_195 = vector.broadcast %add3A_194 : i32 to vector<16xi32>
        %add3A_196 = arith.addi %broadcast_in_dim3A_190, %add3A_195 : vector<16xi32>
        %select_n3A_197 = arith.select %lt3A_193, %add3A_196, %broadcast_in_dim3A_190 : vector<16xi1>, vector<16xi32>
        %broadcast_in_dim3A_198 = vector.shape_cast %select_n3A_197 : vector<16xi32> to vector<16x1xi32>
        %gather3A_199 = vector.shape_cast %broadcast_in_dim3A_198 : vector<16x1xi32> to vector<16xi32>
        %gather3A_200 = tpu.dynamic_gather %get3A_107[%gather3A_199] in [0] : vector<16xf32>, vector<16xi32> -> vector<16xf32>
        %scan3A_201 = arith.constant 0 : i32
        %scan3A_202 = arith.constant 12 : i32
        %scan3A_203 = arith.addi %scan3A_201, %scan3A_202 : i32
        %scan3A_204 = arith.constant 1 : i32
        scf.for %scan3A_206 = %scan3A_201 to %scan3A_203 step %scan3A_204  : i32 {
          %mul3A_207 = arith.constant 64 : i32
          %mul3A_208 = arith.muli %scan3A_206, %mul3A_207 : i32
          %add3A_209 = arith.constant 0 : i32
          %add3A_210 = arith.addi %mul3A_208, %add3A_209 : i32
          %mul3A_211 = arith.constant 8 : i32
          %mul3A_212 = arith.muli %scan3A_101, %mul3A_211 : i32
          %get3A_213 = arith.constant 1 : i32
          %get3A_214 = arith.index_cast %get3A_213 : i32 to index
          %get3A_215 = arith.index_cast %mul3A_212 : i32 to index
          %get3A_216 = arith.index_cast %add3A_210 : i32 to index
          %get3A_217 = tpu.vector_load %arg7[%get3A_214, %get3A_215, %get3A_216] {strides = array<i32>} : memref<2x64x768xf32, #tpu.memory_space<vmem>>, vector<1x1x16xf32>,
          %get3A_218 = vector.shape_cast %get3A_217 : vector<1x1x16xf32> to vector<16xf32>
          %mul3A_219 = arith.mulf %gather3A_116, %get3A_218 : vector<16xf32>
          %mul3A_220 = arith.constant 8 : i32
          %mul3A_221 = arith.muli %scan3A_101, %mul3A_220 : i32
          %add3A_222 = arith.constant 1 : i32
          %add3A_223 = arith.addi %mul3A_221, %add3A_222 : i32
          %get3A_224 = arith.constant 1 : i32
          %get3A_225 = arith.index_cast %get3A_224 : i32 to index
          %get3A_226 = arith.index_cast %add3A_223 : i32 to index
          %get3A_227 = arith.index_cast %add3A_210 : i32 to index
          %get3A_228 = tpu.vector_load %arg7[%get3A_225, %get3A_226, %get3A_227] {strides = array<i32>} : memref<2x64x768xf32, #tpu.memory_space<vmem>>, vector<1x1x16xf32>,
          %get3A_229 = vector.shape_cast %get3A_228 : vector<1x1x16xf32> to vector<16xf32>
          %mul3A_230 = arith.mulf %gather3A_128, %get3A_229 : vector<16xf32>
          %add3A_231 = arith.addf %mul3A_219, %mul3A_230 : vector<16xf32>
          %mul3A_232 = arith.constant 8 : i32
          %mul3A_233 = arith.muli %scan3A_101, %mul3A_232 : i32
          %add3A_234 = arith.constant 2 : i32
          %add3A_235 = arith.addi %mul3A_233, %add3A_234 : i32
          %get3A_236 = arith.constant 1 : i32
          %get3A_237 = arith.index_cast %get3A_236 : i32 to index
          %get3A_238 = arith.index_cast %add3A_235 : i32 to index
          %get3A_239 = arith.index_cast %add3A_210 : i32 to index
          %get3A_240 = tpu.vector_load %arg7[%get3A_237, %get3A_238, %get3A_239] {strides = array<i32>} : memref<2x64x768xf32, #tpu.memory_space<vmem>>, vector<1x1x16xf32>,
          %get3A_241 = vector.shape_cast %get3A_240 : vector<1x1x16xf32> to vector<16xf32>
          %mul3A_242 = arith.mulf %gather3A_140, %get3A_241 : vector<16xf32>
          %add3A_243 = arith.addf %add3A_231, %mul3A_242 : vector<16xf32>
          %mul3A_244 = arith.constant 8 : i32
          %mul3A_245 = arith.muli %scan3A_101, %mul3A_244 : i32
          %add3A_246 = arith.constant 3 : i32
          %add3A_247 = arith.addi %mul3A_245, %add3A_246 : i32
          %get3A_248 = arith.constant 1 : i32
          %get3A_249 = arith.index_cast %get3A_248 : i32 to index
          %get3A_250 = arith.index_cast %add3A_247 : i32 to index
          %get3A_251 = arith.index_cast %add3A_210 : i32 to index
          %get3A_252 = tpu.vector_load %arg7[%get3A_249, %get3A_250, %get3A_251] {strides = array<i32>} : memref<2x64x768xf32, #tpu.memory_space<vmem>>, vector<1x1x16xf32>,
          %get3A_253 = vector.shape_cast %get3A_252 : vector<1x1x16xf32> to vector<16xf32>
          %mul3A_254 = arith.mulf %gather3A_152, %get3A_253 : vector<16xf32>
          %add3A_255 = arith.addf %add3A_243, %mul3A_254 : vector<16xf32>
          %mul3A_256 = arith.constant 8 : i32
          %mul3A_257 = arith.muli %scan3A_101, %mul3A_256 : i32
          %add3A_258 = arith.constant 4 : i32
          %add3A_259 = arith.addi %mul3A_257, %add3A_258 : i32
          %get3A_260 = arith.constant 1 : i32
          %get3A_261 = arith.index_cast %get3A_260 : i32 to index
          %get3A_262 = arith.index_cast %add3A_259 : i32 to index
          %get3A_263 = arith.index_cast %add3A_210 : i32 to index
          %get3A_264 = tpu.vector_load %arg7[%get3A_261, %get3A_262, %get3A_263] {strides = array<i32>} : memref<2x64x768xf32, #tpu.memory_space<vmem>>, vector<1x1x16xf32>,
          %get3A_265 = vector.shape_cast %get3A_264 : vector<1x1x16xf32> to vector<16xf32>
          %mul3A_266 = arith.mulf %gather3A_164, %get3A_265 : vector<16xf32>
          %add3A_267 = arith.addf %add3A_255, %mul3A_266 : vector<16xf32>
          %mul3A_268 = arith.constant 8 : i32
          %mul3A_269 = arith.muli %scan3A_101, %mul3A_268 : i32
          %add3A_270 = arith.constant 5 : i32
          %add3A_271 = arith.addi %mul3A_269, %add3A_270 : i32
          %get3A_272 = arith.constant 1 : i32
          %get3A_273 = arith.index_cast %get3A_272 : i32 to index
          %get3A_274 = arith.index_cast %add3A_271 : i32 to index
          %get3A_275 = arith.index_cast %add3A_210 : i32 to index
          %get3A_276 = tpu.vector_load %arg7[%get3A_273, %get3A_274, %get3A_275] {strides = array<i32>} : memref<2x64x768xf32, #tpu.memory_space<vmem>>, vector<1x1x16xf32>,
          %get3A_277 = vector.shape_cast %get3A_276 : vector<1x1x16xf32> to vector<16xf32>
          %mul3A_278 = arith.mulf %gather3A_176, %get3A_277 : vector<16xf32>
          %add3A_279 = arith.addf %add3A_267, %mul3A_278 : vector<16xf32>
          %mul3A_280 = arith.constant 8 : i32
          %mul3A_281 = arith.muli %scan3A_101, %mul3A_280 : i32
          %add3A_282 = arith.constant 6 : i32
          %add3A_283 = arith.addi %mul3A_281, %add3A_282 : i32
          %get3A_284 = arith.constant 1 : i32
          %get3A_285 = arith.index_cast %get3A_284 : i32 to index
          %get3A_286 = arith.index_cast %add3A_283 : i32 to index
          %get3A_287 = arith.index_cast %add3A_210 : i32 to index
          %get3A_288 = tpu.vector_load %arg7[%get3A_285, %get3A_286, %get3A_287] {strides = array<i32>} : memref<2x64x768xf32, #tpu.memory_space<vmem>>, vector<1x1x16xf32>,
          %get3A_289 = vector.shape_cast %get3A_288 : vector<1x1x16xf32> to vector<16xf32>
          %mul3A_290 = arith.mulf %gather3A_188, %get3A_289 : vector<16xf32>
          %add3A_291 = arith.addf %add3A_279, %mul3A_290 : vector<16xf32>
          %mul3A_292 = arith.constant 8 : i32
          %mul3A_293 = arith.muli %scan3A_101, %mul3A_292 : i32
          %add3A_294 = arith.constant 7 : i32
          %add3A_295 = arith.addi %mul3A_293, %add3A_294 : i32
          %get3A_296 = arith.constant 1 : i32
          %get3A_297 = arith.index_cast %get3A_296 : i32 to index
          %get3A_298 = arith.index_cast %add3A_295 : i32 to index
          %get3A_299 = arith.index_cast %add3A_210 : i32 to index
          %get3A_300 = tpu.vector_load %arg7[%get3A_297, %get3A_298, %get3A_299] {strides = array<i32>} : memref<2x64x768xf32, #tpu.memory_space<vmem>>, vector<1x1x16xf32>,
          %get3A_301 = vector.shape_cast %get3A_300 : vector<1x1x16xf32> to vector<16xf32>
          %mul3A_302 = arith.mulf %gather3A_200, %get3A_301 : vector<16xf32>
          %add3A_303 = arith.addf %add3A_291, %mul3A_302 : vector<16xf32>
          %swap3A = arith.index_cast %scan3A_101 : i32 to index
          %swap3A_304 = arith.index_cast %add3A_210 : i32 to index
          %swap3A_305 = tpu.vector_load %arg9[%swap3A, %swap3A_304] {strides = array<i32>} : memref<8x768xf32, #tpu.memory_space<vmem>>, vector<1x16xf32>,
          %swap3A_306 = vector.shape_cast %swap3A_305 : vector<1x16xf32> to vector<16xf32>
          %swap3A_307 = vector.shape_cast %add3A_303 : vector<16xf32> to vector<1x16xf32>
          tpu.vector_store %arg9[%swap3A, %swap3A_304], %swap3A_307 {strides = array<i32>} : memref<8x768xf32, #tpu.memory_space<vmem>>, vector<1x16xf32>,
          %mul3A_308 = arith.constant 64 : i32
          %mul3A_309 = arith.muli %scan3A_206, %mul3A_308 : i32
          %add3A_310 = arith.constant 16 : i32
          %add3A_311 = arith.addi %mul3A_309, %add3A_310 : i32
          %mul3A_312 = arith.constant 8 : i32
          %mul3A_313 = arith.muli %scan3A_101, %mul3A_312 : i32
          %get3A_314 = arith.constant 1 : i32
          %get3A_315 = arith.index_cast %get3A_314 : i32 to index
          %get3A_316 = arith.index_cast %mul3A_313 : i32 to index
          %get3A_317 = arith.index_cast %add3A_311 : i32 to index
          %get3A_318 = tpu.vector_load %arg7[%get3A_315, %get3A_316, %get3A_317] {strides = array<i32>} : memref<2x64x768xf32, #tpu.memory_space<vmem>>, vector<1x1x16xf32>,
          %get3A_319 = vector.shape_cast %get3A_318 : vector<1x1x16xf32> to vector<16xf32>
          %mul3A_320 = arith.mulf %gather3A_116, %get3A_319 : vector<16xf32>
          %mul3A_321 = arith.constant 8 : i32
          %mul3A_322 = arith.muli %scan3A_101, %mul3A_321 : i32
          %add3A_323 = arith.constant 1 : i32
          %add3A_324 = arith.addi %mul3A_322, %add3A_323 : i32
          %get3A_325 = arith.constant 1 : i32
          %get3A_326 = arith.index_cast %get3A_325 : i32 to index
          %get3A_327 = arith.index_cast %add3A_324 : i32 to index
          %get3A_328 = arith.index_cast %add3A_311 : i32 to index
          %get3A_329 = tpu.vector_load %arg7[%get3A_326, %get3A_327, %get3A_328] {strides = array<i32>} : memref<2x64x768xf32, #tpu.memory_space<vmem>>, vector<1x1x16xf32>,
          %get3A_330 = vector.shape_cast %get3A_329 : vector<1x1x16xf32> to vector<16xf32>
          %mul3A_331 = arith.mulf %gather3A_128, %get3A_330 : vector<16xf32>
          %add3A_332 = arith.addf %mul3A_320, %mul3A_331 : vector<16xf32>
          %mul3A_333 = arith.constant 8 : i32
          %mul3A_334 = arith.muli %scan3A_101, %mul3A_333 : i32
          %add3A_335 = arith.constant 2 : i32
          %add3A_336 = arith.addi %mul3A_334, %add3A_335 : i32
          %get3A_337 = arith.constant 1 : i32
          %get3A_338 = arith.index_cast %get3A_337 : i32 to index
          %get3A_339 = arith.index_cast %add3A_336 : i32 to index
          %get3A_340 = arith.index_cast %add3A_311 : i32 to index
          %get3A_341 = tpu.vector_load %arg7[%get3A_338, %get3A_339, %get3A_340] {strides = array<i32>} : memref<2x64x768xf32, #tpu.memory_space<vmem>>, vector<1x1x16xf32>,
          %get3A_342 = vector.shape_cast %get3A_341 : vector<1x1x16xf32> to vector<16xf32>
          %mul3A_343 = arith.mulf %gather3A_140, %get3A_342 : vector<16xf32>
          %add3A_344 = arith.addf %add3A_332, %mul3A_343 : vector<16xf32>
          %mul3A_345 = arith.constant 8 : i32
          %mul3A_346 = arith.muli %scan3A_101, %mul3A_345 : i32
          %add3A_347 = arith.constant 3 : i32
          %add3A_348 = arith.addi %mul3A_346, %add3A_347 : i32
          %get3A_349 = arith.constant 1 : i32
          %get3A_350 = arith.index_cast %get3A_349 : i32 to index
          %get3A_351 = arith.index_cast %add3A_348 : i32 to index
          %get3A_352 = arith.index_cast %add3A_311 : i32 to index
          %get3A_353 = tpu.vector_load %arg7[%get3A_350, %get3A_351, %get3A_352] {strides = array<i32>} : memref<2x64x768xf32, #tpu.memory_space<vmem>>, vector<1x1x16xf32>,
          %get3A_354 = vector.shape_cast %get3A_353 : vector<1x1x16xf32> to vector<16xf32>
          %mul3A_355 = arith.mulf %gather3A_152, %get3A_354 : vector<16xf32>
          %add3A_356 = arith.addf %add3A_344, %mul3A_355 : vector<16xf32>
          %mul3A_357 = arith.constant 8 : i32
          %mul3A_358 = arith.muli %scan3A_101, %mul3A_357 : i32
          %add3A_359 = arith.constant 4 : i32
          %add3A_360 = arith.addi %mul3A_358, %add3A_359 : i32
          %get3A_361 = arith.constant 1 : i32
          %get3A_362 = arith.index_cast %get3A_361 : i32 to index
          %get3A_363 = arith.index_cast %add3A_360 : i32 to index
          %get3A_364 = arith.index_cast %add3A_311 : i32 to index
          %get3A_365 = tpu.vector_load %arg7[%get3A_362, %get3A_363, %get3A_364] {strides = array<i32>} : memref<2x64x768xf32, #tpu.memory_space<vmem>>, vector<1x1x16xf32>,
          %get3A_366 = vector.shape_cast %get3A_365 : vector<1x1x16xf32> to vector<16xf32>
          %mul3A_367 = arith.mulf %gather3A_164, %get3A_366 : vector<16xf32>
          %add3A_368 = arith.addf %add3A_356, %mul3A_367 : vector<16xf32>
          %mul3A_369 = arith.constant 8 : i32
          %mul3A_370 = arith.muli %scan3A_101, %mul3A_369 : i32
          %add3A_371 = arith.constant 5 : i32
          %add3A_372 = arith.addi %mul3A_370, %add3A_371 : i32
          %get3A_373 = arith.constant 1 : i32
          %get3A_374 = arith.index_cast %get3A_373 : i32 to index
          %get3A_375 = arith.index_cast %add3A_372 : i32 to index
          %get3A_376 = arith.index_cast %add3A_311 : i32 to index
          %get3A_377 = tpu.vector_load %arg7[%get3A_374, %get3A_375, %get3A_376] {strides = array<i32>} : memref<2x64x768xf32, #tpu.memory_space<vmem>>, vector<1x1x16xf32>,
          %get3A_378 = vector.shape_cast %get3A_377 : vector<1x1x16xf32> to vector<16xf32>
          %mul3A_379 = arith.mulf %gather3A_176, %get3A_378 : vector<16xf32>
          %add3A_380 = arith.addf %add3A_368, %mul3A_379 : vector<16xf32>
          %mul3A_381 = arith.constant 8 : i32
          %mul3A_382 = arith.muli %scan3A_101, %mul3A_381 : i32
          %add3A_383 = arith.constant 6 : i32
          %add3A_384 = arith.addi %mul3A_382, %add3A_383 : i32
          %get3A_385 = arith.constant 1 : i32
          %get3A_386 = arith.index_cast %get3A_385 : i32 to index
          %get3A_387 = arith.index_cast %add3A_384 : i32 to index
          %get3A_388 = arith.index_cast %add3A_311 : i32 to index
          %get3A_389 = tpu.vector_load %arg7[%get3A_386, %get3A_387, %get3A_388] {strides = array<i32>} : memref<2x64x768xf32, #tpu.memory_space<vmem>>, vector<1x1x16xf32>,
          %get3A_390 = vector.shape_cast %get3A_389 : vector<1x1x16xf32> to vector<16xf32>
          %mul3A_391 = arith.mulf %gather3A_188, %get3A_390 : vector<16xf32>
          %add3A_392 = arith.addf %add3A_380, %mul3A_391 : vector<16xf32>
          %mul3A_393 = arith.constant 8 : i32
          %mul3A_394 = arith.muli %scan3A_101, %mul3A_393 : i32
          %add3A_395 = arith.constant 7 : i32
          %add3A_396 = arith.addi %mul3A_394, %add3A_395 : i32
          %get3A_397 = arith.constant 1 : i32
          %get3A_398 = arith.index_cast %get3A_397 : i32 to index
          %get3A_399 = arith.index_cast %add3A_396 : i32 to index
          %get3A_400 = arith.index_cast %add3A_311 : i32 to index
          %get3A_401 = tpu.vector_load %arg7[%get3A_398, %get3A_399, %get3A_400] {strides = array<i32>} : memref<2x64x768xf32, #tpu.memory_space<vmem>>, vector<1x1x16xf32>,
          %get3A_402 = vector.shape_cast %get3A_401 : vector<1x1x16xf32> to vector<16xf32>
          %mul3A_403 = arith.mulf %gather3A_200, %get3A_402 : vector<16xf32>
          %add3A_404 = arith.addf %add3A_392, %mul3A_403 : vector<16xf32>
          %swap3A_405 = arith.index_cast %scan3A_101 : i32 to index
          %swap3A_406 = arith.index_cast %add3A_311 : i32 to index
          %swap3A_407 = tpu.vector_load %arg9[%swap3A_405, %swap3A_406] {strides = array<i32>} : memref<8x768xf32, #tpu.memory_space<vmem>>, vector<1x16xf32>,
          %swap3A_408 = vector.shape_cast %swap3A_407 : vector<1x16xf32> to vector<16xf32>
          %swap3A_409 = vector.shape_cast %add3A_404 : vector<16xf32> to vector<1x16xf32>
          tpu.vector_store %arg9[%swap3A_405, %swap3A_406], %swap3A_409 {strides = array<i32>} : memref<8x768xf32, #tpu.memory_space<vmem>>, vector<1x16xf32>,
          %mul3A_410 = arith.constant 64 : i32
          %mul3A_411 = arith.muli %scan3A_206, %mul3A_410 : i32
          %add3A_412 = arith.constant 32 : i32
          %add3A_413 = arith.addi %mul3A_411, %add3A_412 : i32
          %mul3A_414 = arith.constant 8 : i32
          %mul3A_415 = arith.muli %scan3A_101, %mul3A_414 : i32
          %get3A_416 = arith.constant 1 : i32
          %get3A_417 = arith.index_cast %get3A_416 : i32 to index
          %get3A_418 = arith.index_cast %mul3A_415 : i32 to index
          %get3A_419 = arith.index_cast %add3A_413 : i32 to index
          %get3A_420 = tpu.vector_load %arg7[%get3A_417, %get3A_418, %get3A_419] {strides = array<i32>} : memref<2x64x768xf32, #tpu.memory_space<vmem>>, vector<1x1x16xf32>,
          %get3A_421 = vector.shape_cast %get3A_420 : vector<1x1x16xf32> to vector<16xf32>
          %mul3A_422 = arith.mulf %gather3A_116, %get3A_421 : vector<16xf32>
          %mul3A_423 = arith.constant 8 : i32
          %mul3A_424 = arith.muli %scan3A_101, %mul3A_423 : i32
          %add3A_425 = arith.constant 1 : i32
          %add3A_426 = arith.addi %mul3A_424, %add3A_425 : i32
          %get3A_427 = arith.constant 1 : i32
          %get3A_428 = arith.index_cast %get3A_427 : i32 to index
          %get3A_429 = arith.index_cast %add3A_426 : i32 to index
          %get3A_430 = arith.index_cast %add3A_413 : i32 to index
          %get3A_431 = tpu.vector_load %arg7[%get3A_428, %get3A_429, %get3A_430] {strides = array<i32>} : memref<2x64x768xf32, #tpu.memory_space<vmem>>, vector<1x1x16xf32>,
          %get3A_432 = vector.shape_cast %get3A_431 : vector<1x1x16xf32> to vector<16xf32>
          %mul3A_433 = arith.mulf %gather3A_128, %get3A_432 : vector<16xf32>
          %add3A_434 = arith.addf %mul3A_422, %mul3A_433 : vector<16xf32>
          %mul3A_435 = arith.constant 8 : i32
          %mul3A_436 = arith.muli %scan3A_101, %mul3A_435 : i32
          %add3A_437 = arith.constant 2 : i32
          %add3A_438 = arith.addi %mul3A_436, %add3A_437 : i32
          %get3A_439 = arith.constant 1 : i32
          %get3A_440 = arith.index_cast %get3A_439 : i32 to index
          %get3A_441 = arith.index_cast %add3A_438 : i32 to index
          %get3A_442 = arith.index_cast %add3A_413 : i32 to index
          %get3A_443 = tpu.vector_load %arg7[%get3A_440, %get3A_441, %get3A_442] {strides = array<i32>} : memref<2x64x768xf32, #tpu.memory_space<vmem>>, vector<1x1x16xf32>,
          %get3A_444 = vector.shape_cast %get3A_443 : vector<1x1x16xf32> to vector<16xf32>
          %mul3A_445 = arith.mulf %gather3A_140, %get3A_444 : vector<16xf32>
          %add3A_446 = arith.addf %add3A_434, %mul3A_445 : vector<16xf32>
          %mul3A_447 = arith.constant 8 : i32
          %mul3A_448 = arith.muli %scan3A_101, %mul3A_447 : i32
          %add3A_449 = arith.constant 3 : i32
          %add3A_450 = arith.addi %mul3A_448, %add3A_449 : i32
          %get3A_451 = arith.constant 1 : i32
          %get3A_452 = arith.index_cast %get3A_451 : i32 to index
          %get3A_453 = arith.index_cast %add3A_450 : i32 to index
          %get3A_454 = arith.index_cast %add3A_413 : i32 to index
          %get3A_455 = tpu.vector_load %arg7[%get3A_452, %get3A_453, %get3A_454] {strides = array<i32>} : memref<2x64x768xf32, #tpu.memory_space<vmem>>, vector<1x1x16xf32>,
          %get3A_456 = vector.shape_cast %get3A_455 : vector<1x1x16xf32> to vector<16xf32>
          %mul3A_457 = arith.mulf %gather3A_152, %get3A_456 : vector<16xf32>
          %add3A_458 = arith.addf %add3A_446, %mul3A_457 : vector<16xf32>
          %mul3A_459 = arith.constant 8 : i32
          %mul3A_460 = arith.muli %scan3A_101, %mul3A_459 : i32
          %add3A_461 = arith.constant 4 : i32
          %add3A_462 = arith.addi %mul3A_460, %add3A_461 : i32
          %get3A_463 = arith.constant 1 : i32
          %get3A_464 = arith.index_cast %get3A_463 : i32 to index
          %get3A_465 = arith.index_cast %add3A_462 : i32 to index
          %get3A_466 = arith.index_cast %add3A_413 : i32 to index
          %get3A_467 = tpu.vector_load %arg7[%get3A_464, %get3A_465, %get3A_466] {strides = array<i32>} : memref<2x64x768xf32, #tpu.memory_space<vmem>>, vector<1x1x16xf32>,
          %get3A_468 = vector.shape_cast %get3A_467 : vector<1x1x16xf32> to vector<16xf32>
          %mul3A_469 = arith.mulf %gather3A_164, %get3A_468 : vector<16xf32>
          %add3A_470 = arith.addf %add3A_458, %mul3A_469 : vector<16xf32>
          %mul3A_471 = arith.constant 8 : i32
          %mul3A_472 = arith.muli %scan3A_101, %mul3A_471 : i32
          %add3A_473 = arith.constant 5 : i32
          %add3A_474 = arith.addi %mul3A_472, %add3A_473 : i32
          %get3A_475 = arith.constant 1 : i32
          %get3A_476 = arith.index_cast %get3A_475 : i32 to index
          %get3A_477 = arith.index_cast %add3A_474 : i32 to index
          %get3A_478 = arith.index_cast %add3A_413 : i32 to index
          %get3A_479 = tpu.vector_load %arg7[%get3A_476, %get3A_477, %get3A_478] {strides = array<i32>} : memref<2x64x768xf32, #tpu.memory_space<vmem>>, vector<1x1x16xf32>,
          %get3A_480 = vector.shape_cast %get3A_479 : vector<1x1x16xf32> to vector<16xf32>
          %mul3A_481 = arith.mulf %gather3A_176, %get3A_480 : vector<16xf32>
          %add3A_482 = arith.addf %add3A_470, %mul3A_481 : vector<16xf32>
          %mul3A_483 = arith.constant 8 : i32
          %mul3A_484 = arith.muli %scan3A_101, %mul3A_483 : i32
          %add3A_485 = arith.constant 6 : i32
          %add3A_486 = arith.addi %mul3A_484, %add3A_485 : i32
          %get3A_487 = arith.constant 1 : i32
          %get3A_488 = arith.index_cast %get3A_487 : i32 to index
          %get3A_489 = arith.index_cast %add3A_486 : i32 to index
          %get3A_490 = arith.index_cast %add3A_413 : i32 to index
          %get3A_491 = tpu.vector_load %arg7[%get3A_488, %get3A_489, %get3A_490] {strides = array<i32>} : memref<2x64x768xf32, #tpu.memory_space<vmem>>, vector<1x1x16xf32>,
          %get3A_492 = vector.shape_cast %get3A_491 : vector<1x1x16xf32> to vector<16xf32>
          %mul3A_493 = arith.mulf %gather3A_188, %get3A_492 : vector<16xf32>
          %add3A_494 = arith.addf %add3A_482, %mul3A_493 : vector<16xf32>
          %mul3A_495 = arith.constant 8 : i32
          %mul3A_496 = arith.muli %scan3A_101, %mul3A_495 : i32
          %add3A_497 = arith.constant 7 : i32
          %add3A_498 = arith.addi %mul3A_496, %add3A_497 : i32
          %get3A_499 = arith.constant 1 : i32
          %get3A_500 = arith.index_cast %get3A_499 : i32 to index
          %get3A_501 = arith.index_cast %add3A_498 : i32 to index
          %get3A_502 = arith.index_cast %add3A_413 : i32 to index
          %get3A_503 = tpu.vector_load %arg7[%get3A_500, %get3A_501, %get3A_502] {strides = array<i32>} : memref<2x64x768xf32, #tpu.memory_space<vmem>>, vector<1x1x16xf32>,
          %get3A_504 = vector.shape_cast %get3A_503 : vector<1x1x16xf32> to vector<16xf32>
          %mul3A_505 = arith.mulf %gather3A_200, %get3A_504 : vector<16xf32>
          %add3A_506 = arith.addf %add3A_494, %mul3A_505 : vector<16xf32>
          %swap3A_507 = arith.index_cast %scan3A_101 : i32 to index
          %swap3A_508 = arith.index_cast %add3A_413 : i32 to index
          %swap3A_509 = tpu.vector_load %arg9[%swap3A_507, %swap3A_508] {strides = array<i32>} : memref<8x768xf32, #tpu.memory_space<vmem>>, vector<1x16xf32>,
          %swap3A_510 = vector.shape_cast %swap3A_509 : vector<1x16xf32> to vector<16xf32>
          %swap3A_511 = vector.shape_cast %add3A_506 : vector<16xf32> to vector<1x16xf32>
          tpu.vector_store %arg9[%swap3A_507, %swap3A_508], %swap3A_511 {strides = array<i32>} : memref<8x768xf32, #tpu.memory_space<vmem>>, vector<1x16xf32>,
          %mul3A_512 = arith.constant 64 : i32
          %mul3A_513 = arith.muli %scan3A_206, %mul3A_512 : i32
          %add3A_514 = arith.constant 48 : i32
          %add3A_515 = arith.addi %mul3A_513, %add3A_514 : i32
          %mul3A_516 = arith.constant 8 : i32
          %mul3A_517 = arith.muli %scan3A_101, %mul3A_516 : i32
          %get3A_518 = arith.constant 1 : i32
          %get3A_519 = arith.index_cast %get3A_518 : i32 to index
          %get3A_520 = arith.index_cast %mul3A_517 : i32 to index
          %get3A_521 = arith.index_cast %add3A_515 : i32 to index
          %get3A_522 = tpu.vector_load %arg7[%get3A_519, %get3A_520, %get3A_521] {strides = array<i32>} : memref<2x64x768xf32, #tpu.memory_space<vmem>>, vector<1x1x16xf32>,
          %get3A_523 = vector.shape_cast %get3A_522 : vector<1x1x16xf32> to vector<16xf32>
          %mul3A_524 = arith.mulf %gather3A_116, %get3A_523 : vector<16xf32>
          %mul3A_525 = arith.constant 8 : i32
          %mul3A_526 = arith.muli %scan3A_101, %mul3A_525 : i32
          %add3A_527 = arith.constant 1 : i32
          %add3A_528 = arith.addi %mul3A_526, %add3A_527 : i32
          %get3A_529 = arith.constant 1 : i32
          %get3A_530 = arith.index_cast %get3A_529 : i32 to index
          %get3A_531 = arith.index_cast %add3A_528 : i32 to index
          %get3A_532 = arith.index_cast %add3A_515 : i32 to index
          %get3A_533 = tpu.vector_load %arg7[%get3A_530, %get3A_531, %get3A_532] {strides = array<i32>} : memref<2x64x768xf32, #tpu.memory_space<vmem>>, vector<1x1x16xf32>,
          %get3A_534 = vector.shape_cast %get3A_533 : vector<1x1x16xf32> to vector<16xf32>
          %mul3A_535 = arith.mulf %gather3A_128, %get3A_534 : vector<16xf32>
          %add3A_536 = arith.addf %mul3A_524, %mul3A_535 : vector<16xf32>
          %mul3A_537 = arith.constant 8 : i32
          %mul3A_538 = arith.muli %scan3A_101, %mul3A_537 : i32
          %add3A_539 = arith.constant 2 : i32
          %add3A_540 = arith.addi %mul3A_538, %add3A_539 : i32
          %get3A_541 = arith.constant 1 : i32
          %get3A_542 = arith.index_cast %get3A_541 : i32 to index
          %get3A_543 = arith.index_cast %add3A_540 : i32 to index
          %get3A_544 = arith.index_cast %add3A_515 : i32 to index
          %get3A_545 = tpu.vector_load %arg7[%get3A_542, %get3A_543, %get3A_544] {strides = array<i32>} : memref<2x64x768xf32, #tpu.memory_space<vmem>>, vector<1x1x16xf32>,
          %get3A_546 = vector.shape_cast %get3A_545 : vector<1x1x16xf32> to vector<16xf32>
          %mul3A_547 = arith.mulf %gather3A_140, %get3A_546 : vector<16xf32>
          %add3A_548 = arith.addf %add3A_536, %mul3A_547 : vector<16xf32>
          %mul3A_549 = arith.constant 8 : i32
          %mul3A_550 = arith.muli %scan3A_101, %mul3A_549 : i32
          %add3A_551 = arith.constant 3 : i32
          %add3A_552 = arith.addi %mul3A_550, %add3A_551 : i32
          %get3A_553 = arith.constant 1 : i32
          %get3A_554 = arith.index_cast %get3A_553 : i32 to index
          %get3A_555 = arith.index_cast %add3A_552 : i32 to index
          %get3A_556 = arith.index_cast %add3A_515 : i32 to index
          %get3A_557 = tpu.vector_load %arg7[%get3A_554, %get3A_555, %get3A_556] {strides = array<i32>} : memref<2x64x768xf32, #tpu.memory_space<vmem>>, vector<1x1x16xf32>,
          %get3A_558 = vector.shape_cast %get3A_557 : vector<1x1x16xf32> to vector<16xf32>
          %mul3A_559 = arith.mulf %gather3A_152, %get3A_558 : vector<16xf32>
          %add3A_560 = arith.addf %add3A_548, %mul3A_559 : vector<16xf32>
          %mul3A_561 = arith.constant 8 : i32
          %mul3A_562 = arith.muli %scan3A_101, %mul3A_561 : i32
          %add3A_563 = arith.constant 4 : i32
          %add3A_564 = arith.addi %mul3A_562, %add3A_563 : i32
          %get3A_565 = arith.constant 1 : i32
          %get3A_566 = arith.index_cast %get3A_565 : i32 to index
          %get3A_567 = arith.index_cast %add3A_564 : i32 to index
          %get3A_568 = arith.index_cast %add3A_515 : i32 to index
          %get3A_569 = tpu.vector_load %arg7[%get3A_566, %get3A_567, %get3A_568] {strides = array<i32>} : memref<2x64x768xf32, #tpu.memory_space<vmem>>, vector<1x1x16xf32>,
          %get3A_570 = vector.shape_cast %get3A_569 : vector<1x1x16xf32> to vector<16xf32>
          %mul3A_571 = arith.mulf %gather3A_164, %get3A_570 : vector<16xf32>
          %add3A_572 = arith.addf %add3A_560, %mul3A_571 : vector<16xf32>
          %mul3A_573 = arith.constant 8 : i32
          %mul3A_574 = arith.muli %scan3A_101, %mul3A_573 : i32
          %add3A_575 = arith.constant 5 : i32
          %add3A_576 = arith.addi %mul3A_574, %add3A_575 : i32
          %get3A_577 = arith.constant 1 : i32
          %get3A_578 = arith.index_cast %get3A_577 : i32 to index
          %get3A_579 = arith.index_cast %add3A_576 : i32 to index
          %get3A_580 = arith.index_cast %add3A_515 : i32 to index
          %get3A_581 = tpu.vector_load %arg7[%get3A_578, %get3A_579, %get3A_580] {strides = array<i32>} : memref<2x64x768xf32, #tpu.memory_space<vmem>>, vector<1x1x16xf32>,
          %get3A_582 = vector.shape_cast %get3A_581 : vector<1x1x16xf32> to vector<16xf32>
          %mul3A_583 = arith.mulf %gather3A_176, %get3A_582 : vector<16xf32>
          %add3A_584 = arith.addf %add3A_572, %mul3A_583 : vector<16xf32>
          %mul3A_585 = arith.constant 8 : i32
          %mul3A_586 = arith.muli %scan3A_101, %mul3A_585 : i32
          %add3A_587 = arith.constant 6 : i32
          %add3A_588 = arith.addi %mul3A_586, %add3A_587 : i32
          %get3A_589 = arith.constant 1 : i32
          %get3A_590 = arith.index_cast %get3A_589 : i32 to index
          %get3A_591 = arith.index_cast %add3A_588 : i32 to index
          %get3A_592 = arith.index_cast %add3A_515 : i32 to index
          %get3A_593 = tpu.vector_load %arg7[%get3A_590, %get3A_591, %get3A_592] {strides = array<i32>} : memref<2x64x768xf32, #tpu.memory_space<vmem>>, vector<1x1x16xf32>,
          %get3A_594 = vector.shape_cast %get3A_593 : vector<1x1x16xf32> to vector<16xf32>
          %mul3A_595 = arith.mulf %gather3A_188, %get3A_594 : vector<16xf32>
          %add3A_596 = arith.addf %add3A_584, %mul3A_595 : vector<16xf32>
          %mul3A_597 = arith.constant 8 : i32
          %mul3A_598 = arith.muli %scan3A_101, %mul3A_597 : i32
          %add3A_599 = arith.constant 7 : i32
          %add3A_600 = arith.addi %mul3A_598, %add3A_599 : i32
          %get3A_601 = arith.constant 1 : i32
          %get3A_602 = arith.index_cast %get3A_601 : i32 to index
          %get3A_603 = arith.index_cast %add3A_600 : i32 to index
          %get3A_604 = arith.index_cast %add3A_515 : i32 to index
          %get3A_605 = tpu.vector_load %arg7[%get3A_602, %get3A_603, %get3A_604] {strides = array<i32>} : memref<2x64x768xf32, #tpu.memory_space<vmem>>, vector<1x1x16xf32>,
          %get3A_606 = vector.shape_cast %get3A_605 : vector<1x1x16xf32> to vector<16xf32>
          %mul3A_607 = arith.mulf %gather3A_200, %get3A_606 : vector<16xf32>
          %add3A_608 = arith.addf %add3A_596, %mul3A_607 : vector<16xf32>
          %swap3A_609 = arith.index_cast %scan3A_101 : i32 to index
          %swap3A_610 = arith.index_cast %add3A_515 : i32 to index
          %swap3A_611 = tpu.vector_load %arg9[%swap3A_609, %swap3A_610] {strides = array<i32>} : memref<8x768xf32, #tpu.memory_space<vmem>>, vector<1x16xf32>,
          %swap3A_612 = vector.shape_cast %swap3A_611 : vector<1x16xf32> to vector<16xf32>
          %swap3A_613 = vector.shape_cast %add3A_608 : vector<16xf32> to vector<1x16xf32>
          tpu.vector_store %arg9[%swap3A_609, %swap3A_610], %swap3A_613 {strides = array<i32>} : memref<8x768xf32, #tpu.memory_space<vmem>>, vector<1x16xf32>,
        }
        %scan3A_205 = arith.constant 12 : i32
      }
      %scan3A_90 = arith.constant 8 : i32
      %mul3A_91 = arith.constant 8 : i32
      %mul3A_92 = arith.muli %add3A_72, %mul3A_91 : i32
      %add3A_93 = arith.addi %mul3A_2, %mul3A_92 : i32
      "tpu.region"() ({
        %run_scoped3A_101 = tpu.sem_alloc : memref<!tpu.dma_semaphore, #tpu.memory_space<semaphore_mem>>
        %dma_start3A_102 = arith.constant 0 : i32
        %dma_start3A_103 = tpu.memref_slice %arg5[%add3A_93, %dma_start3A_102] : memref<4096x768xf32, #tpu.memory_space<hbm>> -> memref<8x768xf32, #tpu.memory_space<hbm>>
        %dma_start3A_104 = arith.constant 0 : i32
        %dma_start3A_105 = tpu.memref_slice %arg5[%add3A_93, %dma_start3A_104] : memref<4096x768xf32, #tpu.memory_space<hbm>> -> memref<8x768xf32, #tpu.memory_space<hbm>>
        tpu.enqueue_dma source(%arg9 : memref<8x768xf32, #tpu.memory_space<vmem>>) target(%dma_start3A_105 : memref<8x768xf32, #tpu.memory_space<hbm>>) target_semaphore(%run_scoped3A_101 : memref<!tpu.dma_semaphore, #tpu.memory_space<semaphore_mem>>)
        %dma_wait3A_106 = arith.constant 0 : i32
        %dma_wait3A_107 = tpu.memref_slice %arg5[%add3A_93, %dma_wait3A_106] : memref<4096x768xf32, #tpu.memory_space<hbm>> -> memref<8x768xf32, #tpu.memory_space<hbm>>
        %dma_wait3A_108 = arith.constant 0 : i32
        %dma_wait3A_109 = tpu.memref_slice %arg5[%add3A_93, %dma_wait3A_108] : memref<4096x768xf32, #tpu.memory_space<hbm>> -> memref<8x768xf32, #tpu.memory_space<hbm>>
        tpu.wait_dma2 semaphore(%run_scoped3A_101 : memref<!tpu.dma_semaphore, #tpu.memory_space<semaphore_mem>>) src(%arg9 : memref<8x768xf32, #tpu.memory_space<vmem>>) dst(%dma_wait3A_109 : memref<8x768xf32, #tpu.memory_space<hbm>>)
        tpu.yield
      }) : () -> ()
      %add3A_94 = arith.constant 2 : i32
      %add3A_95 = arith.addi %add3A_72, %add3A_94 : i32
      %lt3A_96 = arith.constant 16 : i32
      %lt3A_97 = arith.cmpi slt, %add3A_95, %lt3A_96 : i32
      %convert_element_type3A_98 = arith.extui %lt3A_97 : i1 to i32
      %cond3A_99 = arith.constant 0 : i32
      %cond3A_100 = arith.cmpi ne, %convert_element_type3A_98, %cond3A_99 : i32
      scf.if %cond3A_100 {
        %add3A_101 = arith.constant 2 : i32
        %add3A_102 = arith.addi %add3A_72, %add3A_101 : i32
        %mul3A_103 = arith.constant 8 : i32
        %mul3A_104 = arith.muli %add3A_102, %mul3A_103 : i32
        %add3A_105 = arith.addi %mul3A_2, %mul3A_104 : i32
        %mul3A_106 = arith.constant 8 : i32
        %mul3A_107 = arith.muli %add3A_105, %mul3A_106 : i32
        %run_scoped3A_108 = arith.constant 1 : i32
        "tpu.region"() ({
          %run_scoped3A_121 = tpu.sem_alloc : memref<!tpu.dma_semaphore, #tpu.memory_space<semaphore_mem>>
          %dma_start3A_122 = arith.constant 0 : i32
          %dma_start3A_123 = tpu.memref_slice %arg6[%run_scoped3A_108, %dma_start3A_122] : memref<2x64xi32, #tpu.memory_space<vmem>> -> memref<1x64xi32, #tpu.memory_space<vmem>>
          %dma_start3A_124 = tpu.memref_squeeze %dma_start3A_123 : memref<1x64xi32, #tpu.memory_space<vmem>> -> memref<64xi32, #tpu.memory_space<vmem>>
          %dma_start3A_125 = tpu.memref_slice %arg3[%mul3A_107] : memref<32768xi32, #tpu.memory_space<hbm>> -> memref<64xi32, #tpu.memory_space<hbm>>
          %dma_start3A_126 = arith.constant 0 : i32
          %dma_start3A_127 = tpu.memref_slice %arg6[%run_scoped3A_108, %dma_start3A_126] : memref<2x64xi32, #tpu.memory_space<vmem>> -> memref<1x64xi32, #tpu.memory_space<vmem>>
          %dma_start3A_128 = tpu.memref_squeeze %dma_start3A_127 : memref<1x64xi32, #tpu.memory_space<vmem>> -> memref<64xi32, #tpu.memory_space<vmem>>
          %dma_start3A_129 = tpu.memref_slice %arg3[%mul3A_107] : memref<32768xi32, #tpu.memory_space<hbm>> -> memref<64xi32, #tpu.memory_space<hbm>>
          tpu.enqueue_dma source(%dma_start3A_129 : memref<64xi32, #tpu.memory_space<hbm>>) target(%dma_start3A_128 : memref<64xi32, #tpu.memory_space<vmem>>) target_semaphore(%run_scoped3A_121 : memref<!tpu.dma_semaphore, #tpu.memory_space<semaphore_mem>>)
          %dma_wait3A_130 = arith.constant 0 : i32
          %dma_wait3A_131 = tpu.memref_slice %arg6[%run_scoped3A_108, %dma_wait3A_130] : memref<2x64xi32, #tpu.memory_space<vmem>> -> memref<1x64xi32, #tpu.memory_space<vmem>>
          %dma_wait3A_132 = tpu.memref_squeeze %dma_wait3A_131 : memref<1x64xi32, #tpu.memory_space<vmem>> -> memref<64xi32, #tpu.memory_space<vmem>>
          %dma_wait3A_133 = tpu.memref_slice %arg3[%mul3A_107] : memref<32768xi32, #tpu.memory_space<hbm>> -> memref<64xi32, #tpu.memory_space<hbm>>
          %dma_wait3A_134 = arith.constant 0 : i32
          %dma_wait3A_135 = tpu.memref_slice %arg6[%run_scoped3A_108, %dma_wait3A_134] : memref<2x64xi32, #tpu.memory_space<vmem>> -> memref<1x64xi32, #tpu.memory_space<vmem>>
          %dma_wait3A_136 = tpu.memref_squeeze %dma_wait3A_135 : memref<1x64xi32, #tpu.memory_space<vmem>> -> memref<64xi32, #tpu.memory_space<vmem>>
          %dma_wait3A_137 = tpu.memref_slice %arg3[%mul3A_107] : memref<32768xi32, #tpu.memory_space<hbm>> -> memref<64xi32, #tpu.memory_space<hbm>>
          tpu.wait_dma2 semaphore(%run_scoped3A_121 : memref<!tpu.dma_semaphore, #tpu.memory_space<semaphore_mem>>) src(%dma_wait3A_137 : memref<64xi32, #tpu.memory_space<hbm>>) dst(%dma_wait3A_136 : memref<64xi32, #tpu.memory_space<vmem>>)
          tpu.yield
        }) : () -> ()
        %dma_start3A_109 = arith.constant 1 : i32
        %dma_start3A_110 = arith.constant 1 : i32
        %dma_start3A_111 = arith.constant 0 : i32
        %dma_start3A_112 = arith.constant 0 : i32
        %dma_start3A_113 = tpu.memref_slice %arg7[%dma_start3A_110, %dma_start3A_111, %dma_start3A_112] : memref<2x64x768xf32, #tpu.memory_space<vmem>> -> memref<1x64x768xf32, #tpu.memory_space<vmem>>
        %dma_start3A_114 = tpu.memref_squeeze %dma_start3A_113 : memref<1x64x768xf32, #tpu.memory_space<vmem>> -> memref<64x768xf32, #tpu.memory_space<vmem>>
        %dma_start3A_115 = arith.constant 0 : i32
        %dma_start3A_116 = tpu.memref_slice %arg6[%dma_start3A_109, %dma_start3A_115] : memref<2x64xi32, #tpu.memory_space<vmem>> -> memref<1x64xi32, #tpu.memory_space<vmem>>
        %dma_start3A_117 = tpu.memref_squeeze %dma_start3A_116 : memref<1x64xi32, #tpu.memory_space<vmem>> -> memref<64xi32, #tpu.memory_space<vmem>>
        %dma_start3A_118 = arith.constant 0 : i32
        %dma_start3A_119 = arith.constant 0 : i32
        %dma_start3A_120 = tpu.memref_slice %arg2[%dma_start3A_118, %dma_start3A_119] : memref<4096x768xf32, #tpu.memory_space<hbm>> -> memref<4096x768xf32, #tpu.memory_space<hbm>>
        tpu.enqueue_indirect_dma source(%dma_start3A_120 : memref<4096x768xf32, #tpu.memory_space<hbm>>) target(%dma_start3A_114 : memref<64x768xf32, #tpu.memory_space<vmem>>) offsets(%dma_start3A_117 : memref<64xi32, #tpu.memory_space<vmem>>) semaphore(%arg11 : memref<!tpu.dma_semaphore, #tpu.memory_space<semaphore_mem>>)
      } else {
      }
    }
    %scan3A_39 = arith.constant 8 : i32
    return
  }
}

module attributes {stable_mosaic.version = 14 : i64} {
  func.func @_fuse_knn_body(%arg0: i32, %arg1: memref<512x512xf32, #tpu.memory_space<vmem>>, %arg2: memref<512x256xf32, #tpu.memory_space<vmem>>, %arg3: memref<512x256xf32, #tpu.memory_space<vmem>>, %arg4: memref<512x256xf32, #tpu.memory_space<vmem>>, %arg5: memref<512x256xf32, #tpu.memory_space<vmem>>, %arg6: memref<512x2xf32, #tpu.memory_space<vmem>>, %arg7: memref<2x4096xf32, #tpu.memory_space<vmem>>, %arg8: memref<1x4096xf32, #tpu.memory_space<vmem>>, %arg9: memref<512x1xf32, #tpu.memory_space<vmem>>, %arg10: memref<1x512xf32, #tpu.memory_space<vmem>>, %arg11: memref<1x512xf32, #tpu.memory_space<vmem>>, %arg12: memref<512x256xf32, #tpu.memory_space<vmem>>, %arg13: memref<1x256xf32, #tpu.memory_space<vmem>>, %arg14: memref<1x768xf32, #tpu.memory_space<vmem>>, %arg15: memref<1x768xf32, #tpu.memory_space<vmem>>, %arg16: memref<768x256xf32, #tpu.memory_space<vmem>>, %arg17: memref<1x256xf32, #tpu.memory_space<vmem>>, %arg18: memref<1x256xf32, #tpu.memory_space<vmem>>, %arg19: memref<1x256xf32, #tpu.memory_space<vmem>>, %arg20: memref<256x256xf32, #tpu.memory_space<vmem>>, %arg21: memref<1x256xf32, #tpu.memory_space<vmem>>, %arg22: memref<768x128xf32, #tpu.memory_space<vmem>>, %arg23: memref<1x128xf32, #tpu.memory_space<vmem>>, %arg24: memref<128x8xf32, #tpu.memory_space<vmem>>, %arg25: memref<1x8xf32, #tpu.memory_space<vmem>>, %arg26: memref<512x768xf32, #tpu.memory_space<vmem>>, %arg27: memref<512x8xi32, #tpu.memory_space<vmem>>, %arg28: memref<512x16xf32, #tpu.memory_space<vmem>>, %arg29: memref<1x1xf32, #tpu.memory_space<smem>>) attributes {dimension_semantics = [#tpu.dimension_semantics<arbitrary>], iteration_bounds = array<i64: 8>, scalar_prefetch = 0 : i64, scratch_operands = 0 : i64, tpu.core_type = #tpu.core_type<tc>, window_params = [{transform_indices = @transform_0, window_bounds = array<i64: 512, 512>}, {transform_indices = @transform_1, window_bounds = array<i64: 512, 256>}, {transform_indices = @transform_2, window_bounds = array<i64: 512, 256>}, {transform_indices = @transform_3, window_bounds = array<i64: 512, 256>}, {transform_indices = @transform_4, window_bounds = array<i64: 512, 256>}, {transform_indices = @transform_5, window_bounds = array<i64: 512, 2>}, {pipeline_mode = #tpu.pipeline_mode<synchronous>, transform_indices = @transform_6, window_bounds = array<i64: 2, 4096>}, {pipeline_mode = #tpu.pipeline_mode<synchronous>, transform_indices = @transform_7, window_bounds = array<i64: 1, 4096>}, {transform_indices = @transform_8, window_bounds = array<i64: 512, 1>}, {pipeline_mode = #tpu.pipeline_mode<synchronous>, transform_indices = @transform_9, window_bounds = array<i64: 1, 512>}, {pipeline_mode = #tpu.pipeline_mode<synchronous>, transform_indices = @transform_10, window_bounds = array<i64: 1, 512>}, {pipeline_mode = #tpu.pipeline_mode<synchronous>, transform_indices = @transform_11, window_bounds = array<i64: 512, 256>}, {pipeline_mode = #tpu.pipeline_mode<synchronous>, transform_indices = @transform_12, window_bounds = array<i64: 1, 256>}, {pipeline_mode = #tpu.pipeline_mode<synchronous>, transform_indices = @transform_13, window_bounds = array<i64: 1, 768>}, {pipeline_mode = #tpu.pipeline_mode<synchronous>, transform_indices = @transform_14, window_bounds = array<i64: 1, 768>}, {pipeline_mode = #tpu.pipeline_mode<synchronous>, transform_indices = @transform_15, window_bounds = array<i64: 768, 256>}, {pipeline_mode = #tpu.pipeline_mode<synchronous>, transform_indices = @transform_16, window_bounds = array<i64: 1, 256>}, {pipeline_mode = #tpu.pipeline_mode<synchronous>, transform_indices = @transform_17, window_bounds = array<i64: 1, 256>}, {pipeline_mode = #tpu.pipeline_mode<synchronous>, transform_indices = @transform_18, window_bounds = array<i64: 1, 256>}, {pipeline_mode = #tpu.pipeline_mode<synchronous>, transform_indices = @transform_19, window_bounds = array<i64: 256, 256>}, {pipeline_mode = #tpu.pipeline_mode<synchronous>, transform_indices = @transform_20, window_bounds = array<i64: 1, 256>}, {pipeline_mode = #tpu.pipeline_mode<synchronous>, transform_indices = @transform_21, window_bounds = array<i64: 768, 128>}, {pipeline_mode = #tpu.pipeline_mode<synchronous>, transform_indices = @transform_22, window_bounds = array<i64: 1, 128>}, {pipeline_mode = #tpu.pipeline_mode<synchronous>, transform_indices = @transform_23, window_bounds = array<i64: 128, 8>}, {pipeline_mode = #tpu.pipeline_mode<synchronous>, transform_indices = @transform_24, window_bounds = array<i64: 1, 8>}, {transform_indices = @transform_25, window_bounds = array<i64: 512, 768>}, {transform_indices = @transform_26, window_bounds = array<i64: 512, 8>}, {transform_indices = @transform_27, window_bounds = array<i64: 512, 16>}, {transform_indices = @transform_28, window_bounds = array<i64: 1, 1>}]} {
    %get3A = arith.constant 0 : index
    %get3A_0 = arith.constant 0 : index
    %get3A_1 = vector.load %arg2[%get3A, %get3A_0] : memref<512x256xf32, #tpu.memory_space<vmem>>, vector<512x256xf32>
    %get3A_2 = arith.constant 0 : index
    %get3A_3 = arith.constant 0 : index
    %get3A_4 = vector.load %arg3[%get3A_2, %get3A_3] : memref<512x256xf32, #tpu.memory_space<vmem>>, vector<512x256xf32>
    %get3A_5 = arith.constant 0 : index
    %get3A_6 = arith.constant 0 : index
    %get3A_7 = vector.load %arg4[%get3A_5, %get3A_6] : memref<512x256xf32, #tpu.memory_space<vmem>>, vector<512x256xf32>
    %concatenate3A = tpu.concatenate %get3A_1, %get3A_4, %get3A_7 in 1 : vector<512x256xf32>, vector<512x256xf32>, vector<512x256xf32> -> vector<512x768xf32>
    %get3A_8 = arith.constant 0 : index
    %get3A_9 = arith.constant 0 : index
    %get3A_10 = vector.load %arg1[%get3A_8, %get3A_9] : memref<512x512xf32, #tpu.memory_space<vmem>>, vector<512x512xf32>
    %get3A_11 = arith.constant 0 : index
    %get3A_12 = arith.constant 0 : index
    %get3A_13 = vector.load %arg10[%get3A_11, %get3A_12] : memref<1x512xf32, #tpu.memory_space<vmem>>, vector<1x512xf32>
    %get3A_14 = arith.constant 0 : index
    %get3A_15 = arith.constant 0 : index
    %get3A_16 = vector.load %arg11[%get3A_14, %get3A_15] : memref<1x512xf32, #tpu.memory_space<vmem>>, vector<1x512xf32>
    %reduce_sum3A = arith.constant dense<0.000000e+00> : vector<512xf32>
    %reduce_sum3A_17 = vector.multi_reduction <add>, %get3A_10, %reduce_sum3A [1] : vector<512x512xf32> to vector<512xf32>
    %broadcast_in_dim3A = vector.shape_cast %reduce_sum3A_17 : vector<512xf32> to vector<512x1xf32>
    %div3A = arith.constant 5.120000e+02 : f32
    %div3A_18 = vector.broadcast %div3A : f32 to vector<512x1xf32>
    %div3A_19 = arith.divf %broadcast_in_dim3A, %div3A_18 : vector<512x1xf32>
    %sub3A = vector.broadcast %div3A_19 : vector<512x1xf32> to vector<512x512xf32>
    %sub3A_20 = arith.subf %get3A_10, %sub3A : vector<512x512xf32>
    %integer_pow3A = arith.mulf %sub3A_20, %sub3A_20 : vector<512x512xf32>
    %reduce_sum3A_21 = arith.constant dense<0.000000e+00> : vector<512xf32>
    %reduce_sum3A_22 = vector.multi_reduction <add>, %integer_pow3A, %reduce_sum3A_21 [1] : vector<512x512xf32> to vector<512xf32>
    %broadcast_in_dim3A_23 = vector.shape_cast %reduce_sum3A_22 : vector<512xf32> to vector<512x1xf32>
    %div3A_24 = arith.constant 5.120000e+02 : f32
    %div3A_25 = vector.broadcast %div3A_24 : f32 to vector<512x1xf32>
    %div3A_26 = arith.divf %broadcast_in_dim3A_23, %div3A_25 : vector<512x1xf32>
    %sub3A_27 = vector.broadcast %div3A_19 : vector<512x1xf32> to vector<512x512xf32>
    %sub3A_28 = arith.subf %get3A_10, %sub3A_27 : vector<512x512xf32>
    %add3A = arith.constant 9.99999974E-6 : f32
    %add3A_29 = vector.broadcast %add3A : f32 to vector<512x1xf32>
    %add3A_30 = arith.addf %div3A_26, %add3A_29 : vector<512x1xf32>
    %sqrt3A = math.sqrt %add3A_30 : vector<512x1xf32>
    %div3A_31 = vector.broadcast %sqrt3A : vector<512x1xf32> to vector<512x512xf32>
    %div3A_32 = arith.divf %sub3A_28, %div3A_31 : vector<512x512xf32>
    %mul3A = vector.broadcast %get3A_13 : vector<1x512xf32> to vector<512x512xf32>
    %mul3A_33 = arith.mulf %div3A_32, %mul3A : vector<512x512xf32>
    %add3A_34 = vector.broadcast %get3A_16 : vector<1x512xf32> to vector<512x512xf32>
    %add3A_35 = arith.addf %mul3A_33, %add3A_34 : vector<512x512xf32>
    %get3A_36 = arith.constant 0 : index
    %get3A_37 = arith.constant 0 : index
    %get3A_38 = vector.load %arg12[%get3A_36, %get3A_37] : memref<512x256xf32, #tpu.memory_space<vmem>>, vector<512x256xf32>
    %dot_general3A = arith.constant dense<0.000000e+00> : vector<512x256xf32>
    %dot_general3A_39 = tpu.matmul %add3A_35, %get3A_38, %dot_general3A {dimension_numbers = #tpu.dot_dimension_numbers<[1], [0], [0], [1], [0, 0, 1, 1], [], []>, transpose_lhs_hint = false} : vector<512x512xf32>, vector<512x256xf32>, vector<512x256xf32> -> vector<512x256xf32>
    %get3A_40 = arith.constant 0 : index
    %get3A_41 = arith.constant 0 : index
    %get3A_42 = vector.load %arg13[%get3A_40, %get3A_41] : memref<1x256xf32, #tpu.memory_space<vmem>>, vector<1x256xf32>
    %add3A_43 = vector.broadcast %get3A_42 : vector<1x256xf32> to vector<512x256xf32>
    %add3A_44 = arith.addf %dot_general3A_39, %add3A_43 : vector<512x256xf32>
    %get3A_45 = arith.constant 0 : index
    %get3A_46 = arith.constant 0 : index
    %get3A_47 = vector.load %arg14[%get3A_45, %get3A_46] : memref<1x768xf32, #tpu.memory_space<vmem>>, vector<1x768xf32>
    %get3A_48 = arith.constant 0 : index
    %get3A_49 = arith.constant 0 : index
    %get3A_50 = vector.load %arg15[%get3A_48, %get3A_49] : memref<1x768xf32, #tpu.memory_space<vmem>>, vector<1x768xf32>
    %reduce_sum3A_51 = arith.constant dense<0.000000e+00> : vector<512xf32>
    %reduce_sum3A_52 = vector.multi_reduction <add>, %concatenate3A, %reduce_sum3A_51 [1] : vector<512x768xf32> to vector<512xf32>
    %broadcast_in_dim3A_53 = vector.shape_cast %reduce_sum3A_52 : vector<512xf32> to vector<512x1xf32>
    %div3A_54 = arith.constant 7.680000e+02 : f32
    %div3A_55 = vector.broadcast %div3A_54 : f32 to vector<512x1xf32>
    %div3A_56 = arith.divf %broadcast_in_dim3A_53, %div3A_55 : vector<512x1xf32>
    %sub3A_57 = vector.broadcast %div3A_56 : vector<512x1xf32> to vector<512x768xf32>
    %sub3A_58 = arith.subf %concatenate3A, %sub3A_57 : vector<512x768xf32>
    %integer_pow3A_59 = arith.mulf %sub3A_58, %sub3A_58 : vector<512x768xf32>
    %reduce_sum3A_60 = arith.constant dense<0.000000e+00> : vector<512xf32>
    %reduce_sum3A_61 = vector.multi_reduction <add>, %integer_pow3A_59, %reduce_sum3A_60 [1] : vector<512x768xf32> to vector<512xf32>
    %broadcast_in_dim3A_62 = vector.shape_cast %reduce_sum3A_61 : vector<512xf32> to vector<512x1xf32>
    %div3A_63 = arith.constant 7.680000e+02 : f32
    %div3A_64 = vector.broadcast %div3A_63 : f32 to vector<512x1xf32>
    %div3A_65 = arith.divf %broadcast_in_dim3A_62, %div3A_64 : vector<512x1xf32>
    %sub3A_66 = vector.broadcast %div3A_56 : vector<512x1xf32> to vector<512x768xf32>
    %sub3A_67 = arith.subf %concatenate3A, %sub3A_66 : vector<512x768xf32>
    %add3A_68 = arith.constant 9.99999974E-6 : f32
    %add3A_69 = vector.broadcast %add3A_68 : f32 to vector<512x1xf32>
    %add3A_70 = arith.addf %div3A_65, %add3A_69 : vector<512x1xf32>
    %sqrt3A_71 = math.sqrt %add3A_70 : vector<512x1xf32>
    %div3A_72 = vector.broadcast %sqrt3A_71 : vector<512x1xf32> to vector<512x768xf32>
    %div3A_73 = arith.divf %sub3A_67, %div3A_72 : vector<512x768xf32>
    %mul3A_74 = vector.broadcast %get3A_47 : vector<1x768xf32> to vector<512x768xf32>
    %mul3A_75 = arith.mulf %div3A_73, %mul3A_74 : vector<512x768xf32>
    %add3A_76 = vector.broadcast %get3A_50 : vector<1x768xf32> to vector<512x768xf32>
    %add3A_77 = arith.addf %mul3A_75, %add3A_76 : vector<512x768xf32>
    %get3A_78 = arith.constant 0 : index
    %get3A_79 = arith.constant 0 : index
    %get3A_80 = vector.load %arg16[%get3A_78, %get3A_79] : memref<768x256xf32, #tpu.memory_space<vmem>>, vector<768x256xf32>
    %dot_general3A_81 = arith.constant dense<0.000000e+00> : vector<512x256xf32>
    %dot_general3A_82 = tpu.matmul %add3A_77, %get3A_80, %dot_general3A_81 {dimension_numbers = #tpu.dot_dimension_numbers<[1], [0], [0], [1], [0, 0, 1, 1], [], []>, transpose_lhs_hint = false} : vector<512x768xf32>, vector<768x256xf32>, vector<512x256xf32> -> vector<512x256xf32>
    %get3A_83 = arith.constant 0 : index
    %get3A_84 = arith.constant 0 : index
    %get3A_85 = vector.load %arg17[%get3A_83, %get3A_84] : memref<1x256xf32, #tpu.memory_space<vmem>>, vector<1x256xf32>
    %add3A_86 = vector.broadcast %get3A_85 : vector<1x256xf32> to vector<512x256xf32>
    %add3A_87 = arith.addf %dot_general3A_82, %add3A_86 : vector<512x256xf32>
    %get3A_88 = arith.constant 0 : index
    %get3A_89 = arith.constant 0 : index
    %get3A_90 = vector.load %arg5[%get3A_88, %get3A_89] : memref<512x256xf32, #tpu.memory_space<vmem>>, vector<512x256xf32>
    %get3A_91 = arith.constant 0 : index
    %get3A_92 = arith.constant 0 : index
    %get3A_93 = vector.load %arg18[%get3A_91, %get3A_92] : memref<1x256xf32, #tpu.memory_space<vmem>>, vector<1x256xf32>
    %get3A_94 = arith.constant 0 : index
    %get3A_95 = arith.constant 0 : index
    %get3A_96 = vector.load %arg19[%get3A_94, %get3A_95] : memref<1x256xf32, #tpu.memory_space<vmem>>, vector<1x256xf32>
    %reduce_sum3A_97 = arith.constant dense<0.000000e+00> : vector<512xf32>
    %reduce_sum3A_98 = vector.multi_reduction <add>, %get3A_90, %reduce_sum3A_97 [1] : vector<512x256xf32> to vector<512xf32>
    %broadcast_in_dim3A_99 = vector.shape_cast %reduce_sum3A_98 : vector<512xf32> to vector<512x1xf32>
    %div3A_100 = arith.constant 2.560000e+02 : f32
    %div3A_101 = vector.broadcast %div3A_100 : f32 to vector<512x1xf32>
    %div3A_102 = arith.divf %broadcast_in_dim3A_99, %div3A_101 : vector<512x1xf32>
    %sub3A_103 = vector.broadcast %div3A_102 : vector<512x1xf32> to vector<512x256xf32>
    %sub3A_104 = arith.subf %get3A_90, %sub3A_103 : vector<512x256xf32>
    %integer_pow3A_105 = arith.mulf %sub3A_104, %sub3A_104 : vector<512x256xf32>
    %reduce_sum3A_106 = arith.constant dense<0.000000e+00> : vector<512xf32>
    %reduce_sum3A_107 = vector.multi_reduction <add>, %integer_pow3A_105, %reduce_sum3A_106 [1] : vector<512x256xf32> to vector<512xf32>
    %broadcast_in_dim3A_108 = vector.shape_cast %reduce_sum3A_107 : vector<512xf32> to vector<512x1xf32>
    %div3A_109 = arith.constant 2.560000e+02 : f32
    %div3A_110 = vector.broadcast %div3A_109 : f32 to vector<512x1xf32>
    %div3A_111 = arith.divf %broadcast_in_dim3A_108, %div3A_110 : vector<512x1xf32>
    %sub3A_112 = vector.broadcast %div3A_102 : vector<512x1xf32> to vector<512x256xf32>
    %sub3A_113 = arith.subf %get3A_90, %sub3A_112 : vector<512x256xf32>
    %add3A_114 = arith.constant 9.99999974E-6 : f32
    %add3A_115 = vector.broadcast %add3A_114 : f32 to vector<512x1xf32>
    %add3A_116 = arith.addf %div3A_111, %add3A_115 : vector<512x1xf32>
    %sqrt3A_117 = math.sqrt %add3A_116 : vector<512x1xf32>
    %div3A_118 = vector.broadcast %sqrt3A_117 : vector<512x1xf32> to vector<512x256xf32>
    %div3A_119 = arith.divf %sub3A_113, %div3A_118 : vector<512x256xf32>
    %mul3A_120 = vector.broadcast %get3A_93 : vector<1x256xf32> to vector<512x256xf32>
    %mul3A_121 = arith.mulf %div3A_119, %mul3A_120 : vector<512x256xf32>
    %add3A_122 = vector.broadcast %get3A_96 : vector<1x256xf32> to vector<512x256xf32>
    %add3A_123 = arith.addf %mul3A_121, %add3A_122 : vector<512x256xf32>
    %get3A_124 = arith.constant 0 : index
    %get3A_125 = arith.constant 0 : index
    %get3A_126 = vector.load %arg20[%get3A_124, %get3A_125] : memref<256x256xf32, #tpu.memory_space<vmem>>, vector<256x256xf32>
    %dot_general3A_127 = arith.constant dense<0.000000e+00> : vector<512x256xf32>
    %dot_general3A_128 = tpu.matmul %add3A_123, %get3A_126, %dot_general3A_127 {dimension_numbers = #tpu.dot_dimension_numbers<[1], [0], [0], [1], [0, 0, 1, 1], [], []>, transpose_lhs_hint = false} : vector<512x256xf32>, vector<256x256xf32>, vector<512x256xf32> -> vector<512x256xf32>
    %get3A_129 = arith.constant 0 : index
    %get3A_130 = arith.constant 0 : index
    %get3A_131 = vector.load %arg21[%get3A_129, %get3A_130] : memref<1x256xf32, #tpu.memory_space<vmem>>, vector<1x256xf32>
    %add3A_132 = vector.broadcast %get3A_131 : vector<1x256xf32> to vector<512x256xf32>
    %add3A_133 = arith.addf %dot_general3A_128, %add3A_132 : vector<512x256xf32>
    %concatenate3A_134 = tpu.concatenate %add3A_44, %add3A_87, %add3A_133 in 1 : vector<512x256xf32>, vector<512x256xf32>, vector<512x256xf32> -> vector<512x768xf32>
    %get3A_135 = arith.constant 0 : index
    %get3A_136 = arith.constant 0 : index
    %get3A_137 = vector.load %arg22[%get3A_135, %get3A_136] : memref<768x128xf32, #tpu.memory_space<vmem>>, vector<768x128xf32>
    %dot_general3A_138 = arith.constant dense<0.000000e+00> : vector<512x128xf32>
    %dot_general3A_139 = tpu.matmul %concatenate3A_134, %get3A_137, %dot_general3A_138 {dimension_numbers = #tpu.dot_dimension_numbers<[1], [0], [0], [1], [0, 0, 1, 1], [], []>, transpose_lhs_hint = false} : vector<512x768xf32>, vector<768x128xf32>, vector<512x128xf32> -> vector<512x128xf32>
    %get3A_140 = arith.constant 0 : index
    %get3A_141 = arith.constant 0 : index
    %get3A_142 = vector.load %arg23[%get3A_140, %get3A_141] : memref<1x128xf32, #tpu.memory_space<vmem>>, vector<1x128xf32>
    %add3A_143 = vector.broadcast %get3A_142 : vector<1x128xf32> to vector<512x128xf32>
    %add3A_144 = arith.addf %dot_general3A_139, %add3A_143 : vector<512x128xf32>
    %max3A = arith.constant 0.000000e+00 : f32
    %max3A_145 = vector.broadcast %max3A : f32 to vector<512x128xf32>
    %max3A_146 = arith.maximumf %add3A_144, %max3A_145 : vector<512x128xf32>
    %get3A_147 = arith.constant 0 : index
    %get3A_148 = arith.constant 0 : index
    %get3A_149 = vector.load %arg24[%get3A_147, %get3A_148] : memref<128x8xf32, #tpu.memory_space<vmem>>, vector<128x8xf32>
    %dot_general3A_150 = arith.constant dense<0.000000e+00> : vector<512x8xf32>
    %dot_general3A_151 = tpu.matmul %max3A_146, %get3A_149, %dot_general3A_150 {dimension_numbers = #tpu.dot_dimension_numbers<[1], [0], [0], [1], [0, 0, 1, 1], [], []>, transpose_lhs_hint = false} : vector<512x128xf32>, vector<128x8xf32>, vector<512x8xf32> -> vector<512x8xf32>
    %get3A_152 = arith.constant 0 : index
    %get3A_153 = arith.constant 0 : index
    %get3A_154 = vector.load %arg25[%get3A_152, %get3A_153] : memref<1x8xf32, #tpu.memory_space<vmem>>, vector<1x8xf32>
    %add3A_155 = vector.broadcast %get3A_154 : vector<1x8xf32> to vector<512x8xf32>
    %add3A_156 = arith.addf %dot_general3A_151, %add3A_155 : vector<512x8xf32>
    %reduce_max3A = arith.constant dense<0xFF800000> : vector<512xf32>
    %reduce_max3A_157 = vector.multi_reduction <maximumf>, %add3A_156, %reduce_max3A [1] : vector<512x8xf32> to vector<512xf32>
    %broadcast_in_dim3A_158 = vector.shape_cast %reduce_max3A_157 : vector<512xf32> to vector<512x1xf32>
    %sub3A_159 = vector.broadcast %broadcast_in_dim3A_158 : vector<512x1xf32> to vector<512x8xf32>
    %sub3A_160 = arith.subf %add3A_156, %sub3A_159 : vector<512x8xf32>
    %exp3A = math.exp %sub3A_160 : vector<512x8xf32>
    %reduce_sum3A_161 = arith.constant dense<0.000000e+00> : vector<512xf32>
    %reduce_sum3A_162 = vector.multi_reduction <add>, %exp3A, %reduce_sum3A_161 [1] : vector<512x8xf32> to vector<512xf32>
    %broadcast_in_dim3A_163 = vector.shape_cast %reduce_sum3A_162 : vector<512xf32> to vector<512x1xf32>
    %div3A_164 = vector.broadcast %broadcast_in_dim3A_163 : vector<512x1xf32> to vector<512x8xf32>
    %div3A_165 = arith.divf %exp3A, %div3A_164 : vector<512x8xf32>
    %add3A_166 = arith.constant 9.99999993E-9 : f32
    %add3A_167 = vector.broadcast %add3A_166 : f32 to vector<512x8xf32>
    %add3A_168 = arith.addf %div3A_165, %add3A_167 : vector<512x8xf32>
    %log3A = math.log %add3A_168 : vector<512x8xf32>
    %mul3A_169 = arith.mulf %div3A_165, %log3A : vector<512x8xf32>
    %reduce_sum3A_170 = vector.shape_cast %mul3A_169 : vector<512x8xf32> to vector<1x512x8xf32>
    %reduce_sum3A_171 = arith.constant dense<0.000000e+00> : vector<1xf32>
    %reduce_sum3A_172 = vector.multi_reduction <add>, %reduce_sum3A_170, %reduce_sum3A_171 [1, 2] : vector<1x512x8xf32> to vector<1xf32>
    %reduce_sum3A_173 = vector.shape_cast %reduce_sum3A_172 : vector<1xf32> to vector<1x1x1xf32>
    %reduce_sum3A_174 = vector.extract %reduce_sum3A_173[0, 0, 0] : f32 from vector<1x1x1xf32>
    %neg3A = arith.constant 0.000000e+00 : f32
    %neg3A_175 = arith.subf %neg3A, %reduce_sum3A_174 : f32
    %eq3A = arith.constant 0 : i32
    %eq3A_176 = arith.cmpi eq, %arg0, %eq3A : i32
    %convert_element_type3A = arith.extui %eq3A_176 : i1 to i32
    %cond3A = arith.constant 0 : i32
    %cond3A_177 = arith.cmpi ne, %convert_element_type3A, %cond3A : i32
    scf.if %cond3A_177 {
      %swap3A_515 = arith.constant 0.000000e+00 : f32
      %swap3A_516 = arith.constant 0 : index
      %swap3A_517 = arith.constant 0 : index
      %swap3A_518 = memref.load %arg29[%swap3A_516, %swap3A_517] : memref<1x1xf32, #tpu.memory_space<smem>>
      memref.store %swap3A_515, %arg29[%swap3A_516, %swap3A_517] : memref<1x1xf32, #tpu.memory_space<smem>>
    } else {
    }
    %get3A_178 = arith.constant 0 : index
    %get3A_179 = arith.constant 0 : index
    %get3A_180 = memref.load %arg29[%get3A_178, %get3A_179] : memref<1x1xf32, #tpu.memory_space<smem>>
    %mul3A_181 = arith.constant 2.4414062E-6 : f32
    %mul3A_182 = arith.mulf %neg3A_175, %mul3A_181 : f32
    %add3A_183 = arith.addf %get3A_180, %mul3A_182 : f32
    %swap3A = arith.constant 0 : index
    %swap3A_184 = arith.constant 0 : index
    %swap3A_185 = memref.load %arg29[%swap3A, %swap3A_184] : memref<1x1xf32, #tpu.memory_space<smem>>
    memref.store %add3A_183, %arg29[%swap3A, %swap3A_184] : memref<1x1xf32, #tpu.memory_space<smem>>
    %slice3A = vector.extract_strided_slice %div3A_165 {offsets = [0, 0], sizes = [512, 1], strides = [1, 1]} : vector<512x8xf32> to vector<512x1xf32>
    %mul3A_186 = vector.broadcast %slice3A : vector<512x1xf32> to vector<512x256xf32>
    %mul3A_187 = arith.mulf %add3A_44, %mul3A_186 : vector<512x256xf32>
    %slice3A_188 = vector.extract_strided_slice %div3A_165 {offsets = [0, 1], sizes = [512, 1], strides = [1, 1]} : vector<512x8xf32> to vector<512x1xf32>
    %mul3A_189 = vector.broadcast %slice3A_188 : vector<512x1xf32> to vector<512x256xf32>
    %mul3A_190 = arith.mulf %add3A_87, %mul3A_189 : vector<512x256xf32>
    %slice3A_191 = vector.extract_strided_slice %div3A_165 {offsets = [0, 2], sizes = [512, 1], strides = [1, 1]} : vector<512x8xf32> to vector<512x1xf32>
    %mul3A_192 = vector.broadcast %slice3A_191 : vector<512x1xf32> to vector<512x256xf32>
    %mul3A_193 = arith.mulf %add3A_133, %mul3A_192 : vector<512x256xf32>
    %concatenate3A_194 = tpu.concatenate %mul3A_187, %mul3A_190, %mul3A_193 in 1 : vector<512x256xf32>, vector<512x256xf32>, vector<512x256xf32> -> vector<512x768xf32>
    %swap3A_195 = arith.constant 0 : index
    %swap3A_196 = arith.constant 0 : index
    %swap3A_197 = vector.load %arg26[%swap3A_195, %swap3A_196] : memref<512x768xf32, #tpu.memory_space<vmem>>, vector<512x768xf32>
    tpu.vector_store %arg26[%swap3A_195, %swap3A_196], %concatenate3A_194 {strides = array<i32>} : memref<512x768xf32, #tpu.memory_space<vmem>>, vector<512x768xf32>,
    %get3A_198 = arith.constant 0 : index
    %get3A_199 = arith.constant 0 : index
    %get3A_200 = vector.load %arg6[%get3A_198, %get3A_199] : memref<512x2xf32, #tpu.memory_space<vmem>>, vector<512x2xf32>
    %slice3A_201 = vector.extract_strided_slice %get3A_200 {offsets = [0, 0], sizes = [512, 1], strides = [1, 1]} : vector<512x2xf32> to vector<512x1xf32>
    %slice3A_202 = vector.extract_strided_slice %get3A_200 {offsets = [0, 1], sizes = [512, 1], strides = [1, 1]} : vector<512x2xf32> to vector<512x1xf32>
    %get3A_203 = arith.constant 0 : index
    %get3A_204 = arith.constant 0 : index
    %get3A_205 = vector.load %arg7[%get3A_203, %get3A_204] : memref<2x4096xf32, #tpu.memory_space<vmem>>, vector<1x4096xf32>
    %get3A_206 = arith.constant 1 : index
    %get3A_207 = arith.constant 0 : index
    %get3A_208 = vector.load %arg7[%get3A_206, %get3A_207] : memref<2x4096xf32, #tpu.memory_space<vmem>>, vector<1x4096xf32>
    %mul3A_209 = arith.mulf %slice3A_201, %slice3A_201 : vector<512x1xf32>
    %mul3A_210 = arith.mulf %slice3A_202, %slice3A_202 : vector<512x1xf32>
    %add3A_211 = arith.addf %mul3A_209, %mul3A_210 : vector<512x1xf32>
    %mul3A_212 = arith.mulf %get3A_205, %get3A_205 : vector<1x4096xf32>
    %mul3A_213 = arith.mulf %get3A_208, %get3A_208 : vector<1x4096xf32>
    %add3A_214 = arith.addf %mul3A_212, %mul3A_213 : vector<1x4096xf32>
    %convert_element_type3A_215 = arith.truncf %slice3A_201 : vector<512x1xf32> to vector<512x1xbf16>
    %convert_element_type3A_216 = arith.extf %convert_element_type3A_215 : vector<512x1xbf16> to vector<512x1xf32>
    %convert_element_type3A_217 = arith.truncf %get3A_205 : vector<1x4096xf32> to vector<1x4096xbf16>
    %convert_element_type3A_218 = arith.extf %convert_element_type3A_217 : vector<1x4096xbf16> to vector<1x4096xf32>
    %mul3A_219 = vector.broadcast %convert_element_type3A_216 : vector<512x1xf32> to vector<512x4096xf32>
    %mul3A_220 = vector.broadcast %convert_element_type3A_218 : vector<1x4096xf32> to vector<512x4096xf32>
    %mul3A_221 = arith.mulf %mul3A_219, %mul3A_220 : vector<512x4096xf32>
    %convert_element_type3A_222 = arith.truncf %slice3A_202 : vector<512x1xf32> to vector<512x1xbf16>
    %convert_element_type3A_223 = arith.extf %convert_element_type3A_222 : vector<512x1xbf16> to vector<512x1xf32>
    %convert_element_type3A_224 = arith.truncf %get3A_208 : vector<1x4096xf32> to vector<1x4096xbf16>
    %convert_element_type3A_225 = arith.extf %convert_element_type3A_224 : vector<1x4096xbf16> to vector<1x4096xf32>
    %mul3A_226 = vector.broadcast %convert_element_type3A_223 : vector<512x1xf32> to vector<512x4096xf32>
    %mul3A_227 = vector.broadcast %convert_element_type3A_225 : vector<1x4096xf32> to vector<512x4096xf32>
    %mul3A_228 = arith.mulf %mul3A_226, %mul3A_227 : vector<512x4096xf32>
    %add3A_229 = arith.addf %mul3A_221, %mul3A_228 : vector<512x4096xf32>
    %add3A_230 = vector.broadcast %add3A_211 : vector<512x1xf32> to vector<512x4096xf32>
    %add3A_231 = vector.broadcast %add3A_214 : vector<1x4096xf32> to vector<512x4096xf32>
    %add3A_232 = arith.addf %add3A_230, %add3A_231 : vector<512x4096xf32>
    %mul3A_233 = arith.constant 2.000000e+00 : f32
    %mul3A_234 = vector.broadcast %mul3A_233 : f32 to vector<512x4096xf32>
    %mul3A_235 = arith.mulf %mul3A_234, %add3A_229 : vector<512x4096xf32>
    %sub3A_236 = arith.subf %add3A_232, %mul3A_235 : vector<512x4096xf32>
    %mul3A_237 = arith.constant 512 : i32
    %mul3A_238 = arith.muli %arg0, %mul3A_237 : i32
    %convert_element_type3A_239 = arith.sitofp %mul3A_238 : i32 to f32
    %iota3A = tpu.iota {dimensions = array<i32: 0>} : vector<512x1xi32>
    %convert_element_type3A_240 = arith.sitofp %iota3A : vector<512x1xi32> to vector<512x1xf32>
    %add3A_241 = vector.broadcast %convert_element_type3A_239 : f32 to vector<512x1xf32>
    %add3A_242 = arith.addf %add3A_241, %convert_element_type3A_240 : vector<512x1xf32>
    %iota3A_243 = tpu.iota {dimensions = array<i32: 1>} : vector<512x4096xi32>
    %convert_element_type3A_244 = arith.sitofp %iota3A_243 : vector<512x4096xi32> to vector<512x4096xf32>
    %eq3A_245 = vector.broadcast %add3A_242 : vector<512x1xf32> to vector<512x4096xf32>
    %eq3A_246 = arith.cmpf oeq, %convert_element_type3A_244, %eq3A_245 : vector<512x4096xf32>
    %get3A_247 = arith.constant 0 : index
    %get3A_248 = arith.constant 0 : index
    %get3A_249 = vector.load %arg8[%get3A_247, %get3A_248] : memref<1x4096xf32, #tpu.memory_space<vmem>>, vector<1x4096xf32>
    %get3A_250 = arith.constant 0 : index
    %get3A_251 = arith.constant 0 : index
    %get3A_252 = vector.load %arg9[%get3A_250, %get3A_251] : memref<512x1xf32, #tpu.memory_space<vmem>>, vector<512x1xf32>
    %eq3A_253 = vector.broadcast %get3A_249 : vector<1x4096xf32> to vector<512x4096xf32>
    %eq3A_254 = vector.broadcast %get3A_252 : vector<512x1xf32> to vector<512x4096xf32>
    %eq3A_255 = arith.cmpf oeq, %eq3A_253, %eq3A_254 : vector<512x4096xf32>
    %jit3A = arith.constant 1.000000e+00 : f32
    %jit3A_256 = arith.constant 0.000000e+00 : f32
    %broadcast_in_dim3A_257 = vector.broadcast %jit3A : f32 to vector<512x4096xf32>
    %broadcast_in_dim3A_258 = vector.broadcast %jit3A_256 : f32 to vector<512x4096xf32>
    %select_n3A = arith.select %eq3A_255, %broadcast_in_dim3A_257, %broadcast_in_dim3A_258 : vector<512x4096xi1>, vector<512x4096xf32>
    %reduce_sum3A_259 = arith.constant dense<0.000000e+00> : vector<512xf32>
    %reduce_sum3A_260 = vector.multi_reduction <add>, %select_n3A, %reduce_sum3A_259 [1] : vector<512x4096xf32> to vector<512xf32>
    %broadcast_in_dim3A_261 = vector.shape_cast %reduce_sum3A_260 : vector<512xf32> to vector<512x1xf32>
    %gt3A = arith.constant 1.500000e+00 : f32
    %gt3A_262 = vector.broadcast %gt3A : f32 to vector<512x1xf32>
    %gt3A_263 = arith.cmpf ogt, %broadcast_in_dim3A_261, %gt3A_262 : vector<512x1xf32>
    %not3A = arith.constant dense<true> : vector<512x4096xi1>
    %not3A_264 = arith.xori %eq3A_255, %not3A : vector<512x4096xi1>
    %and3A = vector.broadcast %gt3A_263 : vector<512x1xi1> to vector<512x4096xi1>
    %and3A_265 = arith.andi %and3A, %not3A_264 : vector<512x4096xi1>
    %or3A = arith.ori %eq3A_246, %and3A_265 : vector<512x4096xi1>
    %jit3A_266 = arith.constant 1.000000e+30 : f32
    %broadcast_in_dim3A_267 = vector.broadcast %jit3A_266 : f32 to vector<512x4096xf32>
    %select_n3A_268 = arith.select %or3A, %broadcast_in_dim3A_267, %sub3A_236 : vector<512x4096xi1>, vector<512x4096xf32>
    %reduce_min3A = arith.constant dense<0x7F800000> : vector<512xf32>
    %reduce_min3A_269 = vector.multi_reduction <minimumf>, %select_n3A_268, %reduce_min3A [1] : vector<512x4096xf32> to vector<512xf32>
    %broadcast_in_dim3A_270 = vector.shape_cast %reduce_min3A_269 : vector<512xf32> to vector<512x1xf32>
    %eq3A_271 = vector.broadcast %broadcast_in_dim3A_270 : vector<512x1xf32> to vector<512x4096xf32>
    %eq3A_272 = arith.cmpf oeq, %select_n3A_268, %eq3A_271 : vector<512x4096xf32>
    %jit3A_273 = arith.constant 1.000000e+09 : f32
    %broadcast_in_dim3A_274 = vector.broadcast %jit3A_273 : f32 to vector<512x4096xf32>
    %select_n3A_275 = arith.select %eq3A_272, %convert_element_type3A_244, %broadcast_in_dim3A_274 : vector<512x4096xi1>, vector<512x4096xf32>
    %reduce_min3A_276 = arith.constant dense<0x7F800000> : vector<512xf32>
    %reduce_min3A_277 = vector.multi_reduction <minimumf>, %select_n3A_275, %reduce_min3A_276 [1] : vector<512x4096xf32> to vector<512xf32>
    %broadcast_in_dim3A_278 = vector.shape_cast %reduce_min3A_277 : vector<512xf32> to vector<512x1xf32>
    %ge3A = arith.constant 1.000000e+29 : f32
    %ge3A_279 = vector.broadcast %ge3A : f32 to vector<512x1xf32>
    %ge3A_280 = arith.cmpf oge, %broadcast_in_dim3A_270, %ge3A_279 : vector<512x1xf32>
    %max3A_281 = arith.constant 9.99999996E-13 : f32
    %max3A_282 = vector.broadcast %max3A_281 : f32 to vector<512x1xf32>
    %max3A_283 = arith.maximumf %broadcast_in_dim3A_270, %max3A_282 : vector<512x1xf32>
    %sqrt3A_284 = math.sqrt %max3A_283 : vector<512x1xf32>
    %neg3A_285 = arith.constant 0.000000e+00 : f32
    %neg3A_286 = vector.broadcast %neg3A_285 : f32 to vector<512x1xf32>
    %neg3A_287 = arith.subf %neg3A_286, %sqrt3A_284 : vector<512x1xf32>
    %jit3A_288 = arith.constant -1.000000e+09 : f32
    %broadcast_in_dim3A_289 = vector.broadcast %jit3A_288 : f32 to vector<512x1xf32>
    %select_n3A_290 = arith.select %ge3A_280, %broadcast_in_dim3A_289, %neg3A_287 : vector<512x1xi1>, vector<512x1xf32>
    %eq3A_291 = vector.broadcast %broadcast_in_dim3A_278 : vector<512x1xf32> to vector<512x4096xf32>
    %eq3A_292 = arith.cmpf oeq, %convert_element_type3A_244, %eq3A_291 : vector<512x4096xf32>
    %jit3A_293 = arith.constant 1.000000e+30 : f32
    %broadcast_in_dim3A_294 = vector.broadcast %jit3A_293 : f32 to vector<512x4096xf32>
    %select_n3A_295 = arith.select %eq3A_292, %broadcast_in_dim3A_294, %select_n3A_268 : vector<512x4096xi1>, vector<512x4096xf32>
    %reduce_min3A_296 = arith.constant dense<0x7F800000> : vector<512xf32>
    %reduce_min3A_297 = vector.multi_reduction <minimumf>, %select_n3A_295, %reduce_min3A_296 [1] : vector<512x4096xf32> to vector<512xf32>
    %broadcast_in_dim3A_298 = vector.shape_cast %reduce_min3A_297 : vector<512xf32> to vector<512x1xf32>
    %eq3A_299 = vector.broadcast %broadcast_in_dim3A_298 : vector<512x1xf32> to vector<512x4096xf32>
    %eq3A_300 = arith.cmpf oeq, %select_n3A_295, %eq3A_299 : vector<512x4096xf32>
    %jit3A_301 = arith.constant 1.000000e+09 : f32
    %broadcast_in_dim3A_302 = vector.broadcast %jit3A_301 : f32 to vector<512x4096xf32>
    %select_n3A_303 = arith.select %eq3A_300, %convert_element_type3A_244, %broadcast_in_dim3A_302 : vector<512x4096xi1>, vector<512x4096xf32>
    %reduce_min3A_304 = arith.constant dense<0x7F800000> : vector<512xf32>
    %reduce_min3A_305 = vector.multi_reduction <minimumf>, %select_n3A_303, %reduce_min3A_304 [1] : vector<512x4096xf32> to vector<512xf32>
    %broadcast_in_dim3A_306 = vector.shape_cast %reduce_min3A_305 : vector<512xf32> to vector<512x1xf32>
    %ge3A_307 = arith.constant 1.000000e+29 : f32
    %ge3A_308 = vector.broadcast %ge3A_307 : f32 to vector<512x1xf32>
    %ge3A_309 = arith.cmpf oge, %broadcast_in_dim3A_298, %ge3A_308 : vector<512x1xf32>
    %max3A_310 = arith.constant 9.99999996E-13 : f32
    %max3A_311 = vector.broadcast %max3A_310 : f32 to vector<512x1xf32>
    %max3A_312 = arith.maximumf %broadcast_in_dim3A_298, %max3A_311 : vector<512x1xf32>
    %sqrt3A_313 = math.sqrt %max3A_312 : vector<512x1xf32>
    %neg3A_314 = arith.constant 0.000000e+00 : f32
    %neg3A_315 = vector.broadcast %neg3A_314 : f32 to vector<512x1xf32>
    %neg3A_316 = arith.subf %neg3A_315, %sqrt3A_313 : vector<512x1xf32>
    %jit3A_317 = arith.constant -1.000000e+09 : f32
    %broadcast_in_dim3A_318 = vector.broadcast %jit3A_317 : f32 to vector<512x1xf32>
    %select_n3A_319 = arith.select %ge3A_309, %broadcast_in_dim3A_318, %neg3A_316 : vector<512x1xi1>, vector<512x1xf32>
    %eq3A_320 = vector.broadcast %broadcast_in_dim3A_306 : vector<512x1xf32> to vector<512x4096xf32>
    %eq3A_321 = arith.cmpf oeq, %convert_element_type3A_244, %eq3A_320 : vector<512x4096xf32>
    %jit3A_322 = arith.constant 1.000000e+30 : f32
    %broadcast_in_dim3A_323 = vector.broadcast %jit3A_322 : f32 to vector<512x4096xf32>
    %select_n3A_324 = arith.select %eq3A_321, %broadcast_in_dim3A_323, %select_n3A_295 : vector<512x4096xi1>, vector<512x4096xf32>
    %reduce_min3A_325 = arith.constant dense<0x7F800000> : vector<512xf32>
    %reduce_min3A_326 = vector.multi_reduction <minimumf>, %select_n3A_324, %reduce_min3A_325 [1] : vector<512x4096xf32> to vector<512xf32>
    %broadcast_in_dim3A_327 = vector.shape_cast %reduce_min3A_326 : vector<512xf32> to vector<512x1xf32>
    %eq3A_328 = vector.broadcast %broadcast_in_dim3A_327 : vector<512x1xf32> to vector<512x4096xf32>
    %eq3A_329 = arith.cmpf oeq, %select_n3A_324, %eq3A_328 : vector<512x4096xf32>
    %jit3A_330 = arith.constant 1.000000e+09 : f32
    %broadcast_in_dim3A_331 = vector.broadcast %jit3A_330 : f32 to vector<512x4096xf32>
    %select_n3A_332 = arith.select %eq3A_329, %convert_element_type3A_244, %broadcast_in_dim3A_331 : vector<512x4096xi1>, vector<512x4096xf32>
    %reduce_min3A_333 = arith.constant dense<0x7F800000> : vector<512xf32>
    %reduce_min3A_334 = vector.multi_reduction <minimumf>, %select_n3A_332, %reduce_min3A_333 [1] : vector<512x4096xf32> to vector<512xf32>
    %broadcast_in_dim3A_335 = vector.shape_cast %reduce_min3A_334 : vector<512xf32> to vector<512x1xf32>
    %ge3A_336 = arith.constant 1.000000e+29 : f32
    %ge3A_337 = vector.broadcast %ge3A_336 : f32 to vector<512x1xf32>
    %ge3A_338 = arith.cmpf oge, %broadcast_in_dim3A_327, %ge3A_337 : vector<512x1xf32>
    %max3A_339 = arith.constant 9.99999996E-13 : f32
    %max3A_340 = vector.broadcast %max3A_339 : f32 to vector<512x1xf32>
    %max3A_341 = arith.maximumf %broadcast_in_dim3A_327, %max3A_340 : vector<512x1xf32>
    %sqrt3A_342 = math.sqrt %max3A_341 : vector<512x1xf32>
    %neg3A_343 = arith.constant 0.000000e+00 : f32
    %neg3A_344 = vector.broadcast %neg3A_343 : f32 to vector<512x1xf32>
    %neg3A_345 = arith.subf %neg3A_344, %sqrt3A_342 : vector<512x1xf32>
    %jit3A_346 = arith.constant -1.000000e+09 : f32
    %broadcast_in_dim3A_347 = vector.broadcast %jit3A_346 : f32 to vector<512x1xf32>
    %select_n3A_348 = arith.select %ge3A_338, %broadcast_in_dim3A_347, %neg3A_345 : vector<512x1xi1>, vector<512x1xf32>
    %eq3A_349 = vector.broadcast %broadcast_in_dim3A_335 : vector<512x1xf32> to vector<512x4096xf32>
    %eq3A_350 = arith.cmpf oeq, %convert_element_type3A_244, %eq3A_349 : vector<512x4096xf32>
    %jit3A_351 = arith.constant 1.000000e+30 : f32
    %broadcast_in_dim3A_352 = vector.broadcast %jit3A_351 : f32 to vector<512x4096xf32>
    %select_n3A_353 = arith.select %eq3A_350, %broadcast_in_dim3A_352, %select_n3A_324 : vector<512x4096xi1>, vector<512x4096xf32>
    %reduce_min3A_354 = arith.constant dense<0x7F800000> : vector<512xf32>
    %reduce_min3A_355 = vector.multi_reduction <minimumf>, %select_n3A_353, %reduce_min3A_354 [1] : vector<512x4096xf32> to vector<512xf32>
    %broadcast_in_dim3A_356 = vector.shape_cast %reduce_min3A_355 : vector<512xf32> to vector<512x1xf32>
    %eq3A_357 = vector.broadcast %broadcast_in_dim3A_356 : vector<512x1xf32> to vector<512x4096xf32>
    %eq3A_358 = arith.cmpf oeq, %select_n3A_353, %eq3A_357 : vector<512x4096xf32>
    %jit3A_359 = arith.constant 1.000000e+09 : f32
    %broadcast_in_dim3A_360 = vector.broadcast %jit3A_359 : f32 to vector<512x4096xf32>
    %select_n3A_361 = arith.select %eq3A_358, %convert_element_type3A_244, %broadcast_in_dim3A_360 : vector<512x4096xi1>, vector<512x4096xf32>
    %reduce_min3A_362 = arith.constant dense<0x7F800000> : vector<512xf32>
    %reduce_min3A_363 = vector.multi_reduction <minimumf>, %select_n3A_361, %reduce_min3A_362 [1] : vector<512x4096xf32> to vector<512xf32>
    %broadcast_in_dim3A_364 = vector.shape_cast %reduce_min3A_363 : vector<512xf32> to vector<512x1xf32>
    %ge3A_365 = arith.constant 1.000000e+29 : f32
    %ge3A_366 = vector.broadcast %ge3A_365 : f32 to vector<512x1xf32>
    %ge3A_367 = arith.cmpf oge, %broadcast_in_dim3A_356, %ge3A_366 : vector<512x1xf32>
    %max3A_368 = arith.constant 9.99999996E-13 : f32
    %max3A_369 = vector.broadcast %max3A_368 : f32 to vector<512x1xf32>
    %max3A_370 = arith.maximumf %broadcast_in_dim3A_356, %max3A_369 : vector<512x1xf32>
    %sqrt3A_371 = math.sqrt %max3A_370 : vector<512x1xf32>
    %neg3A_372 = arith.constant 0.000000e+00 : f32
    %neg3A_373 = vector.broadcast %neg3A_372 : f32 to vector<512x1xf32>
    %neg3A_374 = arith.subf %neg3A_373, %sqrt3A_371 : vector<512x1xf32>
    %jit3A_375 = arith.constant -1.000000e+09 : f32
    %broadcast_in_dim3A_376 = vector.broadcast %jit3A_375 : f32 to vector<512x1xf32>
    %select_n3A_377 = arith.select %ge3A_367, %broadcast_in_dim3A_376, %neg3A_374 : vector<512x1xi1>, vector<512x1xf32>
    %eq3A_378 = vector.broadcast %broadcast_in_dim3A_364 : vector<512x1xf32> to vector<512x4096xf32>
    %eq3A_379 = arith.cmpf oeq, %convert_element_type3A_244, %eq3A_378 : vector<512x4096xf32>
    %jit3A_380 = arith.constant 1.000000e+30 : f32
    %broadcast_in_dim3A_381 = vector.broadcast %jit3A_380 : f32 to vector<512x4096xf32>
    %select_n3A_382 = arith.select %eq3A_379, %broadcast_in_dim3A_381, %select_n3A_353 : vector<512x4096xi1>, vector<512x4096xf32>
    %reduce_min3A_383 = arith.constant dense<0x7F800000> : vector<512xf32>
    %reduce_min3A_384 = vector.multi_reduction <minimumf>, %select_n3A_382, %reduce_min3A_383 [1] : vector<512x4096xf32> to vector<512xf32>
    %broadcast_in_dim3A_385 = vector.shape_cast %reduce_min3A_384 : vector<512xf32> to vector<512x1xf32>
    %eq3A_386 = vector.broadcast %broadcast_in_dim3A_385 : vector<512x1xf32> to vector<512x4096xf32>
    %eq3A_387 = arith.cmpf oeq, %select_n3A_382, %eq3A_386 : vector<512x4096xf32>
    %jit3A_388 = arith.constant 1.000000e+09 : f32
    %broadcast_in_dim3A_389 = vector.broadcast %jit3A_388 : f32 to vector<512x4096xf32>
    %select_n3A_390 = arith.select %eq3A_387, %convert_element_type3A_244, %broadcast_in_dim3A_389 : vector<512x4096xi1>, vector<512x4096xf32>
    %reduce_min3A_391 = arith.constant dense<0x7F800000> : vector<512xf32>
    %reduce_min3A_392 = vector.multi_reduction <minimumf>, %select_n3A_390, %reduce_min3A_391 [1] : vector<512x4096xf32> to vector<512xf32>
    %broadcast_in_dim3A_393 = vector.shape_cast %reduce_min3A_392 : vector<512xf32> to vector<512x1xf32>
    %ge3A_394 = arith.constant 1.000000e+29 : f32
    %ge3A_395 = vector.broadcast %ge3A_394 : f32 to vector<512x1xf32>
    %ge3A_396 = arith.cmpf oge, %broadcast_in_dim3A_385, %ge3A_395 : vector<512x1xf32>
    %max3A_397 = arith.constant 9.99999996E-13 : f32
    %max3A_398 = vector.broadcast %max3A_397 : f32 to vector<512x1xf32>
    %max3A_399 = arith.maximumf %broadcast_in_dim3A_385, %max3A_398 : vector<512x1xf32>
    %sqrt3A_400 = math.sqrt %max3A_399 : vector<512x1xf32>
    %neg3A_401 = arith.constant 0.000000e+00 : f32
    %neg3A_402 = vector.broadcast %neg3A_401 : f32 to vector<512x1xf32>
    %neg3A_403 = arith.subf %neg3A_402, %sqrt3A_400 : vector<512x1xf32>
    %jit3A_404 = arith.constant -1.000000e+09 : f32
    %broadcast_in_dim3A_405 = vector.broadcast %jit3A_404 : f32 to vector<512x1xf32>
    %select_n3A_406 = arith.select %ge3A_396, %broadcast_in_dim3A_405, %neg3A_403 : vector<512x1xi1>, vector<512x1xf32>
    %eq3A_407 = vector.broadcast %broadcast_in_dim3A_393 : vector<512x1xf32> to vector<512x4096xf32>
    %eq3A_408 = arith.cmpf oeq, %convert_element_type3A_244, %eq3A_407 : vector<512x4096xf32>
    %jit3A_409 = arith.constant 1.000000e+30 : f32
    %broadcast_in_dim3A_410 = vector.broadcast %jit3A_409 : f32 to vector<512x4096xf32>
    %select_n3A_411 = arith.select %eq3A_408, %broadcast_in_dim3A_410, %select_n3A_382 : vector<512x4096xi1>, vector<512x4096xf32>
    %reduce_min3A_412 = arith.constant dense<0x7F800000> : vector<512xf32>
    %reduce_min3A_413 = vector.multi_reduction <minimumf>, %select_n3A_411, %reduce_min3A_412 [1] : vector<512x4096xf32> to vector<512xf32>
    %broadcast_in_dim3A_414 = vector.shape_cast %reduce_min3A_413 : vector<512xf32> to vector<512x1xf32>
    %eq3A_415 = vector.broadcast %broadcast_in_dim3A_414 : vector<512x1xf32> to vector<512x4096xf32>
    %eq3A_416 = arith.cmpf oeq, %select_n3A_411, %eq3A_415 : vector<512x4096xf32>
    %jit3A_417 = arith.constant 1.000000e+09 : f32
    %broadcast_in_dim3A_418 = vector.broadcast %jit3A_417 : f32 to vector<512x4096xf32>
    %select_n3A_419 = arith.select %eq3A_416, %convert_element_type3A_244, %broadcast_in_dim3A_418 : vector<512x4096xi1>, vector<512x4096xf32>
    %reduce_min3A_420 = arith.constant dense<0x7F800000> : vector<512xf32>
    %reduce_min3A_421 = vector.multi_reduction <minimumf>, %select_n3A_419, %reduce_min3A_420 [1] : vector<512x4096xf32> to vector<512xf32>
    %broadcast_in_dim3A_422 = vector.shape_cast %reduce_min3A_421 : vector<512xf32> to vector<512x1xf32>
    %ge3A_423 = arith.constant 1.000000e+29 : f32
    %ge3A_424 = vector.broadcast %ge3A_423 : f32 to vector<512x1xf32>
    %ge3A_425 = arith.cmpf oge, %broadcast_in_dim3A_414, %ge3A_424 : vector<512x1xf32>
    %max3A_426 = arith.constant 9.99999996E-13 : f32
    %max3A_427 = vector.broadcast %max3A_426 : f32 to vector<512x1xf32>
    %max3A_428 = arith.maximumf %broadcast_in_dim3A_414, %max3A_427 : vector<512x1xf32>
    %sqrt3A_429 = math.sqrt %max3A_428 : vector<512x1xf32>
    %neg3A_430 = arith.constant 0.000000e+00 : f32
    %neg3A_431 = vector.broadcast %neg3A_430 : f32 to vector<512x1xf32>
    %neg3A_432 = arith.subf %neg3A_431, %sqrt3A_429 : vector<512x1xf32>
    %jit3A_433 = arith.constant -1.000000e+09 : f32
    %broadcast_in_dim3A_434 = vector.broadcast %jit3A_433 : f32 to vector<512x1xf32>
    %select_n3A_435 = arith.select %ge3A_425, %broadcast_in_dim3A_434, %neg3A_432 : vector<512x1xi1>, vector<512x1xf32>
    %eq3A_436 = vector.broadcast %broadcast_in_dim3A_422 : vector<512x1xf32> to vector<512x4096xf32>
    %eq3A_437 = arith.cmpf oeq, %convert_element_type3A_244, %eq3A_436 : vector<512x4096xf32>
    %jit3A_438 = arith.constant 1.000000e+30 : f32
    %broadcast_in_dim3A_439 = vector.broadcast %jit3A_438 : f32 to vector<512x4096xf32>
    %select_n3A_440 = arith.select %eq3A_437, %broadcast_in_dim3A_439, %select_n3A_411 : vector<512x4096xi1>, vector<512x4096xf32>
    %reduce_min3A_441 = arith.constant dense<0x7F800000> : vector<512xf32>
    %reduce_min3A_442 = vector.multi_reduction <minimumf>, %select_n3A_440, %reduce_min3A_441 [1] : vector<512x4096xf32> to vector<512xf32>
    %broadcast_in_dim3A_443 = vector.shape_cast %reduce_min3A_442 : vector<512xf32> to vector<512x1xf32>
    %eq3A_444 = vector.broadcast %broadcast_in_dim3A_443 : vector<512x1xf32> to vector<512x4096xf32>
    %eq3A_445 = arith.cmpf oeq, %select_n3A_440, %eq3A_444 : vector<512x4096xf32>
    %jit3A_446 = arith.constant 1.000000e+09 : f32
    %broadcast_in_dim3A_447 = vector.broadcast %jit3A_446 : f32 to vector<512x4096xf32>
    %select_n3A_448 = arith.select %eq3A_445, %convert_element_type3A_244, %broadcast_in_dim3A_447 : vector<512x4096xi1>, vector<512x4096xf32>
    %reduce_min3A_449 = arith.constant dense<0x7F800000> : vector<512xf32>
    %reduce_min3A_450 = vector.multi_reduction <minimumf>, %select_n3A_448, %reduce_min3A_449 [1] : vector<512x4096xf32> to vector<512xf32>
    %broadcast_in_dim3A_451 = vector.shape_cast %reduce_min3A_450 : vector<512xf32> to vector<512x1xf32>
    %ge3A_452 = arith.constant 1.000000e+29 : f32
    %ge3A_453 = vector.broadcast %ge3A_452 : f32 to vector<512x1xf32>
    %ge3A_454 = arith.cmpf oge, %broadcast_in_dim3A_443, %ge3A_453 : vector<512x1xf32>
    %max3A_455 = arith.constant 9.99999996E-13 : f32
    %max3A_456 = vector.broadcast %max3A_455 : f32 to vector<512x1xf32>
    %max3A_457 = arith.maximumf %broadcast_in_dim3A_443, %max3A_456 : vector<512x1xf32>
    %sqrt3A_458 = math.sqrt %max3A_457 : vector<512x1xf32>
    %neg3A_459 = arith.constant 0.000000e+00 : f32
    %neg3A_460 = vector.broadcast %neg3A_459 : f32 to vector<512x1xf32>
    %neg3A_461 = arith.subf %neg3A_460, %sqrt3A_458 : vector<512x1xf32>
    %jit3A_462 = arith.constant -1.000000e+09 : f32
    %broadcast_in_dim3A_463 = vector.broadcast %jit3A_462 : f32 to vector<512x1xf32>
    %select_n3A_464 = arith.select %ge3A_454, %broadcast_in_dim3A_463, %neg3A_461 : vector<512x1xi1>, vector<512x1xf32>
    %eq3A_465 = vector.broadcast %broadcast_in_dim3A_451 : vector<512x1xf32> to vector<512x4096xf32>
    %eq3A_466 = arith.cmpf oeq, %convert_element_type3A_244, %eq3A_465 : vector<512x4096xf32>
    %jit3A_467 = arith.constant 1.000000e+30 : f32
    %broadcast_in_dim3A_468 = vector.broadcast %jit3A_467 : f32 to vector<512x4096xf32>
    %select_n3A_469 = arith.select %eq3A_466, %broadcast_in_dim3A_468, %select_n3A_440 : vector<512x4096xi1>, vector<512x4096xf32>
    %reduce_min3A_470 = arith.constant dense<0x7F800000> : vector<512xf32>
    %reduce_min3A_471 = vector.multi_reduction <minimumf>, %select_n3A_469, %reduce_min3A_470 [1] : vector<512x4096xf32> to vector<512xf32>
    %broadcast_in_dim3A_472 = vector.shape_cast %reduce_min3A_471 : vector<512xf32> to vector<512x1xf32>
    %eq3A_473 = vector.broadcast %broadcast_in_dim3A_472 : vector<512x1xf32> to vector<512x4096xf32>
    %eq3A_474 = arith.cmpf oeq, %select_n3A_469, %eq3A_473 : vector<512x4096xf32>
    %jit3A_475 = arith.constant 1.000000e+09 : f32
    %broadcast_in_dim3A_476 = vector.broadcast %jit3A_475 : f32 to vector<512x4096xf32>
    %select_n3A_477 = arith.select %eq3A_474, %convert_element_type3A_244, %broadcast_in_dim3A_476 : vector<512x4096xi1>, vector<512x4096xf32>
    %reduce_min3A_478 = arith.constant dense<0x7F800000> : vector<512xf32>
    %reduce_min3A_479 = vector.multi_reduction <minimumf>, %select_n3A_477, %reduce_min3A_478 [1] : vector<512x4096xf32> to vector<512xf32>
    %broadcast_in_dim3A_480 = vector.shape_cast %reduce_min3A_479 : vector<512xf32> to vector<512x1xf32>
    %ge3A_481 = arith.constant 1.000000e+29 : f32
    %ge3A_482 = vector.broadcast %ge3A_481 : f32 to vector<512x1xf32>
    %ge3A_483 = arith.cmpf oge, %broadcast_in_dim3A_472, %ge3A_482 : vector<512x1xf32>
    %max3A_484 = arith.constant 9.99999996E-13 : f32
    %max3A_485 = vector.broadcast %max3A_484 : f32 to vector<512x1xf32>
    %max3A_486 = arith.maximumf %broadcast_in_dim3A_472, %max3A_485 : vector<512x1xf32>
    %sqrt3A_487 = math.sqrt %max3A_486 : vector<512x1xf32>
    %neg3A_488 = arith.constant 0.000000e+00 : f32
    %neg3A_489 = vector.broadcast %neg3A_488 : f32 to vector<512x1xf32>
    %neg3A_490 = arith.subf %neg3A_489, %sqrt3A_487 : vector<512x1xf32>
    %jit3A_491 = arith.constant -1.000000e+09 : f32
    %broadcast_in_dim3A_492 = vector.broadcast %jit3A_491 : f32 to vector<512x1xf32>
    %select_n3A_493 = arith.select %ge3A_483, %broadcast_in_dim3A_492, %neg3A_490 : vector<512x1xi1>, vector<512x1xf32>
    %concatenate3A_494 = tpu.concatenate %select_n3A_290, %select_n3A_319, %select_n3A_348, %select_n3A_377, %select_n3A_406, %select_n3A_435, %select_n3A_464, %select_n3A_493 in 1 : vector<512x1xf32>, vector<512x1xf32>, vector<512x1xf32>, vector<512x1xf32>, vector<512x1xf32>, vector<512x1xf32>, vector<512x1xf32>, vector<512x1xf32> -> vector<512x8xf32>
    %concatenate3A_495 = tpu.concatenate %broadcast_in_dim3A_278, %broadcast_in_dim3A_306, %broadcast_in_dim3A_335, %broadcast_in_dim3A_364, %broadcast_in_dim3A_393, %broadcast_in_dim3A_422, %broadcast_in_dim3A_451, %broadcast_in_dim3A_480 in 1 : vector<512x1xf32>, vector<512x1xf32>, vector<512x1xf32>, vector<512x1xf32>, vector<512x1xf32>, vector<512x1xf32>, vector<512x1xf32>, vector<512x1xf32> -> vector<512x8xf32>
    %convert_element_type3A_496 = arith.fptosi %concatenate3A_495 : vector<512x8xf32> to vector<512x8xi32>
    %swap3A_497 = arith.constant 0 : index
    %swap3A_498 = arith.constant 0 : index
    %swap3A_499 = vector.load %arg27[%swap3A_497, %swap3A_498] : memref<512x8xi32, #tpu.memory_space<vmem>>, vector<512x8xi32>
    tpu.vector_store %arg27[%swap3A_497, %swap3A_498], %convert_element_type3A_496 {strides = array<i32>} : memref<512x8xi32, #tpu.memory_space<vmem>>, vector<512x8xi32>,
    %slice3A_500 = vector.extract_strided_slice %concatenate3A_494 {offsets = [0, 0], sizes = [512, 1], strides = [1, 1]} : vector<512x8xf32> to vector<512x1xf32>
    %sub3A_501 = vector.broadcast %slice3A_500 : vector<512x1xf32> to vector<512x8xf32>
    %sub3A_502 = arith.subf %concatenate3A_494, %sub3A_501 : vector<512x8xf32>
    %exp3A_503 = math.exp %sub3A_502 : vector<512x8xf32>
    %reduce_sum3A_504 = arith.constant dense<0.000000e+00> : vector<512xf32>
    %reduce_sum3A_505 = vector.multi_reduction <add>, %exp3A_503, %reduce_sum3A_504 [1] : vector<512x8xf32> to vector<512xf32>
    %broadcast_in_dim3A_506 = vector.shape_cast %reduce_sum3A_505 : vector<512xf32> to vector<512x1xf32>
    %div3A_507 = vector.broadcast %broadcast_in_dim3A_506 : vector<512x1xf32> to vector<512x8xf32>
    %div3A_508 = arith.divf %exp3A_503, %div3A_507 : vector<512x8xf32>
    %broadcast_in_dim3A_509 = arith.constant 0.000000e+00 : f32
    %broadcast_in_dim3A_510 = vector.broadcast %broadcast_in_dim3A_509 : f32 to vector<512x8xf32>
    %concatenate3A_511 = tpu.concatenate %div3A_508, %broadcast_in_dim3A_510 in 1 : vector<512x8xf32>, vector<512x8xf32> -> vector<512x16xf32>
    %swap3A_512 = arith.constant 0 : index
    %swap3A_513 = arith.constant 0 : index
    %swap3A_514 = vector.load %arg28[%swap3A_512, %swap3A_513] : memref<512x16xf32, #tpu.memory_space<vmem>>, vector<512x16xf32>
    tpu.vector_store %arg28[%swap3A_512, %swap3A_513], %concatenate3A_511 {strides = array<i32>} : memref<512x16xf32, #tpu.memory_space<vmem>>, vector<512x16xf32>,
    return
  }
  func.func @transform_0(%arg0: i32) -> (i32, i32) {
    %c0_i32 = arith.constant 0 : i32
    %c0_i32_0 = arith.constant 0 : i32
    return %arg0, %c0_i32 : i32, i32
  }
  func.func @transform_1(%arg0: i32) -> (i32, i32) {
    %c2_i32 = arith.constant 2 : i32
    %c0_i32 = arith.constant 0 : i32
    return %arg0, %c2_i32 : i32, i32
  }
  func.func @transform_2(%arg0: i32) -> (i32, i32) {
    %c3_i32 = arith.constant 3 : i32
    %c0_i32 = arith.constant 0 : i32
    return %arg0, %c3_i32 : i32, i32
  }
  func.func @transform_3(%arg0: i32) -> (i32, i32) {
    %c4_i32 = arith.constant 4 : i32
    %c0_i32 = arith.constant 0 : i32
    return %arg0, %c4_i32 : i32, i32
  }
  func.func @transform_4(%arg0: i32) -> (i32, i32) {
    %c5_i32 = arith.constant 5 : i32
    %c0_i32 = arith.constant 0 : i32
    return %arg0, %c5_i32 : i32, i32
  }
  func.func @transform_5(%arg0: i32) -> (i32, i32) {
    %c0_i32 = arith.constant 0 : i32
    %c0_i32_0 = arith.constant 0 : i32
    return %arg0, %c0_i32 : i32, i32
  }
  func.func @transform_6(%arg0: i32) -> (i32, i32) {
    %c0_i32 = arith.constant 0 : i32
    %c0_i32_0 = arith.constant 0 : i32
    %c0_i32_1 = arith.constant 0 : i32
    return %c0_i32, %c0_i32_0 : i32, i32
  }
  func.func @transform_7(%arg0: i32) -> (i32, i32) {
    %c0_i32 = arith.constant 0 : i32
    %c0_i32_0 = arith.constant 0 : i32
    %c0_i32_1 = arith.constant 0 : i32
    return %c0_i32, %c0_i32_0 : i32, i32
  }
  func.func @transform_8(%arg0: i32) -> (i32, i32) {
    %c0_i32 = arith.constant 0 : i32
    %c0_i32_0 = arith.constant 0 : i32
    return %arg0, %c0_i32 : i32, i32
  }
  func.func @transform_9(%arg0: i32) -> (i32, i32) {
    %c0_i32 = arith.constant 0 : i32
    %c0_i32_0 = arith.constant 0 : i32
    %c0_i32_1 = arith.constant 0 : i32
    return %c0_i32, %c0_i32_0 : i32, i32
  }
  func.func @transform_10(%arg0: i32) -> (i32, i32) {
    %c0_i32 = arith.constant 0 : i32
    %c0_i32_0 = arith.constant 0 : i32
    %c0_i32_1 = arith.constant 0 : i32
    return %c0_i32, %c0_i32_0 : i32, i32
  }
  func.func @transform_11(%arg0: i32) -> (i32, i32) {
    %c0_i32 = arith.constant 0 : i32
    %c0_i32_0 = arith.constant 0 : i32
    %c0_i32_1 = arith.constant 0 : i32
    return %c0_i32, %c0_i32_0 : i32, i32
  }
  func.func @transform_12(%arg0: i32) -> (i32, i32) {
    %c0_i32 = arith.constant 0 : i32
    %c0_i32_0 = arith.constant 0 : i32
    %c0_i32_1 = arith.constant 0 : i32
    return %c0_i32, %c0_i32_0 : i32, i32
  }
  func.func @transform_13(%arg0: i32) -> (i32, i32) {
    %c0_i32 = arith.constant 0 : i32
    %c0_i32_0 = arith.constant 0 : i32
    %c0_i32_1 = arith.constant 0 : i32
    return %c0_i32, %c0_i32_0 : i32, i32
  }
  func.func @transform_14(%arg0: i32) -> (i32, i32) {
    %c0_i32 = arith.constant 0 : i32
    %c0_i32_0 = arith.constant 0 : i32
    %c0_i32_1 = arith.constant 0 : i32
    return %c0_i32, %c0_i32_0 : i32, i32
  }
  func.func @transform_15(%arg0: i32) -> (i32, i32) {
    %c0_i32 = arith.constant 0 : i32
    %c0_i32_0 = arith.constant 0 : i32
    %c0_i32_1 = arith.constant 0 : i32
    return %c0_i32, %c0_i32_0 : i32, i32
  }
  func.func @transform_16(%arg0: i32) -> (i32, i32) {
    %c0_i32 = arith.constant 0 : i32
    %c0_i32_0 = arith.constant 0 : i32
    %c0_i32_1 = arith.constant 0 : i32
    return %c0_i32, %c0_i32_0 : i32, i32
  }
  func.func @transform_17(%arg0: i32) -> (i32, i32) {
    %c0_i32 = arith.constant 0 : i32
    %c0_i32_0 = arith.constant 0 : i32
    %c0_i32_1 = arith.constant 0 : i32
    return %c0_i32, %c0_i32_0 : i32, i32
  }
  func.func @transform_18(%arg0: i32) -> (i32, i32) {
    %c0_i32 = arith.constant 0 : i32
    %c0_i32_0 = arith.constant 0 : i32
    %c0_i32_1 = arith.constant 0 : i32
    return %c0_i32, %c0_i32_0 : i32, i32
  }
  func.func @transform_19(%arg0: i32) -> (i32, i32) {
    %c0_i32 = arith.constant 0 : i32
    %c0_i32_0 = arith.constant 0 : i32
    %c0_i32_1 = arith.constant 0 : i32
    return %c0_i32, %c0_i32_0 : i32, i32
  }
  func.func @transform_20(%arg0: i32) -> (i32, i32) {
    %c0_i32 = arith.constant 0 : i32
    %c0_i32_0 = arith.constant 0 : i32
    %c0_i32_1 = arith.constant 0 : i32
    return %c0_i32, %c0_i32_0 : i32, i32
  }
  func.func @transform_21(%arg0: i32) -> (i32, i32) {
    %c0_i32 = arith.constant 0 : i32
    %c0_i32_0 = arith.constant 0 : i32
    %c0_i32_1 = arith.constant 0 : i32
    return %c0_i32, %c0_i32_0 : i32, i32
  }
  func.func @transform_22(%arg0: i32) -> (i32, i32) {
    %c0_i32 = arith.constant 0 : i32
    %c0_i32_0 = arith.constant 0 : i32
    %c0_i32_1 = arith.constant 0 : i32
    return %c0_i32, %c0_i32_0 : i32, i32
  }
  func.func @transform_23(%arg0: i32) -> (i32, i32) {
    %c0_i32 = arith.constant 0 : i32
    %c0_i32_0 = arith.constant 0 : i32
    %c0_i32_1 = arith.constant 0 : i32
    return %c0_i32, %c0_i32_0 : i32, i32
  }
  func.func @transform_24(%arg0: i32) -> (i32, i32) {
    %c0_i32 = arith.constant 0 : i32
    %c0_i32_0 = arith.constant 0 : i32
    %c0_i32_1 = arith.constant 0 : i32
    return %c0_i32, %c0_i32_0 : i32, i32
  }
  func.func @transform_25(%arg0: i32) -> (i32, i32) {
    %c0_i32 = arith.constant 0 : i32
    %c0_i32_0 = arith.constant 0 : i32
    return %arg0, %c0_i32 : i32, i32
  }
  func.func @transform_26(%arg0: i32) -> (i32, i32) {
    %c0_i32 = arith.constant 0 : i32
    %c0_i32_0 = arith.constant 0 : i32
    return %arg0, %c0_i32 : i32, i32
  }
  func.func @transform_27(%arg0: i32) -> (i32, i32) {
    %c0_i32 = arith.constant 0 : i32
    %c0_i32_0 = arith.constant 0 : i32
    return %arg0, %c0_i32 : i32, i32
  }
  func.func @transform_28(%arg0: i32) -> (i32, i32) {
    %c0_i32 = arith.constant 0 : i32
    %c0_i32_0 = arith.constant 0 : i32
    %c0_i32_1 = arith.constant 0 : i32
    return %c0_i32, %c0_i32_0 : i32, i32
  }
}

module attributes {stable_mosaic.version = 14 : i64} {
  func.func @_classifier_body(%arg0: i32, %arg1: memref<512x768xf32, #tpu.memory_space<vmem>>, %arg2: memref<512x768xf32, #tpu.memory_space<vmem>>, %arg3: memref<768x768xf32, #tpu.memory_space<vmem>>, %arg4: memref<1x768xf32, #tpu.memory_space<vmem>>, %arg5: memref<768x768xf32, #tpu.memory_space<vmem>>, %arg6: memref<1x768xf32, #tpu.memory_space<vmem>>, %arg7: memref<768x256xf32, #tpu.memory_space<vmem>>, %arg8: memref<1x256xf32, #tpu.memory_space<vmem>>, %arg9: memref<1x256xf32, #tpu.memory_space<vmem>>, %arg10: memref<1x256xf32, #tpu.memory_space<vmem>>, %arg11: memref<1x256xf32, #tpu.memory_space<vmem>>, %arg12: memref<1x256xf32, #tpu.memory_space<vmem>>, %arg13: memref<256x5xf32, #tpu.memory_space<vmem>>, %arg14: memref<1x5xf32, #tpu.memory_space<vmem>>, %arg15: memref<512x5xf32, #tpu.memory_space<vmem>>) attributes {dimension_semantics = [#tpu.dimension_semantics<arbitrary>], iteration_bounds = array<i64: 8>, scalar_prefetch = 0 : i64, scratch_operands = 0 : i64, tpu.core_type = #tpu.core_type<tc>, window_params = [{transform_indices = @transform_0, window_bounds = array<i64: 512, 768>}, {transform_indices = @transform_1, window_bounds = array<i64: 512, 768>}, {pipeline_mode = #tpu.pipeline_mode<synchronous>, transform_indices = @transform_2, window_bounds = array<i64: 768, 768>}, {pipeline_mode = #tpu.pipeline_mode<synchronous>, transform_indices = @transform_3, window_bounds = array<i64: 1, 768>}, {pipeline_mode = #tpu.pipeline_mode<synchronous>, transform_indices = @transform_4, window_bounds = array<i64: 768, 768>}, {pipeline_mode = #tpu.pipeline_mode<synchronous>, transform_indices = @transform_5, window_bounds = array<i64: 1, 768>}, {pipeline_mode = #tpu.pipeline_mode<synchronous>, transform_indices = @transform_6, window_bounds = array<i64: 768, 256>}, {pipeline_mode = #tpu.pipeline_mode<synchronous>, transform_indices = @transform_7, window_bounds = array<i64: 1, 256>}, {pipeline_mode = #tpu.pipeline_mode<synchronous>, transform_indices = @transform_8, window_bounds = array<i64: 1, 256>}, {pipeline_mode = #tpu.pipeline_mode<synchronous>, transform_indices = @transform_9, window_bounds = array<i64: 1, 256>}, {pipeline_mode = #tpu.pipeline_mode<synchronous>, transform_indices = @transform_10, window_bounds = array<i64: 1, 256>}, {pipeline_mode = #tpu.pipeline_mode<synchronous>, transform_indices = @transform_11, window_bounds = array<i64: 1, 256>}, {pipeline_mode = #tpu.pipeline_mode<synchronous>, transform_indices = @transform_12, window_bounds = array<i64: 256, 5>}, {pipeline_mode = #tpu.pipeline_mode<synchronous>, transform_indices = @transform_13, window_bounds = array<i64: 1, 5>}, {transform_indices = @transform_14, window_bounds = array<i64: 512, 5>}]} {
    %get3A = arith.constant 0 : index
    %get3A_0 = arith.constant 0 : index
    %get3A_1 = vector.load %arg2[%get3A, %get3A_0] : memref<512x768xf32, #tpu.memory_space<vmem>>, vector<512x768xf32>
    %get3A_2 = arith.constant 0 : index
    %get3A_3 = arith.constant 0 : index
    %get3A_4 = vector.load %arg3[%get3A_2, %get3A_3] : memref<768x768xf32, #tpu.memory_space<vmem>>, vector<768x768xf32>
    %dot_general3A = arith.constant dense<0.000000e+00> : vector<512x768xf32>
    %dot_general3A_5 = tpu.matmul %get3A_1, %get3A_4, %dot_general3A {dimension_numbers = #tpu.dot_dimension_numbers<[1], [0], [0], [1], [0, 0, 1, 1], [], []>, transpose_lhs_hint = false} : vector<512x768xf32>, vector<768x768xf32>, vector<512x768xf32> -> vector<512x768xf32>
    %get3A_6 = arith.constant 0 : index
    %get3A_7 = arith.constant 0 : index
    %get3A_8 = vector.load %arg4[%get3A_6, %get3A_7] : memref<1x768xf32, #tpu.memory_space<vmem>>, vector<1x768xf32>
    %add3A = vector.broadcast %get3A_8 : vector<1x768xf32> to vector<512x768xf32>
    %add3A_9 = arith.addf %dot_general3A_5, %add3A : vector<512x768xf32>
    %max3A = arith.constant 0.000000e+00 : f32
    %max3A_10 = vector.broadcast %max3A : f32 to vector<512x768xf32>
    %max3A_11 = arith.maximumf %add3A_9, %max3A_10 : vector<512x768xf32>
    %get3A_12 = arith.constant 0 : index
    %get3A_13 = arith.constant 0 : index
    %get3A_14 = vector.load %arg5[%get3A_12, %get3A_13] : memref<768x768xf32, #tpu.memory_space<vmem>>, vector<768x768xf32>
    %dot_general3A_15 = arith.constant dense<0.000000e+00> : vector<512x768xf32>
    %dot_general3A_16 = tpu.matmul %max3A_11, %get3A_14, %dot_general3A_15 {dimension_numbers = #tpu.dot_dimension_numbers<[1], [0], [0], [1], [0, 0, 1, 1], [], []>, transpose_lhs_hint = false} : vector<512x768xf32>, vector<768x768xf32>, vector<512x768xf32> -> vector<512x768xf32>
    %get3A_17 = arith.constant 0 : index
    %get3A_18 = arith.constant 0 : index
    %get3A_19 = vector.load %arg6[%get3A_17, %get3A_18] : memref<1x768xf32, #tpu.memory_space<vmem>>, vector<1x768xf32>
    %add3A_20 = vector.broadcast %get3A_19 : vector<1x768xf32> to vector<512x768xf32>
    %add3A_21 = arith.addf %dot_general3A_16, %add3A_20 : vector<512x768xf32>
    %get3A_22 = arith.constant 0 : index
    %get3A_23 = arith.constant 0 : index
    %get3A_24 = vector.load %arg1[%get3A_22, %get3A_23] : memref<512x768xf32, #tpu.memory_space<vmem>>, vector<512x768xf32>
    %mul3A = arith.constant 5.000000e-01 : f32
    %mul3A_25 = vector.broadcast %mul3A : f32 to vector<512x768xf32>
    %mul3A_26 = arith.mulf %mul3A_25, %add3A_21 : vector<512x768xf32>
    %add3A_27 = arith.addf %get3A_24, %mul3A_26 : vector<512x768xf32>
    %get3A_28 = arith.constant 0 : index
    %get3A_29 = arith.constant 0 : index
    %get3A_30 = vector.load %arg7[%get3A_28, %get3A_29] : memref<768x256xf32, #tpu.memory_space<vmem>>, vector<768x256xf32>
    %dot_general3A_31 = arith.constant dense<0.000000e+00> : vector<512x256xf32>
    %dot_general3A_32 = tpu.matmul %add3A_27, %get3A_30, %dot_general3A_31 {dimension_numbers = #tpu.dot_dimension_numbers<[1], [0], [0], [1], [0, 0, 1, 1], [], []>, transpose_lhs_hint = false} : vector<512x768xf32>, vector<768x256xf32>, vector<512x256xf32> -> vector<512x256xf32>
    %get3A_33 = arith.constant 0 : index
    %get3A_34 = arith.constant 0 : index
    %get3A_35 = vector.load %arg8[%get3A_33, %get3A_34] : memref<1x256xf32, #tpu.memory_space<vmem>>, vector<1x256xf32>
    %add3A_36 = vector.broadcast %get3A_35 : vector<1x256xf32> to vector<512x256xf32>
    %add3A_37 = arith.addf %dot_general3A_32, %add3A_36 : vector<512x256xf32>
    %get3A_38 = arith.constant 0 : index
    %get3A_39 = arith.constant 0 : index
    %get3A_40 = vector.load %arg11[%get3A_38, %get3A_39] : memref<1x256xf32, #tpu.memory_space<vmem>>, vector<1x256xf32>
    %sub3A = vector.broadcast %get3A_40 : vector<1x256xf32> to vector<512x256xf32>
    %sub3A_41 = arith.subf %add3A_37, %sub3A : vector<512x256xf32>
    %get3A_42 = arith.constant 0 : index
    %get3A_43 = arith.constant 0 : index
    %get3A_44 = vector.load %arg12[%get3A_42, %get3A_43] : memref<1x256xf32, #tpu.memory_space<vmem>>, vector<1x256xf32>
    %add3A_45 = arith.constant 9.99999974E-6 : f32
    %add3A_46 = vector.broadcast %add3A_45 : f32 to vector<1x256xf32>
    %add3A_47 = arith.addf %get3A_44, %add3A_46 : vector<1x256xf32>
    %sqrt3A = math.sqrt %add3A_47 : vector<1x256xf32>
    %div3A = vector.broadcast %sqrt3A : vector<1x256xf32> to vector<512x256xf32>
    %div3A_48 = arith.divf %sub3A_41, %div3A : vector<512x256xf32>
    %get3A_49 = arith.constant 0 : index
    %get3A_50 = arith.constant 0 : index
    %get3A_51 = vector.load %arg9[%get3A_49, %get3A_50] : memref<1x256xf32, #tpu.memory_space<vmem>>, vector<1x256xf32>
    %mul3A_52 = vector.broadcast %get3A_51 : vector<1x256xf32> to vector<512x256xf32>
    %mul3A_53 = arith.mulf %div3A_48, %mul3A_52 : vector<512x256xf32>
    %get3A_54 = arith.constant 0 : index
    %get3A_55 = arith.constant 0 : index
    %get3A_56 = vector.load %arg10[%get3A_54, %get3A_55] : memref<1x256xf32, #tpu.memory_space<vmem>>, vector<1x256xf32>
    %add3A_57 = vector.broadcast %get3A_56 : vector<1x256xf32> to vector<512x256xf32>
    %add3A_58 = arith.addf %mul3A_53, %add3A_57 : vector<512x256xf32>
    %max3A_59 = arith.constant 0.000000e+00 : f32
    %max3A_60 = vector.broadcast %max3A_59 : f32 to vector<512x256xf32>
    %max3A_61 = arith.maximumf %add3A_58, %max3A_60 : vector<512x256xf32>
    %get3A_62 = arith.constant 0 : index
    %get3A_63 = arith.constant 0 : index
    %get3A_64 = vector.load %arg13[%get3A_62, %get3A_63] : memref<256x5xf32, #tpu.memory_space<vmem>>, vector<256x5xf32>
    %dot_general3A_65 = arith.constant dense<0.000000e+00> : vector<512x5xf32>
    %dot_general3A_66 = tpu.matmul %max3A_61, %get3A_64, %dot_general3A_65 {dimension_numbers = #tpu.dot_dimension_numbers<[1], [0], [0], [1], [0, 0, 1, 1], [], []>, transpose_lhs_hint = false} : vector<512x256xf32>, vector<256x5xf32>, vector<512x5xf32> -> vector<512x5xf32>
    %get3A_67 = arith.constant 0 : index
    %get3A_68 = arith.constant 0 : index
    %get3A_69 = vector.load %arg14[%get3A_67, %get3A_68] : memref<1x5xf32, #tpu.memory_space<vmem>>, vector<1x5xf32>
    %add3A_70 = vector.broadcast %get3A_69 : vector<1x5xf32> to vector<512x5xf32>
    %add3A_71 = arith.addf %dot_general3A_66, %add3A_70 : vector<512x5xf32>
    %swap3A = arith.constant 0 : index
    %swap3A_72 = arith.constant 0 : index
    %swap3A_73 = vector.load %arg15[%swap3A, %swap3A_72] : memref<512x5xf32, #tpu.memory_space<vmem>>, vector<512x5xf32>
    tpu.vector_store %arg15[%swap3A, %swap3A_72], %add3A_71 {strides = array<i32>} : memref<512x5xf32, #tpu.memory_space<vmem>>, vector<512x5xf32>,
    return
  }
  func.func @transform_0(%arg0: i32) -> (i32, i32) {
    %c0_i32 = arith.constant 0 : i32
    %c0_i32_0 = arith.constant 0 : i32
    return %arg0, %c0_i32 : i32, i32
  }
  func.func @transform_1(%arg0: i32) -> (i32, i32) {
    %c0_i32 = arith.constant 0 : i32
    %c0_i32_0 = arith.constant 0 : i32
    return %arg0, %c0_i32 : i32, i32
  }
  func.func @transform_2(%arg0: i32) -> (i32, i32) {
    %c0_i32 = arith.constant 0 : i32
    %c0_i32_0 = arith.constant 0 : i32
    %c0_i32_1 = arith.constant 0 : i32
    return %c0_i32, %c0_i32_0 : i32, i32
  }
  func.func @transform_3(%arg0: i32) -> (i32, i32) {
    %c0_i32 = arith.constant 0 : i32
    %c0_i32_0 = arith.constant 0 : i32
    %c0_i32_1 = arith.constant 0 : i32
    return %c0_i32, %c0_i32_0 : i32, i32
  }
  func.func @transform_4(%arg0: i32) -> (i32, i32) {
    %c0_i32 = arith.constant 0 : i32
    %c0_i32_0 = arith.constant 0 : i32
    %c0_i32_1 = arith.constant 0 : i32
    return %c0_i32, %c0_i32_0 : i32, i32
  }
  func.func @transform_5(%arg0: i32) -> (i32, i32) {
    %c0_i32 = arith.constant 0 : i32
    %c0_i32_0 = arith.constant 0 : i32
    %c0_i32_1 = arith.constant 0 : i32
    return %c0_i32, %c0_i32_0 : i32, i32
  }
  func.func @transform_6(%arg0: i32) -> (i32, i32) {
    %c0_i32 = arith.constant 0 : i32
    %c0_i32_0 = arith.constant 0 : i32
    %c0_i32_1 = arith.constant 0 : i32
    return %c0_i32, %c0_i32_0 : i32, i32
  }
  func.func @transform_7(%arg0: i32) -> (i32, i32) {
    %c0_i32 = arith.constant 0 : i32
    %c0_i32_0 = arith.constant 0 : i32
    %c0_i32_1 = arith.constant 0 : i32
    return %c0_i32, %c0_i32_0 : i32, i32
  }
  func.func @transform_8(%arg0: i32) -> (i32, i32) {
    %c0_i32 = arith.constant 0 : i32
    %c0_i32_0 = arith.constant 0 : i32
    %c0_i32_1 = arith.constant 0 : i32
    return %c0_i32, %c0_i32_0 : i32, i32
  }
  func.func @transform_9(%arg0: i32) -> (i32, i32) {
    %c0_i32 = arith.constant 0 : i32
    %c0_i32_0 = arith.constant 0 : i32
    %c0_i32_1 = arith.constant 0 : i32
    return %c0_i32, %c0_i32_0 : i32, i32
  }
  func.func @transform_10(%arg0: i32) -> (i32, i32) {
    %c0_i32 = arith.constant 0 : i32
    %c0_i32_0 = arith.constant 0 : i32
    %c0_i32_1 = arith.constant 0 : i32
    return %c0_i32, %c0_i32_0 : i32, i32
  }
  func.func @transform_11(%arg0: i32) -> (i32, i32) {
    %c0_i32 = arith.constant 0 : i32
    %c0_i32_0 = arith.constant 0 : i32
    %c0_i32_1 = arith.constant 0 : i32
    return %c0_i32, %c0_i32_0 : i32, i32
  }
  func.func @transform_12(%arg0: i32) -> (i32, i32) {
    %c0_i32 = arith.constant 0 : i32
    %c0_i32_0 = arith.constant 0 : i32
    %c0_i32_1 = arith.constant 0 : i32
    return %c0_i32, %c0_i32_0 : i32, i32
  }
  func.func @transform_13(%arg0: i32) -> (i32, i32) {
    %c0_i32 = arith.constant 0 : i32
    %c0_i32_0 = arith.constant 0 : i32
    %c0_i32_1 = arith.constant 0 : i32
    return %c0_i32, %c0_i32_0 : i32, i32
  }
  func.func @transform_14(%arg0: i32) -> (i32, i32) {
    %c0_i32 = arith.constant 0 : i32
    %c0_i32_0 = arith.constant 0 : i32
    return %arg0, %c0_i32 : i32, i32
  }
}

</mosaic_0001>

<sc_bundles>
// kernel: kernel.5.cloned.1.call-start
scs
__scs_entry_jumppad:
0x0: {  	(pc) =	sbr.rel $0x88, $3  }
0x1: {  	(tag) =	ssettag $0x0;
	lr =	simm.s32 $0x1  }
0x2: {  	[smem:$0x3F84] =	sst lr;
	_ =	strace $0xD0000000  }
0x3: {  	_ = 	snop  }
0x4: {  	_ = 	snop  }
0x5: {  	_ = 	snop  }
0x6: {  	_ = 	snop  }
0x7: {  	_ = 	snop  }
__scs_overlays_trampoline_lowered:
0x8: {  	[smem:$0x3F93] =	sst s0  }
0x9: {  	[smem:$0x3F94] =	sst s1  }
0xa: {  	[smem:$0x3F95] =	sst s2  }
0xb: {  	[smem:$0x3F96] =	sst s3  }
0xc: {  	[smem:$0x3F97] =	sst s4  }
0xd: {  	[smem:$0x3F98] =	sst s5  }
0xe: {  	[smem:$0x3F99] =	sst s6  }
0xf: {  	[smem:$0x3F9A] =	sst s7  }
0x10: {  	[smem:$0x3F9B] =	sst s8  }
0x11: {  	[smem:$0x3F9C] =	sst s9;
	s0 =	simm.s32 @!p0 $0x0  }
0x12: {  	s1 =	sld [smem:$0x3F82];
	s0 =	simm.s32 @p0 $0x1  }
0x13: {  	[smem:$0x3F9D] =	sst s0;
	s0 =	simm.s32 @!p1 $0x0  }
0x14: {  	s2 =	sld [smem:$0x3F81];
	s0 =	simm.s32 @p1 $0x1  }
0x15: {  	[smem:$0x3F9E] =	sst s0;
	s0 =	simm.s32 @!p2 $0x0  }
0x16: {  	s3 =	sld [smem:$0x3FDB];
	s0 =	simm.s32 @p2 $0x1  }
0x17: {  	s4 =	simm.s32 $0x1BF5;
	[smem:$0x3FA0] =	sst s0  }
0x18: {  	s0 =	sld [smem:$0x3F83];
	_ =	swait.ge [sflag:s4], $0x0  }
0x19: {  	s7 =	sld [smem:$0x3F84]  }
0x1a: {  	s8 =	sadd.s32 $0xFFFFE003, lr  }
0x1b: {  	s9 =	sadd.s32 $0xFFFFFEF7, lr;
	s5 =	simm.s32 $0xFFFFFFFF;
	p2 =	slt.u32 s8, $0xFFFFF086  }
0x1c: {  	p1 =	slt.u32 s9, $0xF7A;
	s5 =	simm.s32 @!p2 $0x0  }
0x1d: {  	s5 =	simm.s32 @p1 $0x1;
	p0 =	seq.s32 s7, s2  }
0x1e: {  	s7 =	smul.u32 @!p0 $0xF7A, s2;
	p2 =	seq.s32 @!p0 s5, $0x0  }
0x1f: {  	s9 =	smul.u32 $0xF7A, s1;
	s8 =	simm.s32 @!p0 $0x1BF5;
	p2 =	por !p2, p0  }
0x20: {  	[sflag:s8] =	ssyncset.s32 @!p0 $0xFFFFF086;
	s6 =	sadd.s32 @!p0 s3, s7;
	s7 =	simm.s32 @!p0 $0x108  }
0x21: {  	s3 =	sadd.s32 s3, s9;
	s6 =	sadd.s32 @!p0 $0x88, s6;
	s7 =	simm.s32 @p2 $0x1082  }
0x22: {  	[simem:s7], [sflag:s8] =	dma.local @!p0 [hbm:s6], $0xF7A  }
0x23: {  	s9 =	sor.u32 $0xD0000000, s2;
	s6 =	simm.s32 $0x108;
	_ =	swait.ge @!p0 [sflag:s8], $0x0  }
0x24: {  	s3 =	sadd.s32 $0x88, s3;
	s6 =	simm.s32 @!p1 $0x1082;
	[sflag:s4] =	ssyncset.s32 $0xFFFFF086  }
0x25: {  	[simem:s6], [sflag:s4] =	dma.local [hbm:s3], $0xF7A  }
0x26: {  	[smem:$0x3F84] =	sst s1;
	(tag) =	ssettag s2;
	_ =	strace s9  }
0x27: {  	s1 =	sld [smem:$0x3F94]  }
0x28: {  	s2 =	sld [smem:$0x3F95]  }
0x29: {  	s4 =	sld [smem:$0x3F97]  }
0x2a: {  	p0 =	seq.s32 s5, $0x0;
	s5 =	sld [smem:$0x3F98]  }
0x2b: {  	s6 =	sld [smem:$0x3F99]  }
0x2c: {  	s7 =	sld [smem:$0x3F9A]  }
0x2d: {  	s3 =	simm.s32 $0x108;
	s8 =	sld [smem:$0x3F9B]  }
0x2e: {  	s3 =	simm.s32 @!p0 $0x1082;
	s9 =	sld [smem:$0x3F9C]  }
0x2f: {  	lr =	sadd.s32 s0, s3;
	s0 =	sld [smem:$0x3F93]  }
0x30: {  	s3 =	sld [smem:$0x3F96]  }
0x31: {  	[smem:$0x3F9F] =	sst s10  }
0x32: {  	s10 =	sld [smem:$0x3F9D];
	_ =	sdelay $0x3  }
0x33: {  	p0 =	seq.s32 s10, $0x1;
	s10 =	sld [smem:$0x3F9F];
	_ =	sdelay $0x3  }
0x34: {  	[smem:$0x3F9F] =	sst s10  }
0x35: {  	s10 =	sld [smem:$0x3F9E];
	_ =	sdelay $0x3  }
0x36: {  	p1 =	seq.s32 s10, $0x1;
	s10 =	sld [smem:$0x3F9F];
	_ =	sdelay $0x3  }
0x37: {  	[smem:$0x3F9F] =	sst s10  }
0x38: {  	s10 =	sld [smem:$0x3FA0]  }
0x39: {  	_ = 	snop;
	(pc) =	sbr.ind lr, $3  }
0x3a: {  	_ = 	snop  }
0x3b: {  	_ = 	snop  }
0x3c: {  	p2 =	seq.s32 s10, $0x1;
	s10 =	sld [smem:$0x3F9F]  }
0x3d: {  	_ =	shalt  }
0x3e: {  	_ =	shalt  }
0x3f: {  	_ =	shalt  }
0x40: {  	_ =	shalt  }
0x41: {  	_ =	shalt  }
0x42: {  	_ =	shalt  }
0x43: {  	_ =	shalt  }
0x44: {  	_ =	shalt  }
0x45: {  	_ =	shalt  }
0x46: {  	_ =	shalt  }
0x47: {  	_ =	shalt  }
0x48: {  	_ =	shalt  }
0x49: {  	_ =	shalt  }
0x4a: {  	_ =	shalt  }
0x4b: {  	_ =	shalt  }
0x4c: {  	_ =	shalt  }
0x4d: {  	_ =	shalt  }
0x4e: {  	_ =	shalt  }
0x4f: {  	_ =	shalt  }
0x50: {  	_ =	shalt  }
0x51: {  	_ =	shalt  }
0x52: {  	_ =	shalt  }
0x53: {  	_ =	shalt  }
0x54: {  	_ =	shalt  }
0x55: {  	_ =	shalt  }
0x56: {  	_ =	shalt  }
0x57: {  	_ =	shalt  }
0x58: {  	_ =	shalt  }
0x59: {  	_ =	shalt  }
0x5a: {  	_ =	shalt  }
0x5b: {  	_ =	shalt  }
0x5c: {  	_ =	shalt  }
0x5d: {  	_ =	shalt  }
0x5e: {  	_ =	shalt  }
0x5f: {  	_ =	shalt  }
0x60: {  	_ =	shalt  }
0x61: {  	_ =	shalt  }
0x62: {  	_ =	shalt  }
0x63: {  	_ =	shalt  }
0x64: {  	_ =	shalt  }
0x65: {  	_ =	shalt  }
0x66: {  	_ =	shalt  }
0x67: {  	_ =	shalt  }
0x68: {  	_ =	shalt  }
0x69: {  	_ =	shalt  }
0x6a: {  	_ =	shalt  }
0x6b: {  	_ =	shalt  }
0x6c: {  	_ =	shalt  }
0x6d: {  	_ =	shalt  }
0x6e: {  	_ =	shalt  }
0x6f: {  	_ =	shalt  }
0x70: {  	_ =	shalt  }
0x71: {  	_ =	shalt  }
0x72: {  	_ =	shalt  }
0x73: {  	_ =	shalt  }
0x74: {  	_ =	shalt  }
0x75: {  	_ =	shalt  }
0x76: {  	_ =	shalt  }
0x77: {  	_ =	shalt  }
0x78: {  	_ =	shalt  }
0x79: {  	_ =	shalt  }
0x7a: {  	_ =	shalt  }
0x7b: {  	_ =	shalt  }
0x7c: {  	_ =	shalt  }
0x7d: {  	_ =	shalt  }
0x7e: {  	_ =	shalt  }
0x7f: {  	_ =	shalt  }
0x80: {  	_ =	shalt  }
0x81: {  	_ =	shalt  }
0x82: {  	_ =	shalt  }
0x83: {  	_ =	shalt  }
0x84: {  	_ =	shalt  }
0x85: {  	_ =	shalt  }
0x86: {  	_ =	shalt  }
0x87: {  	_ =	shalt  }
.Lfunc_end0:
.L_simem_size_0:
called_computation_lowered:
.L_overlay_start_0:
0x88: {  	s2 =	sld [smem:$0x3FD9]  }
0x89: {  	s3 =	sld [smem:$0x3FFE];
	_ =	sdelay $0x1  }
0x8a: {  	s1 =	srdreg.scid  }
0x8b: {  	s0 =	sand.u32 $0x1, s1  }
0x8c: {  	s14 =	sshll.u32 s0, $0xA;
	s2 =	sadd.s32 s3, s2  }
0x8d: {  	s2 =	sadd.s32 s2, s14  }
0x8e: {  	[smem:$0x3FAB] =	sst s2  }
0x8f: {  	_ = 	snop  }
0x90: {  	s2 =	sld [smem:$0x3FD0];
	_ =	sdelay $0x2  }
0x91: {  	s15 =	simm.s32 $0xA;
	s4 =	simm.s32 $0x10  }
0x92: {  	[smem:s4], [sflag:s15] =	dma.local [hbm:s2], $0x1  }
0x93: {  	_ =	swait.eq [sflag:s15], $0x1  }
0x94: {  	[sflag:s15] =	ssyncset.done $0x0  }
0x95: {  	[sflag:s15] =	ssyncadd.s32 $0xFFFFFFFF  }
0x96: {  	s16 =	sld [smem:$0x10];
	(tm) =	ssettm $0x1  }
0x97: {  	s17 =	sld [smem:$0x3FFB];
	_ =	sdelay $0x3  }
0x98: {  	_ =	strace s17  }
0x99: {  	s3 =	sld [smem:$0x3FFC];
	_ =	sdelay $0x3  }
0x9a: {  	_ =	strace s3  }
0x9b: {  	s3 =	sld [smem:$0x3FFD];
	_ =	sdelay $0x3  }
0x9c: {  	_ =	strace s3  }
0x9d: {  	_ =	strace $0x8FFFFFFF  }
0x9e: {  	s18 =	sld [smem:$0x3FDB];
	_ =	sdelay $0x1  }
0x9f: {  	s19 =	simm.s32 $_scs_section_size  }
0xa0: {  	s5 =	simm.s32 $_size__tile_overlayer_lowered;
	s6 =	simm.s32 $_tile_overlayer_lowered  }
0xa1: {  	s22 =	simm.s32 $0x1BFF;
	s21 =	sshll.u32 s6, $0x1;
	s3 =	sadd.s32 s19, s18  }
0xa2: {  	s7 =	simm.s32 $0x0;
	s20 =	sshll.u32 s5, $0x1;
	s5 =	sadd.s32 s21, s3  }
0xa3: {  	[timem:s7], [sflag:s22] =	dma.local [hbm:s5], s20  }
0xa4: {  	_ =	swait.ge [sflag:s22], s20  }
0xa5: {  	s4 =	ssub.s32 $0x0, s20;
	[sflag:s22] =	ssyncset.done $0x0  }
0xa6: {  	[sflag:s22] =	ssyncadd.s32 s4;
	_ =	sdelay $0x1  }
0xa7: {  	s23 =	simm.s32 $0x1B8B  }
0xa8: {  	_ =	swait.ge [sflag:s23], $0x1  }
0xa9: {  	[sflag:s23] =	ssyncset.done $0x0  }
0xaa: {  	s25 =	simm.s32 $0x1B8E;
	s24 =	sld [smem:$0x3FFE];
	[sflag:s23] =	ssyncadd.s32 $0xFFFFFFFF  }
0xab: {  	s26 =	simm.s32 $execute0_lowered;
	[smem:$0x3FD2] =	sst s25  }
0xac: {  	s5 =	sshll.u32 s26, $0x1;
	_ =	strace $0x80000046;
	[dreg:$0x1] =	wrdreg $0xFFFFFFFF  }
0xad: {  	s28 =	simm.s32 $_size_execute0_lowered;
	s3 =	sadd.s32 s3, s5;
	[dreg:$0x0] =	wrdreg $0x0  }
0xae: {  	s5 =	sshll.u32 s28, $0x1;
	[dreg:$0x2] =	wrdreg s3  }
0xaf: {  	[dreg:$0x3] =	wrdreg s5  }
0xb0: {  	[dreg:$0x4] =	wrdreg $0xC0  }
0xb1: {  	_ =	task [dreg:s7], $0x5FFFF  }
0xb2: {  	[dreg:$0x1] =	wrdreg $0xFFFFFFFF  }
0xb3: {  	[dreg:$0x0] =	wrdreg $0x60  }
0xb4: {  	[dreg:$0x2] =	wrdreg s24  }
0xb5: {  	[dreg:$0x3] =	wrdreg s16  }
0xb6: {  	[dreg:$0x4] =	wrdreg $0x9  }
0xb7: {  	_ =	task.clear_ibuf [dreg:s7], $0x5FFFF;
	_ =	strace $0x90000046  }
0xb8: {  	s29 =	simm.s32 $0x9;
	_ =	strace $0x80000048  }
0xb9: {  	_ =	swait.ge [sflag:s29], $0x1  }
0xba: {  	[sflag:s29] =	ssyncadd.s32 $0xFFFFFFFF  }
0xbb: {  	_ =	strace $0x90000048  }
0xbc: {  	_ =	sfence  }
0xbd: {  	s30 =	sld [smem:$0x0];
	_ =	sdelay $0x2  }
0xbe: {  	s31 =	sshll.u32 s1, $0xD;
	s1 =	sshrl.u32 s1, $0x2  }
0xbf: {  	s3 =	sand.u32 $0x4000, s31;
	s1 =	sadd.s32 s1, s30  }
0xc0: {  	s0 =	sor.u32 s3, s0;
	s1 =	sshll.u32 s1, $0x11  }
0xc1: {  	s0 =	sor.u32 s1, s0  }
0xc2: {  	s0 =	sadd.s32 $0x8F2B, s0  }
0xc3: {  	[sflag:s0] =	ssyncadd.remote.s32 $0x1  }
0xc4: {  	_ =	sfence.sel $0xFFFF  }
0xc5: {  	[dreg:$0x0] =	wrdreg $0xFFFFFFFF;
	(pc) =	sbr.abs _section_cstart, $3  }
0xc6: {  	[dreg:$0x1] =	wrdreg $0xFFFFFFFF  }
0xc7: {  	_ =	task.clear_ibuf [dreg:s7], $0x2FFFF;
	_ =	strace $0x9FFFFFFF  }
0xc8: {  	(tm) =	ssettm $0x7FFFFFFF  }
0xc9: {  	_ =	shalt  }
tec
execute0_lowered:
.L_overlay_start_1:
0x0: {  	(tag) =	ssettag $0x1  }
0x1: {  	s0 =	rddreg [dreg:$0x0]  }
0x2: {  	s1 =	rddreg [dreg:$0x1]  }
0x3: {  	s2 =	simm.s32 $0x0;
	s3 =	srdreg.scid;
	s5 =	stileid.u32  }
0x4: {  	s16 =	simm.s32 $0x3;
	s23 =	simm.s32 $0x1;
	s24 =	simm.s32 $0x1C100  }
0x5: {  	[smem:$0x7FF] =	sst s2;
	s4 =	sand.u32 $0x1, s3;
	s25 =	sshll.u32 s5, $0x1  }
0x6: {  	s3 =	sadd.s32 $0xD4C00, s0;
	s9 =	sadd.s32 $0xD4E00, s0;
	_ =	strace $0x80000047  }
0x7: {  	s6 =	sor.u32 s4, s25;
	s7 =	ssub.s32 $0x2, s4;
	s4 =	sadd.s32 $0x14C00, s0  }
0x8: {  	s25 =	simm.s32 $0x2;
	s26 =	sshll.u32 s6, $0xB;
	s5 =	sshll.u32 s6, $0x7  }
0x9: {  	s28 =	sshrl.u32 s7, $0x1;
	s8 =	sadd.s32 s26, s0;
	s1 =	sadd.s32 s1, s5  }
.Ltmp0:
0xa: {  	v2 =	vlaneseq.u32;
	vm0 =	vmmov $0xffff;
	s8 =	sadd.s32 $0x4C00, s8;
	[dreg:$0x4] =	wrdreg s1;
	(pc) =	sbr.rel .LBB2_1-.Ltmp0, $4  }
0xb: {  	v3 =	vimm.s32 $0x0;
	v4 =	vimm.s32 $0x1;
	v5 =	vimm.s32 $0x2;
	s12 =	sshll.u32 s6, $0x4;
	s29 =	sadd.s32 $0x8, s1;
	[dreg:$0x3] =	wrdreg s8  }
0xc: {  	v6 =	vimm.s32 $0x3;
	v7 =	vimm.s32 $0x4;
	v8 =	vimm.s32 $0x5;
	s7 =	ssub.s32 s7, s28;
	s30 =	sadd.s32 $0x10, s1;
	[dreg:$0x5] =	wrdreg s29  }
0xd: {  	v9 =	vimm.s32 $0x6;
	v10 =	vimm.s32 $0x7;
	v1 =	vshrl.u32 v2, $0x3;
	s13 =	sadd.s32 $0x18, s1;
	s31 =	smax.u32 s7, $0x1;
	[dreg:$0x6] =	wrdreg s30  }
0xe: {  	v0 =	vand.u32 $0x7, v2;
	v2 =	vor.u32 $0x8, v2;
	v1 =	vmul.u32 $0x8, v1;
	s1 =	simm.s32 $0x0;
	s8 =	sadd.s32 $0xD4D00, s0;
	[dreg:$0x7] =	wrdreg s31  }
.LBB2_14:
0xf: {  	s1 =	rddreg [dreg:$0x8]  }
0x10: {  	s0 =	rddreg [dreg:$0x7];
	s1 =	sadd.s32 $0x1, s1  }
0x11: {  	p0 =	sne.s32 s1, s0  }
.Ltmp1:
0x12: {  	_ = 	snop;
	(pc) =	sbr.rel @!p0 .LBB2_15-.Ltmp1, $1  }
0x13: {  	_ =	sdelay $0x3  }
.LBB2_1:
0x14: {  	[dreg:$0x8] =	wrdreg s1  }
0x15: {  	s0 =	rddreg [dreg:$0x3];
	s7 =	simm.s32 $0x18100  }
0x16: {  	[tilespmem:s7], [sflag:$0x3] =	stream.linear.gather [hbm4b:s0+s2], $0x4000, $0x38;
	[tilespmem:$0x1D900] =	vst v63  }
0x17: {  	_ =	swait.ge [sflag:s16], $0x4000  }
0x18: {  	[sflag:s16] =	ssyncset.done $0x0  }
0x19: {  	s10 =	rddreg [dreg:$0x4];
	[sflag:s16] =	ssyncadd.s32 $0xFFFFC000  }
0x1a: {  	[tilespmem:s2], [sflag:$0x3] =	stream.linear.gather [hbm4b:s10+s2], $0x40, $0x38;
	[tilespmem:$0x1D900] =	vst v63  }
0x1b: {  	_ =	swait.ge [sflag:s16], $0x40  }
0x1c: {  	[sflag:s16] =	ssyncset.done $0x0  }
0x1d: {  	[sflag:s16] =	ssyncadd.s32 $0xFFFFFFC0  }
0x1e: {  	v11 =	vld [tilespmem:$0x0];
	_ =	sdelay $0x4  }
0x1f: {  	v12 =	vshrl.u32 v11, $0x3  }
0x20: {  	v12 =	vmul.u32 $0x30, v12  }
0x21: {  	v11 =	vand.u32 $0x7, v11  }
0x22: {  	v11 =	vor.u32 v11, v12  }
0x23: {  	v12 =	vperm.xlane v11, v0;
	_ =	sdelay $0x1  }
0x24: {  	v12 =	vadd.s32 v1, v12;
	_ =	sdelay $0x3  }
0x25: {  	s11 =	simm.s32 $0x100;
	v11 =	vperm.xlane v11, v2  }
0x26: {  	[tilespmem:s11], [sflag:$0x1] =	stream.indirect_vreg.gather [hbm4b:s3+s2], $0x80, v12, vm0, $0xb8;
	[tilespmem:$0x1D900] =	vst v63  }
0x27: {  	s14 =	simm.s32 $0x900;
	v11 =	vadd.s32 v1, v11  }
0x28: {  	[tilespmem:s14], [sflag:$0x1] =	stream.indirect_vreg.gather [hbm4b:s8+s2], $0x80, v12, vm0, $0xb8;
	[tilespmem:$0x1D900] =	vst v63  }
0x29: {  	s15 =	simm.s32 $0x1100  }
0x2a: {  	[tilespmem:s15], [sflag:$0x1] =	stream.indirect_vreg.gather [hbm4b:s9+s2], $0x80, v12, vm0, $0xb8;
	[tilespmem:$0x1D900] =	vst v63  }
0x2b: {  	s17 =	simm.s32 $0x1900  }
0x2c: {  	[tilespmem:s17], [sflag:$0x1] =	stream.indirect_vreg.gather [hbm4b:s3+s2], $0x80, v11, vm0, $0xb8;
	[tilespmem:$0x1D900] =	vst v63  }
0x2d: {  	s18 =	simm.s32 $0x2100  }
0x2e: {  	[tilespmem:s18], [sflag:$0x1] =	stream.indirect_vreg.gather [hbm4b:s8+s2], $0x80, v11, vm0, $0xb8;
	[tilespmem:$0x1D900] =	vst v63  }
0x2f: {  	s19 =	simm.s32 $0x2900  }
0x30: {  	[tilespmem:s19], [sflag:$0x1] =	stream.indirect_vreg.gather [hbm4b:s9+s2], $0x80, v11, vm0, $0xb8;
	[tilespmem:$0x1D900] =	vst v63  }
0x31: {  	v11 =	vld [tilespmem:$0x10];
	_ =	sdelay $0x4  }
0x32: {  	v57 =	vshrl.u32 v11, $0x3  }
0x33: {  	v12 =	vmul.u32 $0x30, v57  }
0x34: {  	v11 =	vand.u32 $0x7, v11  }
0x35: {  	v11 =	vor.u32 v11, v12  }
0x36: {  	v12 =	vperm.xlane v11, v0;
	_ =	sdelay $0x1  }
0x37: {  	v12 =	vadd.s32 v1, v12;
	_ =	sdelay $0x3  }
0x38: {  	s20 =	simm.s32 $0x3100;
	v11 =	vperm.xlane v11, v2  }
0x39: {  	[tilespmem:s20], [sflag:$0x1] =	stream.indirect_vreg.gather [hbm4b:s3+s2], $0x80, v12, vm0, $0xb8;
	[tilespmem:$0x1D900] =	vst v63  }
0x3a: {  	s21 =	simm.s32 $0x3900;
	v11 =	vadd.s32 v1, v11  }
0x3b: {  	[tilespmem:s21], [sflag:$0x1] =	stream.indirect_vreg.gather [hbm4b:s8+s2], $0x80, v12, vm0, $0xb8;
	[tilespmem:$0x1D900] =	vst v63  }
0x3c: {  	s22 =	simm.s32 $0x4100  }
0x3d: {  	[tilespmem:s22], [sflag:$0x1] =	stream.indirect_vreg.gather [hbm4b:s9+s2], $0x80, v12, vm0, $0xb8;
	[tilespmem:$0x1D900] =	vst v63  }
0x3e: {  	s26 =	simm.s32 $0x4900  }
0x3f: {  	[tilespmem:s26], [sflag:$0x1] =	stream.indirect_vreg.gather [hbm4b:s3+s2], $0x80, v11, vm0, $0xb8;
	[tilespmem:$0x1D900] =	vst v63  }
0x40: {  	s28 =	simm.s32 $0x5100  }
0x41: {  	[tilespmem:s28], [sflag:$0x1] =	stream.indirect_vreg.gather [hbm4b:s8+s2], $0x80, v11, vm0, $0xb8;
	[tilespmem:$0x1D900] =	vst v63  }
0x42: {  	s29 =	simm.s32 $0x5900  }
0x43: {  	[tilespmem:s29], [sflag:$0x1] =	stream.indirect_vreg.gather [hbm4b:s9+s2], $0x80, v11, vm0, $0xb8;
	[tilespmem:$0x1D900] =	vst v63  }
0x44: {  	v11 =	vld [tilespmem:$0x20];
	_ =	sdelay $0x4  }
0x45: {  	v58 =	vshrl.u32 v11, $0x3  }
0x46: {  	v12 =	vmul.u32 $0x30, v58  }
0x47: {  	v11 =	vand.u32 $0x7, v11  }
0x48: {  	v11 =	vor.u32 v11, v12  }
0x49: {  	v12 =	vperm.xlane v11, v0;
	_ =	sdelay $0x1  }
0x4a: {  	v12 =	vadd.s32 v1, v12;
	_ =	sdelay $0x3  }
0x4b: {  	s30 =	simm.s32 $0x6100;
	v11 =	vperm.xlane v11, v2  }
0x4c: {  	[tilespmem:s30], [sflag:$0x1] =	stream.indirect_vreg.gather [hbm4b:s3+s2], $0x80, v12, vm0, $0xb8;
	[tilespmem:$0x1D900] =	vst v63  }
0x4d: {  	s31 =	simm.s32 $0x6900;
	v11 =	vadd.s32 v1, v11  }
0x4e: {  	[tilespmem:s31], [sflag:$0x1] =	stream.indirect_vreg.gather [hbm4b:s8+s2], $0x80, v12, vm0, $0xb8;
	[tilespmem:$0x1D900] =	vst v63  }
0x4f: {  	s1 =	simm.s32 $0x7100  }
0x50: {  	[tilespmem:s1], [sflag:$0x1] =	stream.indirect_vreg.gather [hbm4b:s9+s2], $0x80, v12, vm0, $0xb8;
	[tilespmem:$0x1D900] =	vst v63  }
0x51: {  	s6 =	simm.s32 $0x7900  }
0x52: {  	[tilespmem:s6], [sflag:$0x1] =	stream.indirect_vreg.gather [hbm4b:s3+s2], $0x80, v11, vm0, $0xb8;
	[tilespmem:$0x1D900] =	vst v63  }
0x53: {  	s7 =	simm.s32 $0x8100  }
0x54: {  	[tilespmem:s7], [sflag:$0x1] =	stream.indirect_vreg.gather [hbm4b:s8+s2], $0x80, v11, vm0, $0xb8;
	[tilespmem:$0x1D900] =	vst v63  }
0x55: {  	s10 =	simm.s32 $0x8900  }
0x56: {  	[tilespmem:s10], [sflag:$0x1] =	stream.indirect_vreg.gather [hbm4b:s9+s2], $0x80, v11, vm0, $0xb8;
	[tilespmem:$0x1D900] =	vst v63  }
0x57: {  	v11 =	vld [tilespmem:$0x30];
	_ =	sdelay $0x4  }
0x58: {  	v59 =	vshrl.u32 v11, $0x3  }
0x59: {  	v12 =	vmul.u32 $0x30, v59  }
0x5a: {  	v11 =	vand.u32 $0x7, v11  }
0x5b: {  	v11 =	vor.u32 v11, v12  }
0x5c: {  	v12 =	vperm.xlane v11, v0;
	_ =	sdelay $0x1  }
0x5d: {  	v12 =	vadd.s32 v1, v12;
	_ =	sdelay $0x3  }
0x5e: {  	s11 =	simm.s32 $0x9100;
	v11 =	vperm.xlane v11, v2  }
0x5f: {  	[tilespmem:s11], [sflag:$0x1] =	stream.indirect_vreg.gather [hbm4b:s3+s2], $0x80, v12, vm0, $0xb8;
	[tilespmem:$0x1D900] =	vst v63  }
0x60: {  	s14 =	simm.s32 $0x9900;
	v11 =	vadd.s32 v1, v11  }
0x61: {  	[tilespmem:s14], [sflag:$0x1] =	stream.indirect_vreg.gather [hbm4b:s8+s2], $0x80, v12, vm0, $0xb8;
	[tilespmem:$0x1D900] =	vst v63  }
0x62: {  	s15 =	simm.s32 $0xA100  }
0x63: {  	[tilespmem:s15], [sflag:$0x1] =	stream.indirect_vreg.gather [hbm4b:s9+s2], $0x80, v12, vm0, $0xb8;
	[tilespmem:$0x1D900] =	vst v63  }
0x64: {  	s17 =	simm.s32 $0xA900  }
0x65: {  	[tilespmem:s17], [sflag:$0x1] =	stream.indirect_vreg.gather [hbm4b:s3+s2], $0x80, v11, vm0, $0xb8;
	[tilespmem:$0x1D900] =	vst v63  }
0x66: {  	s18 =	simm.s32 $0xB100  }
0x67: {  	[tilespmem:s18], [sflag:$0x1] =	stream.indirect_vreg.gather [hbm4b:s8+s2], $0x80, v11, vm0, $0xb8;
	[tilespmem:$0x1D900] =	vst v63  }
0x68: {  	s19 =	simm.s32 $0xB900  }
0x69: {  	[tilespmem:s19], [sflag:$0x1] =	stream.indirect_vreg.gather [hbm4b:s9+s2], $0x80, v11, vm0, $0xb8;
	[tilespmem:$0x1D900] =	vst v63  }
0x6a: {  	s20 =	rddreg [dreg:$0x5];
	s21 =	simm.s32 $0x80  }
0x6b: {  	[tilespmem:s21], [sflag:$0x3] =	stream.linear.gather [hbm4b:s20+s2], $0x40, $0x38;
	[tilespmem:$0x1D900] =	vst v63  }
0x6c: {  	_ =	swait.ge [sflag:s16], $0x40  }
0x6d: {  	[sflag:s16] =	ssyncset.done $0x0  }
0x6e: {  	[sflag:s16] =	ssyncadd.s32 $0xFFFFFFC0  }
0x6f: {  	v11 =	vld [tilespmem:$0x80];
	_ =	sdelay $0x4  }
0x70: {  	v60 =	vshrl.u32 v11, $0x3  }
0x71: {  	v12 =	vmul.u32 $0x30, v60  }
0x72: {  	v11 =	vand.u32 $0x7, v11  }
0x73: {  	v11 =	vor.u32 v11, v12  }
0x74: {  	v12 =	vperm.xlane v11, v0;
	_ =	sdelay $0x1  }
0x75: {  	v12 =	vadd.s32 v1, v12;
	_ =	sdelay $0x3  }
0x76: {  	s22 =	simm.s32 $0xC100;
	v11 =	vperm.xlane v11, v2  }
0x77: {  	[tilespmem:s22], [sflag:$0x2] =	stream.indirect_vreg.gather [hbm4b:s3+s2], $0x80, v12, vm0, $0xb8;
	[tilespmem:$0x1D900] =	vst v63  }
0x78: {  	s26 =	simm.s32 $0xC900;
	v11 =	vadd.s32 v1, v11  }
0x79: {  	[tilespmem:s26], [sflag:$0x2] =	stream.indirect_vreg.gather [hbm4b:s8+s2], $0x80, v12, vm0, $0xb8;
	[tilespmem:$0x1D900] =	vst v63  }
0x7a: {  	s28 =	simm.s32 $0xD100  }
0x7b: {  	[tilespmem:s28], [sflag:$0x2] =	stream.indirect_vreg.gather [hbm4b:s9+s2], $0x80, v12, vm0, $0xb8;
	[tilespmem:$0x1D900] =	vst v63  }
0x7c: {  	s29 =	simm.s32 $0xD900  }
0x7d: {  	[tilespmem:s29], [sflag:$0x2] =	stream.indirect_vreg.gather [hbm4b:s3+s2], $0x80, v11, vm0, $0xb8;
	[tilespmem:$0x1D900] =	vst v63  }
0x7e: {  	s30 =	simm.s32 $0xE100  }
0x7f: {  	[tilespmem:s30], [sflag:$0x2] =	stream.indirect_vreg.gather [hbm4b:s8+s2], $0x80, v11, vm0, $0xb8;
	[tilespmem:$0x1D900] =	vst v63  }
0x80: {  	s31 =	simm.s32 $0xE900  }
0x81: {  	[tilespmem:s31], [sflag:$0x2] =	stream.indirect_vreg.gather [hbm4b:s9+s2], $0x80, v11, vm0, $0xb8;
	[tilespmem:$0x1D900] =	vst v63  }
0x82: {  	v11 =	vld [tilespmem:$0x90];
	_ =	sdelay $0x4  }
0x83: {  	v61 =	vshrl.u32 v11, $0x3  }
0x84: {  	v12 =	vmul.u32 $0x30, v61  }
0x85: {  	v11 =	vand.u32 $0x7, v11  }
0x86: {  	v11 =	vor.u32 v11, v12  }
0x87: {  	v12 =	vperm.xlane v11, v0;
	_ =	sdelay $0x1  }
0x88: {  	v12 =	vadd.s32 v1, v12;
	_ =	sdelay $0x3  }
0x89: {  	s1 =	simm.s32 $0xF100;
	v11 =	vperm.xlane v11, v2  }
0x8a: {  	[tilespmem:s1], [sflag:$0x2] =	stream.indirect_vreg.gather [hbm4b:s3+s2], $0x80, v12, vm0, $0xb8;
	[tilespmem:$0x1D900] =	vst v63  }
0x8b: {  	s6 =	simm.s32 $0xF900;
	v11 =	vadd.s32 v1, v11  }
0x8c: {  	[tilespmem:s6], [sflag:$0x2] =	stream.indirect_vreg.gather [hbm4b:s8+s2], $0x80, v12, vm0, $0xb8;
	[tilespmem:$0x1D900] =	vst v63  }
0x8d: {  	s7 =	simm.s32 $0x10100  }
0x8e: {  	[tilespmem:s7], [sflag:$0x2] =	stream.indirect_vreg.gather [hbm4b:s9+s2], $0x80, v12, vm0, $0xb8;
	[tilespmem:$0x1D900] =	vst v63  }
0x8f: {  	s10 =	simm.s32 $0x10900  }
0x90: {  	[tilespmem:s10], [sflag:$0x2] =	stream.indirect_vreg.gather [hbm4b:s3+s2], $0x80, v11, vm0, $0xb8;
	[tilespmem:$0x1D900] =	vst v63  }
0x91: {  	s11 =	simm.s32 $0x11100  }
0x92: {  	[tilespmem:s11], [sflag:$0x2] =	stream.indirect_vreg.gather [hbm4b:s8+s2], $0x80, v11, vm0, $0xb8;
	[tilespmem:$0x1D900] =	vst v63  }
0x93: {  	s14 =	simm.s32 $0x11900  }
0x94: {  	[tilespmem:s14], [sflag:$0x2] =	stream.indirect_vreg.gather [hbm4b:s9+s2], $0x80, v11, vm0, $0xb8;
	[tilespmem:$0x1D900] =	vst v63  }
0x95: {  	v11 =	vld [tilespmem:$0xA0];
	_ =	sdelay $0x4  }
0x96: {  	v62 =	vshrl.u32 v11, $0x3  }
0x97: {  	v12 =	vmul.u32 $0x30, v62  }
0x98: {  	v11 =	vand.u32 $0x7, v11  }
0x99: {  	v11 =	vor.u32 v11, v12  }
0x9a: {  	v12 =	vperm.xlane v11, v0;
	_ =	sdelay $0x1  }
0x9b: {  	v12 =	vadd.s32 v1, v12;
	_ =	sdelay $0x3  }
0x9c: {  	s15 =	simm.s32 $0x12100;
	v11 =	vperm.xlane v11, v2  }
0x9d: {  	[tilespmem:s15], [sflag:$0x2] =	stream.indirect_vreg.gather [hbm4b:s3+s2], $0x80, v12, vm0, $0xb8;
	[tilespmem:$0x1D900] =	vst v63  }
0x9e: {  	s17 =	simm.s32 $0x12900;
	v11 =	vadd.s32 v1, v11  }
0x9f: {  	[tilespmem:s17], [sflag:$0x2] =	stream.indirect_vreg.gather [hbm4b:s8+s2], $0x80, v12, vm0, $0xb8;
	[tilespmem:$0x1D900] =	vst v63  }
0xa0: {  	s18 =	simm.s32 $0x13100  }
0xa1: {  	[tilespmem:s18], [sflag:$0x2] =	stream.indirect_vreg.gather [hbm4b:s9+s2], $0x80, v12, vm0, $0xb8;
	[tilespmem:$0x1D900] =	vst v63  }
0xa2: {  	s19 =	simm.s32 $0x13900  }
0xa3: {  	[tilespmem:s19], [sflag:$0x2] =	stream.indirect_vreg.gather [hbm4b:s3+s2], $0x80, v11, vm0, $0xb8;
	[tilespmem:$0x1D900] =	vst v63  }
0xa4: {  	s20 =	simm.s32 $0x14100  }
0xa5: {  	[tilespmem:s20], [sflag:$0x2] =	stream.indirect_vreg.gather [hbm4b:s8+s2], $0x80, v11, vm0, $0xb8;
	[tilespmem:$0x1D900] =	vst v63  }
0xa6: {  	s21 =	simm.s32 $0x14900  }
0xa7: {  	[tilespmem:s21], [sflag:$0x2] =	stream.indirect_vreg.gather [hbm4b:s9+s2], $0x80, v11, vm0, $0xb8;
	[tilespmem:$0x1D900] =	vst v63  }
0xa8: {  	v11 =	vld [tilespmem:$0xB0];
	_ =	sdelay $0x4  }
0xa9: {  	v63 =	vshrl.u32 v11, $0x3  }
0xaa: {  	v12 =	vmul.u32 $0x30, v63  }
0xab: {  	v11 =	vand.u32 $0x7, v11  }
0xac: {  	v11 =	vor.u32 v11, v12  }
0xad: {  	v12 =	vperm.xlane v11, v0;
	_ =	sdelay $0x1  }
0xae: {  	v12 =	vadd.s32 v1, v12;
	_ =	sdelay $0x3  }
0xaf: {  	s22 =	simm.s32 $0x15100;
	v11 =	vperm.xlane v11, v2  }
0xb0: {  	[tilespmem:s22], [sflag:$0x2] =	stream.indirect_vreg.gather [hbm4b:s3+s2], $0x80, v12, vm0, $0xb8;
	[tilespmem:$0x1D900] =	vst v63  }
0xb1: {  	s26 =	simm.s32 $0x15900;
	v11 =	vadd.s32 v1, v11  }
0xb2: {  	[tilespmem:s26], [sflag:$0x2] =	stream.indirect_vreg.gather [hbm4b:s8+s2], $0x80, v12, vm0, $0xb8;
	[tilespmem:$0x1D900] =	vst v63  }
0xb3: {  	s28 =	simm.s32 $0x16100  }
0xb4: {  	[tilespmem:s28], [sflag:$0x2] =	stream.indirect_vreg.gather [hbm4b:s9+s2], $0x80, v12, vm0, $0xb8;
	[tilespmem:$0x1D900] =	vst v63  }
0xb5: {  	s29 =	simm.s32 $0x16900  }
0xb6: {  	[tilespmem:s29], [sflag:$0x2] =	stream.indirect_vreg.gather [hbm4b:s3+s2], $0x80, v11, vm0, $0xb8;
	[tilespmem:$0x1D900] =	vst v63  }
0xb7: {  	s30 =	simm.s32 $0x17100  }
0xb8: {  	[tilespmem:s30], [sflag:$0x2] =	stream.indirect_vreg.gather [hbm4b:s8+s2], $0x80, v11, vm0, $0xb8;
	[tilespmem:$0x1D900] =	vst v63  }
0xb9: {  	s31 =	simm.s32 $0x17900;
	s26 =	simm.s32 $0x0  }
0xba: {  	[tilespmem:s31], [sflag:$0x2] =	stream.indirect_vreg.gather [hbm4b:s9+s2], $0x80, v11, vm0, $0xb8;
	[tilespmem:$0x1D900] =	vst v63  }
.LBB2_2:
0xbb: {  	s0 =	sshll.u32 s26, $0xB  }
0xbc: {  	_ =	swait.ge [sflag:s23], $0xC000;
	s0 =	sand.u32 $0x3FFFF800, s0  }
0xbd: {  	[sflag:s23] =	ssyncset.done $0x0;
	s0 =	sadd.s32 $0x18100, s0  }
0xbe: {  	s28 =	simm.s32 $0x0;
	s29 =	simm.s32 $0x0;
	[sflag:s23] =	ssyncadd.s32 $0xFFFF4000;
	v11 =	vmov s0  }
.LBB2_3:
0xbf: {  	s0 =	smul.u32 $0x6000, s29;
	_ =	sdelay $0x1  }
0xc0: {  	s0 =	sshra.s32 s0, $0x2  }
0xc1: {  	s1 =	sshll.u32 s29, $0x7;
	s7 =	sand.u32 $0x1C00, s28;
	s30 =	sor.u32 $0x100, s0  }
0xc2: {  	s6 =	sand.u32 $0x40, s28;
	s15 =	sand.u32 $0x3FFFFF80, s1;
	s17 =	sadd.s32 s7, s30  }
0xc3: {  	v19 =	vld.idx.msk [tilespmem:v11+s15+$0x0 ss:$0x1], $0xffff;
	s10 =	sadd.s32 s6, s17  }
0xc4: {  	v15 =	vld [tilespmem:s10+$0x0]  }
0xc5: {  	v16 =	vld [tilespmem:s10+$0x80];
	_ =	sdelay $0x1  }
0xc6: {  	v17 =	vld [tilespmem:s10+$0x100]  }
0xc7: {  	v12 =	vperm.xlane v19, v3;
	v13 =	vperm.xlane v19, v4  }
0xc8: {  	v18 =	vld [tilespmem:s10+$0x180];
	v14 =	vperm.xlane v19, v5  }
0xc9: {  	v20 =	vmul.f32 v15, v12;
	v16 =	vmul.f32 v16, v13  }
0xca: {  	v21 =	vld [tilespmem:s10+$0x200]  }
0xcb: {  	v15 =	vperm.xlane v19, v6;
	v17 =	vmul.f32 v17, v14;
	v20 =	vadd.f32 v16, v20  }
0xcc: {  	v22 =	vld [tilespmem:s10+$0x280]  }
0xcd: {  	v16 =	vperm.xlane v19, v7;
	v18 =	vmul.f32 v18, v15;
	v20 =	vadd.f32 v17, v20  }
0xce: {  	v23 =	vld [tilespmem:s10+$0x300]  }
0xcf: {  	v17 =	vperm.xlane v19, v8;
	v21 =	vmul.f32 v21, v16;
	v20 =	vadd.f32 v18, v20  }
0xd0: {  	v24 =	vld [tilespmem:s10+$0x380]  }
0xd1: {  	v18 =	vperm.xlane v19, v9;
	v20 =	vadd.f32 v21, v20;
	v21 =	vmul.f32 v22, v17;
	_ =	sdelay $0x1  }
0xd2: {  	v19 =	vperm.xlane v19, v10;
	v20 =	vadd.f32 v21, v20;
	v21 =	vmul.f32 v23, v18;
	_ =	sdelay $0x1  }
0xd3: {  	v20 =	vadd.f32 v21, v20;
	v21 =	vmul.f32 v24, v19  }
0xd4: {  	s0 =	sadd.s32 $0x1C100, s15  }
0xd5: {  	s7 =	sadd.s32 s7, s0;
	v20 =	vadd.f32 v21, v20  }
0xd6: {  	s14 =	sor.u32 $0x10, s6;
	s18 =	sadd.s32 s6, s7  }
0xd7: {  	s19 =	sadd.s32 s14, s17;
	[tilespmem:s18+$0x0] =	vst v20  }
0xd8: {  	v20 =	vld [tilespmem:s19+$0x0]  }
0xd9: {  	v21 =	vld [tilespmem:s19+$0x80];
	_ =	sdelay $0x1  }
0xda: {  	v22 =	vld [tilespmem:s19+$0x100];
	_ =	sdelay $0x1  }
0xdb: {  	v23 =	vld [tilespmem:s19+$0x180]  }
0xdc: {  	v20 =	vmul.f32 v20, v12;
	v21 =	vmul.f32 v21, v13  }
0xdd: {  	v59 =	vld [tilespmem:s19+$0x200]  }
0xde: {  	v20 =	vadd.f32 v21, v20;
	v21 =	vmul.f32 v22, v14  }
0xdf: {  	v22 =	vld [tilespmem:s19+$0x280]  }
0xe0: {  	v20 =	vadd.f32 v21, v20;
	v21 =	vmul.f32 v23, v15  }
0xe1: {  	v23 =	vld [tilespmem:s19+$0x300]  }
0xe2: {  	v20 =	vadd.f32 v21, v20;
	v21 =	vmul.f32 v59, v16  }
0xe3: {  	v60 =	vld [tilespmem:s19+$0x380]  }
0xe4: {  	v20 =	vadd.f32 v21, v20;
	v21 =	vmul.f32 v22, v17;
	_ =	sdelay $0x1  }
0xe5: {  	v20 =	vadd.f32 v21, v20;
	v21 =	vmul.f32 v23, v18;
	_ =	sdelay $0x1  }
0xe6: {  	v20 =	vadd.f32 v21, v20;
	v21 =	vmul.f32 v60, v19;
	_ =	sdelay $0x1  }
0xe7: {  	v20 =	vadd.f32 v21, v20  }
0xe8: {  	s21 =	sor.u32 $0x20, s6;
	s20 =	sadd.s32 s14, s7  }
0xe9: {  	s22 =	sadd.s32 s21, s17;
	[tilespmem:s20+$0x0] =	vst v20  }
0xea: {  	v20 =	vld [tilespmem:s22+$0x0]  }
0xeb: {  	v21 =	vld [tilespmem:s22+$0x80];
	_ =	sdelay $0x1  }
0xec: {  	v22 =	vld [tilespmem:s22+$0x100];
	_ =	sdelay $0x1  }
0xed: {  	v23 =	vld [tilespmem:s22+$0x180]  }
0xee: {  	v20 =	vmul.f32 v20, v12;
	v21 =	vmul.f32 v21, v13  }
0xef: {  	v61 =	vld [tilespmem:s22+$0x200]  }
0xf0: {  	v20 =	vadd.f32 v21, v20;
	v21 =	vmul.f32 v22, v14  }
0xf1: {  	v22 =	vld [tilespmem:s22+$0x280]  }
0xf2: {  	v20 =	vadd.f32 v21, v20;
	v21 =	vmul.f32 v23, v15  }
0xf3: {  	v23 =	vld [tilespmem:s22+$0x300]  }
0xf4: {  	v20 =	vadd.f32 v21, v20;
	v21 =	vmul.f32 v61, v16  }
0xf5: {  	v62 =	vld [tilespmem:s22+$0x380]  }
0xf6: {  	v20 =	vadd.f32 v21, v20;
	v21 =	vmul.f32 v22, v17;
	_ =	sdelay $0x1  }
0xf7: {  	v20 =	vadd.f32 v21, v20;
	v21 =	vmul.f32 v23, v18;
	_ =	sdelay $0x1  }
0xf8: {  	v20 =	vadd.f32 v21, v20;
	v21 =	vmul.f32 v62, v19;
	_ =	sdelay $0x1  }
0xf9: {  	v20 =	vadd.f32 v21, v20  }
0xfa: {  	s6 =	sor.u32 $0x30, s6;
	s31 =	sadd.s32 s21, s7  }
0xfb: {  	s1 =	sadd.s32 s6, s17;
	[tilespmem:s31+$0x0] =	vst v20  }
0xfc: {  	v20 =	vld [tilespmem:s1+$0x0]  }
0xfd: {  	v21 =	vld [tilespmem:s1+$0x80];
	_ =	sdelay $0x1  }
0xfe: {  	v22 =	vld [tilespmem:s1+$0x100];
	_ =	sdelay $0x1  }
0xff: {  	v23 =	vld [tilespmem:s1+$0x180]  }
0x100: {  	v20 =	vmul.f32 v20, v12;
	v21 =	vmul.f32 v21, v13  }
0x101: {  	v63 =	vld [tilespmem:s1+$0x200]  }
0x102: {  	v22 =	vmul.f32 v22, v14;
	v20 =	vadd.f32 v21, v20  }
0x103: {  	v21 =	vld [tilespmem:s1+$0x280]  }
0x104: {  	v25 =	vld [tilespmem:s1+$0x300];
	v23 =	vmul.f32 v23, v15;
	v20 =	vadd.f32 v22, v20  }
0x105: {  	v22 =	vld [tilespmem:s1+$0x380]  }
0x106: {  	v24 =	vmul.f32 v63, v16;
	v20 =	vadd.f32 v23, v20;
	_ =	sdelay $0x1  }
0x107: {  	v23 =	vmul.f32 v21, v17;
	v24 =	vadd.f32 v24, v20;
	_ =	sdelay $0x1  }
0x108: {  	s15 =	simm.s32 $0x40;
	s1 =	sadd.s32 s6, s7;
	s6 =	simm.s32 $0x0;
	v21 =	vmul.f32 v25, v18;
	v20 =	vmul.f32 v22, v19;
	v22 =	vadd.f32 v23, v24  }
.LBB2_4:
0x109: {  	p0 =	sne.s32 s15, $0x2C0  }
0x10a: {  	s6 =	sadd.s32 $0x200, s6;
	s7 =	smov.u32 s15;
	s15 =	sadd.s32 $0x40, s15  }
0x10b: {  	v21 =	vadd.f32 v21, v22  }
0x10c: {  	s14 =	sand.u32 $0x1C00, s6  }
0x10d: {  	s7 =	sand.u32 $0x40, s7;
	s10 =	sadd.s32 s14, s30;
	s18 =	sadd.s32 s14, s0;
	v20 =	vadd.f32 v20, v21  }
0x10e: {  	s20 =	sor.u32 $0x10, s7;
	s19 =	sadd.s32 s7, s10;
	s11 =	sadd.s32 s7, s18  }
0x10f: {  	s31 =	sor.u32 $0x20, s7;
	s14 =	sor.u32 $0x30, s7;
	s17 =	sadd.s32 s20, s18;
	[tilespmem:s1+$0x0] =	vst v20  }
0x110: {  	s7 =	sadd.s32 s31, s18;
	s1 =	sadd.s32 s14, s18;
	v20 =	vld [tilespmem:s19+$0x0]  }
0x111: {  	v21 =	vld [tilespmem:s19+$0x80];
	_ =	sdelay $0x1  }
0x112: {  	v22 =	vld [tilespmem:s19+$0x100];
	_ =	sdelay $0x1  }
0x113: {  	v23 =	vld [tilespmem:s19+$0x180]  }
0x114: {  	v20 =	vmul.f32 v20, v12;
	v21 =	vmul.f32 v21, v13  }
0x115: {  	v24 =	vld [tilespmem:s19+$0x200]  }
0x116: {  	v20 =	vadd.f32 v21, v20;
	v21 =	vmul.f32 v22, v14  }
0x117: {  	v22 =	vld [tilespmem:s19+$0x280]  }
0x118: {  	v20 =	vadd.f32 v21, v20;
	v21 =	vmul.f32 v23, v15  }
0x119: {  	v23 =	vld [tilespmem:s19+$0x300]  }
0x11a: {  	v20 =	vadd.f32 v21, v20;
	v21 =	vmul.f32 v24, v16  }
0x11b: {  	v24 =	vld [tilespmem:s19+$0x380]  }
0x11c: {  	v20 =	vadd.f32 v21, v20;
	v21 =	vmul.f32 v22, v17;
	_ =	sdelay $0x1  }
0x11d: {  	v20 =	vadd.f32 v21, v20;
	v21 =	vmul.f32 v23, v18;
	_ =	sdelay $0x1  }
0x11e: {  	v20 =	vadd.f32 v21, v20;
	v21 =	vmul.f32 v24, v19;
	_ =	sdelay $0x1  }
0x11f: {  	v20 =	vadd.f32 v21, v20;
	_ =	sdelay $0x1  }
0x120: {  	[tilespmem:s11+$0x0] =	vst v20;
	s11 =	sadd.s32 s20, s10  }
0x121: {  	v20 =	vld [tilespmem:s11+$0x0]  }
0x122: {  	v21 =	vld [tilespmem:s11+$0x80];
	_ =	sdelay $0x1  }
0x123: {  	v22 =	vld [tilespmem:s11+$0x100];
	_ =	sdelay $0x1  }
0x124: {  	v23 =	vld [tilespmem:s11+$0x180]  }
0x125: {  	v20 =	vmul.f32 v20, v12;
	v21 =	vmul.f32 v21, v13  }
0x126: {  	v24 =	vld [tilespmem:s11+$0x200]  }
0x127: {  	v20 =	vadd.f32 v21, v20;
	v21 =	vmul.f32 v22, v14  }
0x128: {  	v22 =	vld [tilespmem:s11+$0x280]  }
0x129: {  	v20 =	vadd.f32 v21, v20;
	v21 =	vmul.f32 v23, v15  }
0x12a: {  	v23 =	vld [tilespmem:s11+$0x300]  }
0x12b: {  	v20 =	vadd.f32 v21, v20;
	v21 =	vmul.f32 v24, v16  }
0x12c: {  	v24 =	vld [tilespmem:s11+$0x380]  }
0x12d: {  	v20 =	vadd.f32 v21, v20;
	v21 =	vmul.f32 v22, v17;
	_ =	sdelay $0x1  }
0x12e: {  	v20 =	vadd.f32 v21, v20;
	v21 =	vmul.f32 v23, v18;
	_ =	sdelay $0x1  }
0x12f: {  	v20 =	vadd.f32 v21, v20;
	v21 =	vmul.f32 v24, v19;
	_ =	sdelay $0x1  }
0x130: {  	v20 =	vadd.f32 v21, v20;
	_ =	sdelay $0x1  }
0x131: {  	s11 =	sadd.s32 s31, s10;
	[tilespmem:s17+$0x0] =	vst v20  }
0x132: {  	v20 =	vld [tilespmem:s11+$0x0]  }
0x133: {  	v21 =	vld [tilespmem:s11+$0x80];
	_ =	sdelay $0x1  }
0x134: {  	v22 =	vld [tilespmem:s11+$0x100];
	_ =	sdelay $0x1  }
0x135: {  	v20 =	vmul.f32 v20, v12;
	v23 =	vld [tilespmem:s11+$0x180]  }
0x136: {  	v21 =	vmul.f32 v21, v13  }
0x137: {  	v24 =	vld [tilespmem:s11+$0x200]  }
0x138: {  	v20 =	vadd.f32 v21, v20;
	v21 =	vmul.f32 v22, v14  }
0x139: {  	v22 =	vld [tilespmem:s11+$0x280]  }
0x13a: {  	v20 =	vadd.f32 v21, v20;
	v21 =	vmul.f32 v23, v15  }
0x13b: {  	v23 =	vld [tilespmem:s11+$0x300]  }
0x13c: {  	v20 =	vadd.f32 v21, v20;
	v21 =	vmul.f32 v24, v16  }
0x13d: {  	v24 =	vld [tilespmem:s11+$0x380]  }
0x13e: {  	v20 =	vadd.f32 v21, v20;
	v21 =	vmul.f32 v22, v17;
	_ =	sdelay $0x1  }
0x13f: {  	v20 =	vadd.f32 v21, v20;
	v21 =	vmul.f32 v23, v18;
	_ =	sdelay $0x1  }
0x140: {  	v20 =	vadd.f32 v21, v20;
	v21 =	vmul.f32 v24, v19;
	_ =	sdelay $0x1  }
0x141: {  	v20 =	vadd.f32 v21, v20;
	_ =	sdelay $0x1  }
0x142: {  	[tilespmem:s7+$0x0] =	vst v20;
	s7 =	sadd.s32 s14, s10  }
0x143: {  	v20 =	vld [tilespmem:s7+$0x0]  }
0x144: {  	v21 =	vld [tilespmem:s7+$0x80]  }
0x145: {  	v22 =	vld [tilespmem:s7+$0x100]  }
0x146: {  	v23 =	vld [tilespmem:s7+$0x180]  }
0x147: {  	v24 =	vld [tilespmem:s7+$0x200]  }
0x148: {  	v20 =	vmul.f32 v20, v12;
	v25 =	vld [tilespmem:s7+$0x280]  }
0x149: {  	v21 =	vmul.f32 v21, v13;
	v26 =	vld [tilespmem:s7+$0x300]  }
0x14a: {  	v22 =	vmul.f32 v22, v14;
	v27 =	vld [tilespmem:s7+$0x380]  }
0x14b: {  	v20 =	vadd.f32 v21, v20  }
0x14c: {  	v21 =	vmul.f32 v23, v15  }
0x14d: {  	v20 =	vadd.f32 v22, v20  }
0x14e: {  	v22 =	vmul.f32 v24, v16  }
.Ltmp2:
0x14f: {  	v21 =	vadd.f32 v21, v20;
	v20 =	vmul.f32 v27, v19;
	(pc) =	sbr.rel @p0 .LBB2_4-.Ltmp2, $4  }
0x150: {  	v23 =	vmul.f32 v25, v17  }
0x151: {  	v22 =	vadd.f32 v22, v21  }
0x152: {  	v21 =	vmul.f32 v26, v18  }
0x153: {  	v22 =	vadd.f32 v23, v22  }
0x154: {  	s29 =	sadd.s32 $0x1, s29  }
0x155: {  	p0 =	sne.s32 s29, $0x8  }
.Ltmp3:
0x156: {  	v12 =	vadd.f32 v21, v22;
	(pc) =	sbr.rel @p0 .LBB2_3-.Ltmp3, $3  }
0x157: {  	_ = 	snop  }
0x158: {  	v12 =	vadd.f32 v20, v12;
	_ =	sdelay $0x1  }
0x159: {  	[tilespmem:s1+$0x0] =	vst v12  }
0x15a: {  	s28 =	sshll.u32 s26, $0x4  }
0x15b: {  	s0 =	sor.u32 s5, s28  }
0x15c: {  	s0 =	sshrl.u32 s0, $0x3  }
0x15d: {  	s0 =	smul.u32 $0x300, s0  }
0x15e: {  	p0 =	seq.s32 s26, $0x7  }
.Ltmp4:
0x15f: {  	s0 =	sadd.s32 s4, s0;
	(pc) =	sbr.rel @p0 .LBB2_8-.Ltmp4, $4  }
0x160: {  	[hbm4b:s0+s2] =	stream.linear.scatter [tilespmem:s24], [sflag:$0x3], $0x1800, $0x38;
	[tilespmem:$0x1D900] =	vst v63  }
0x161: {  	_ =	swait.ge [sflag:s16], $0x1800  }
0x162: {  	[sflag:s16] =	ssyncset.done $0x0  }
0x163: {  	[sflag:s16] =	ssyncadd.s32 $0xFFFFE800  }
0x164: {  	s0 =	rddreg [dreg:$0x6]  }
0x165: {  	s0 =	sadd.s32 s28, s0  }
0x166: {  	[tilespmem:s2], [sflag:$0x3] =	stream.linear.gather [hbm4b:s0+s2], $0x40, $0x38;
	[tilespmem:$0x1D900] =	vst v63  }
0x167: {  	_ =	swait.ge [sflag:s16], $0x40  }
0x168: {  	[sflag:s16] =	ssyncset.done $0x0  }
0x169: {  	[sflag:s16] =	ssyncadd.s32 $0xFFFFFFC0  }
0x16a: {  	v11 =	vld [tilespmem:$0x0];
	_ =	sdelay $0x4  }
0x16b: {  	v12 =	vshrl.u32 v11, $0x3  }
0x16c: {  	v12 =	vmul.u32 $0x30, v12  }
0x16d: {  	v11 =	vand.u32 $0x7, v11  }
0x16e: {  	v11 =	vor.u32 v11, v12  }
0x16f: {  	v12 =	vperm.xlane v11, v0;
	_ =	sdelay $0x1  }
0x170: {  	v12 =	vadd.s32 v1, v12;
	_ =	sdelay $0x3  }
0x171: {  	s18 =	simm.s32 $0x100;
	v11 =	vperm.xlane v11, v2  }
0x172: {  	[tilespmem:s18], [sflag:$0x1] =	stream.indirect_vreg.gather [hbm4b:s3+s2], $0x80, v12, vm0, $0xb8;
	[tilespmem:$0x1D900] =	vst v63  }
0x173: {  	s19 =	simm.s32 $0x900;
	v11 =	vadd.s32 v1, v11  }
0x174: {  	[tilespmem:s19], [sflag:$0x1] =	stream.indirect_vreg.gather [hbm4b:s8+s2], $0x80, v12, vm0, $0xb8;
	[tilespmem:$0x1D900] =	vst v63  }
0x175: {  	s20 =	simm.s32 $0x1100  }
0x176: {  	[tilespmem:s20], [sflag:$0x1] =	stream.indirect_vreg.gather [hbm4b:s9+s2], $0x80, v12, vm0, $0xb8;
	[tilespmem:$0x1D900] =	vst v63  }
0x177: {  	s21 =	simm.s32 $0x1900  }
0x178: {  	[tilespmem:s21], [sflag:$0x1] =	stream.indirect_vreg.gather [hbm4b:s3+s2], $0x80, v11, vm0, $0xb8;
	[tilespmem:$0x1D900] =	vst v63  }
0x179: {  	s22 =	simm.s32 $0x2100  }
0x17a: {  	[tilespmem:s22], [sflag:$0x1] =	stream.indirect_vreg.gather [hbm4b:s8+s2], $0x80, v11, vm0, $0xb8;
	[tilespmem:$0x1D900] =	vst v63  }
0x17b: {  	s29 =	simm.s32 $0x2900  }
0x17c: {  	[tilespmem:s29], [sflag:$0x1] =	stream.indirect_vreg.gather [hbm4b:s9+s2], $0x80, v11, vm0, $0xb8;
	[tilespmem:$0x1D900] =	vst v63  }
0x17d: {  	v11 =	vld [tilespmem:$0x10];
	_ =	sdelay $0x4  }
0x17e: {  	v61 =	vshrl.u32 v11, $0x3  }
0x17f: {  	v12 =	vmul.u32 $0x30, v61  }
0x180: {  	v11 =	vand.u32 $0x7, v11  }
0x181: {  	v11 =	vor.u32 v11, v12  }
0x182: {  	v12 =	vperm.xlane v11, v0;
	_ =	sdelay $0x1  }
0x183: {  	v12 =	vadd.s32 v1, v12;
	_ =	sdelay $0x3  }
0x184: {  	s30 =	simm.s32 $0x3100;
	v11 =	vperm.xlane v11, v2  }
0x185: {  	[tilespmem:s30], [sflag:$0x1] =	stream.indirect_vreg.gather [hbm4b:s3+s2], $0x80, v12, vm0, $0xb8;
	[tilespmem:$0x1D900] =	vst v63  }
0x186: {  	s31 =	simm.s32 $0x3900;
	v11 =	vadd.s32 v1, v11  }
0x187: {  	[tilespmem:s31], [sflag:$0x1] =	stream.indirect_vreg.gather [hbm4b:s8+s2], $0x80, v12, vm0, $0xb8;
	[tilespmem:$0x1D900] =	vst v63  }
0x188: {  	s1 =	simm.s32 $0x4100  }
0x189: {  	[tilespmem:s1], [sflag:$0x1] =	stream.indirect_vreg.gather [hbm4b:s9+s2], $0x80, v12, vm0, $0xb8;
	[tilespmem:$0x1D900] =	vst v63  }
0x18a: {  	s6 =	simm.s32 $0x4900  }
0x18b: {  	[tilespmem:s6], [sflag:$0x1] =	stream.indirect_vreg.gather [hbm4b:s3+s2], $0x80, v11, vm0, $0xb8;
	[tilespmem:$0x1D900] =	vst v63  }
0x18c: {  	s7 =	simm.s32 $0x5100  }
0x18d: {  	[tilespmem:s7], [sflag:$0x1] =	stream.indirect_vreg.gather [hbm4b:s8+s2], $0x80, v11, vm0, $0xb8;
	[tilespmem:$0x1D900] =	vst v63  }
0x18e: {  	s10 =	simm.s32 $0x5900  }
0x18f: {  	[tilespmem:s10], [sflag:$0x1] =	stream.indirect_vreg.gather [hbm4b:s9+s2], $0x80, v11, vm0, $0xb8;
	[tilespmem:$0x1D900] =	vst v63  }
0x190: {  	v11 =	vld [tilespmem:$0x20];
	_ =	sdelay $0x4  }
0x191: {  	v62 =	vshrl.u32 v11, $0x3  }
0x192: {  	v12 =	vmul.u32 $0x30, v62  }
0x193: {  	v11 =	vand.u32 $0x7, v11  }
0x194: {  	v11 =	vor.u32 v11, v12  }
0x195: {  	v12 =	vperm.xlane v11, v0;
	_ =	sdelay $0x1  }
0x196: {  	v12 =	vadd.s32 v1, v12;
	_ =	sdelay $0x3  }
0x197: {  	s11 =	simm.s32 $0x6100;
	v11 =	vperm.xlane v11, v2  }
0x198: {  	[tilespmem:s11], [sflag:$0x1] =	stream.indirect_vreg.gather [hbm4b:s3+s2], $0x80, v12, vm0, $0xb8;
	[tilespmem:$0x1D900] =	vst v63  }
0x199: {  	s14 =	simm.s32 $0x6900;
	v11 =	vadd.s32 v1, v11  }
0x19a: {  	[tilespmem:s14], [sflag:$0x1] =	stream.indirect_vreg.gather [hbm4b:s8+s2], $0x80, v12, vm0, $0xb8;
	[tilespmem:$0x1D900] =	vst v63  }
0x19b: {  	s15 =	simm.s32 $0x7100  }
0x19c: {  	[tilespmem:s15], [sflag:$0x1] =	stream.indirect_vreg.gather [hbm4b:s9+s2], $0x80, v12, vm0, $0xb8;
	[tilespmem:$0x1D900] =	vst v63  }
0x19d: {  	s17 =	simm.s32 $0x7900  }
0x19e: {  	[tilespmem:s17], [sflag:$0x1] =	stream.indirect_vreg.gather [hbm4b:s3+s2], $0x80, v11, vm0, $0xb8;
	[tilespmem:$0x1D900] =	vst v63  }
0x19f: {  	s18 =	simm.s32 $0x8100  }
0x1a0: {  	[tilespmem:s18], [sflag:$0x1] =	stream.indirect_vreg.gather [hbm4b:s8+s2], $0x80, v11, vm0, $0xb8;
	[tilespmem:$0x1D900] =	vst v63  }
0x1a1: {  	s19 =	simm.s32 $0x8900  }
0x1a2: {  	[tilespmem:s19], [sflag:$0x1] =	stream.indirect_vreg.gather [hbm4b:s9+s2], $0x80, v11, vm0, $0xb8;
	[tilespmem:$0x1D900] =	vst v63  }
0x1a3: {  	v11 =	vld [tilespmem:$0x30];
	_ =	sdelay $0x4  }
0x1a4: {  	v63 =	vshrl.u32 v11, $0x3  }
0x1a5: {  	v12 =	vmul.u32 $0x30, v63  }
0x1a6: {  	v11 =	vand.u32 $0x7, v11  }
0x1a7: {  	v11 =	vor.u32 v11, v12  }
0x1a8: {  	v12 =	vperm.xlane v11, v0;
	_ =	sdelay $0x1  }
0x1a9: {  	v12 =	vadd.s32 v1, v12;
	_ =	sdelay $0x3  }
0x1aa: {  	s20 =	simm.s32 $0x9100;
	v11 =	vperm.xlane v11, v2  }
0x1ab: {  	[tilespmem:s20], [sflag:$0x1] =	stream.indirect_vreg.gather [hbm4b:s3+s2], $0x80, v12, vm0, $0xb8;
	[tilespmem:$0x1D900] =	vst v63  }
0x1ac: {  	s21 =	simm.s32 $0x9900;
	v11 =	vadd.s32 v1, v11  }
0x1ad: {  	[tilespmem:s21], [sflag:$0x1] =	stream.indirect_vreg.gather [hbm4b:s8+s2], $0x80, v12, vm0, $0xb8;
	[tilespmem:$0x1D900] =	vst v63  }
0x1ae: {  	s22 =	simm.s32 $0xA100  }
0x1af: {  	[tilespmem:s22], [sflag:$0x1] =	stream.indirect_vreg.gather [hbm4b:s9+s2], $0x80, v12, vm0, $0xb8;
	[tilespmem:$0x1D900] =	vst v63  }
0x1b0: {  	s29 =	simm.s32 $0xA900  }
0x1b1: {  	[tilespmem:s29], [sflag:$0x1] =	stream.indirect_vreg.gather [hbm4b:s3+s2], $0x80, v11, vm0, $0xb8;
	[tilespmem:$0x1D900] =	vst v63  }
0x1b2: {  	s30 =	simm.s32 $0xB100  }
0x1b3: {  	[tilespmem:s30], [sflag:$0x1] =	stream.indirect_vreg.gather [hbm4b:s8+s2], $0x80, v11, vm0, $0xb8;
	[tilespmem:$0x1D900] =	vst v63  }
0x1b4: {  	s31 =	simm.s32 $0xB900  }
0x1b5: {  	[tilespmem:s31], [sflag:$0x1] =	stream.indirect_vreg.gather [hbm4b:s9+s2], $0x80, v11, vm0, $0xb8;
	[tilespmem:$0x1D900] =	vst v63  }
.LBB2_8:
0x1b6: {  	s0 =	sshll.u32 s26, $0x1  }
0x1b7: {  	s29 =	sor.u32 $0x1, s0  }
0x1b8: {  	s0 =	sshll.u32 s29, $0xA  }
0x1b9: {  	_ =	swait.ge [sflag:s25], $0xC000;
	s0 =	sand.u32 $0x3FFFFC00, s0  }
0x1ba: {  	[sflag:s25] =	ssyncset.done $0x0;
	s0 =	sadd.s32 $0x18100, s0  }
0x1bb: {  	s30 =	simm.s32 $0x0;
	s31 =	simm.s32 $0x0;
	[sflag:s25] =	ssyncadd.s32 $0xFFFF4000;
	v11 =	vmov s0  }
.LBB2_9:
0x1bc: {  	s0 =	smul.u32 $0x6000, s31;
	_ =	sdelay $0x1  }
0x1bd: {  	s0 =	sshra.s32 s0, $0x2  }
0x1be: {  	s1 =	sshll.u32 s31, $0x7;
	s10 =	sand.u32 $0x1C00, s30;
	s0 =	sadd.s32 $0xC100, s0  }
0x1bf: {  	s7 =	sand.u32 $0x40, s30;
	s1 =	sand.u32 $0x3FFFFF80, s1;
	s6 =	sadd.s32 s10, s0  }
0x1c0: {  	v19 =	vld.idx.msk [tilespmem:v11+s1+$0x0 ss:$0x1], $0xffff;
	s11 =	sadd.s32 s7, s6  }
0x1c1: {  	v15 =	vld [tilespmem:s11+$0x0]  }
0x1c2: {  	v16 =	vld [tilespmem:s11+$0x80];
	_ =	sdelay $0x1  }
0x1c3: {  	v17 =	vld [tilespmem:s11+$0x100]  }
0x1c4: {  	v12 =	vperm.xlane v19, v3;
	v13 =	vperm.xlane v19, v4  }
0x1c5: {  	v18 =	vld [tilespmem:s11+$0x180];
	v14 =	vperm.xlane v19, v5  }
0x1c6: {  	v20 =	vmul.f32 v15, v12;
	v16 =	vmul.f32 v16, v13  }
0x1c7: {  	v21 =	vld [tilespmem:s11+$0x200]  }
0x1c8: {  	v15 =	vperm.xlane v19, v6;
	v17 =	vmul.f32 v17, v14;
	v20 =	vadd.f32 v16, v20  }
0x1c9: {  	v22 =	vld [tilespmem:s11+$0x280]  }
0x1ca: {  	v16 =	vperm.xlane v19, v7;
	v18 =	vmul.f32 v18, v15;
	v20 =	vadd.f32 v17, v20  }
0x1cb: {  	v23 =	vld [tilespmem:s11+$0x300]  }
0x1cc: {  	v17 =	vperm.xlane v19, v8;
	v21 =	vmul.f32 v21, v16;
	v20 =	vadd.f32 v18, v20  }
0x1cd: {  	v24 =	vld [tilespmem:s11+$0x380]  }
0x1ce: {  	v18 =	vperm.xlane v19, v9;
	v20 =	vadd.f32 v21, v20;
	v21 =	vmul.f32 v22, v17;
	_ =	sdelay $0x1  }
0x1cf: {  	v19 =	vperm.xlane v19, v10;
	v20 =	vadd.f32 v21, v20;
	v21 =	vmul.f32 v23, v18;
	_ =	sdelay $0x1  }
0x1d0: {  	v20 =	vadd.f32 v21, v20;
	v21 =	vmul.f32 v24, v19  }
0x1d1: {  	s1 =	sadd.s32 $0x1C100, s1  }
0x1d2: {  	s10 =	sadd.s32 s10, s1;
	v20 =	vadd.f32 v21, v20  }
0x1d3: {  	s14 =	sor.u32 $0x10, s7;
	s17 =	sadd.s32 s7, s10  }
0x1d4: {  	s18 =	sadd.s32 s14, s6;
	[tilespmem:s17+$0x0] =	vst v20  }
0x1d5: {  	v20 =	vld [tilespmem:s18+$0x0]  }
0x1d6: {  	v21 =	vld [tilespmem:s18+$0x80];
	_ =	sdelay $0x1  }
0x1d7: {  	v22 =	vld [tilespmem:s18+$0x100];
	_ =	sdelay $0x1  }
0x1d8: {  	v23 =	vld [tilespmem:s18+$0x180]  }
0x1d9: {  	v20 =	vmul.f32 v20, v12;
	v21 =	vmul.f32 v21, v13  }
0x1da: {  	v59 =	vld [tilespmem:s18+$0x200]  }
0x1db: {  	v20 =	vadd.f32 v21, v20;
	v21 =	vmul.f32 v22, v14  }
0x1dc: {  	v22 =	vld [tilespmem:s18+$0x280]  }
0x1dd: {  	v20 =	vadd.f32 v21, v20;
	v21 =	vmul.f32 v23, v15  }
0x1de: {  	v23 =	vld [tilespmem:s18+$0x300]  }
0x1df: {  	v20 =	vadd.f32 v21, v20;
	v21 =	vmul.f32 v59, v16  }
0x1e0: {  	v60 =	vld [tilespmem:s18+$0x380]  }
0x1e1: {  	v20 =	vadd.f32 v21, v20;
	v21 =	vmul.f32 v22, v17;
	_ =	sdelay $0x1  }
0x1e2: {  	v20 =	vadd.f32 v21, v20;
	v21 =	vmul.f32 v23, v18;
	_ =	sdelay $0x1  }
0x1e3: {  	v20 =	vadd.f32 v21, v20;
	v21 =	vmul.f32 v60, v19;
	_ =	sdelay $0x1  }
0x1e4: {  	v20 =	vadd.f32 v21, v20  }
0x1e5: {  	s20 =	sor.u32 $0x20, s7;
	s19 =	sadd.s32 s14, s10  }
0x1e6: {  	s21 =	sadd.s32 s20, s6;
	[tilespmem:s19+$0x0] =	vst v20  }
0x1e7: {  	v20 =	vld [tilespmem:s21+$0x0]  }
0x1e8: {  	v21 =	vld [tilespmem:s21+$0x80];
	_ =	sdelay $0x1  }
0x1e9: {  	v22 =	vld [tilespmem:s21+$0x100];
	_ =	sdelay $0x1  }
0x1ea: {  	v23 =	vld [tilespmem:s21+$0x180]  }
0x1eb: {  	v20 =	vmul.f32 v20, v12;
	v21 =	vmul.f32 v21, v13  }
0x1ec: {  	v61 =	vld [tilespmem:s21+$0x200]  }
0x1ed: {  	v20 =	vadd.f32 v21, v20;
	v21 =	vmul.f32 v22, v14  }
0x1ee: {  	v22 =	vld [tilespmem:s21+$0x280]  }
0x1ef: {  	v20 =	vadd.f32 v21, v20;
	v21 =	vmul.f32 v23, v15  }
0x1f0: {  	v23 =	vld [tilespmem:s21+$0x300]  }
0x1f1: {  	v20 =	vadd.f32 v21, v20;
	v21 =	vmul.f32 v61, v16  }
0x1f2: {  	v62 =	vld [tilespmem:s21+$0x380]  }
0x1f3: {  	v20 =	vadd.f32 v21, v20;
	v21 =	vmul.f32 v22, v17;
	_ =	sdelay $0x1  }
0x1f4: {  	v20 =	vadd.f32 v21, v20;
	v21 =	vmul.f32 v23, v18;
	_ =	sdelay $0x1  }
0x1f5: {  	v20 =	vadd.f32 v21, v20;
	v21 =	vmul.f32 v62, v19;
	_ =	sdelay $0x1  }
0x1f6: {  	v20 =	vadd.f32 v21, v20  }
0x1f7: {  	s7 =	sor.u32 $0x30, s7;
	s22 =	sadd.s32 s20, s10  }
0x1f8: {  	s6 =	sadd.s32 s7, s6;
	[tilespmem:s22+$0x0] =	vst v20  }
0x1f9: {  	v20 =	vld [tilespmem:s6+$0x0]  }
0x1fa: {  	v21 =	vld [tilespmem:s6+$0x80];
	_ =	sdelay $0x1  }
0x1fb: {  	v22 =	vld [tilespmem:s6+$0x100];
	_ =	sdelay $0x1  }
0x1fc: {  	v23 =	vld [tilespmem:s6+$0x180]  }
0x1fd: {  	v20 =	vmul.f32 v20, v12;
	v21 =	vmul.f32 v21, v13  }
0x1fe: {  	v63 =	vld [tilespmem:s6+$0x200]  }
0x1ff: {  	v22 =	vmul.f32 v22, v14;
	v20 =	vadd.f32 v21, v20  }
0x200: {  	v21 =	vld [tilespmem:s6+$0x280]  }
0x201: {  	v25 =	vld [tilespmem:s6+$0x300];
	v23 =	vmul.f32 v23, v15;
	v20 =	vadd.f32 v22, v20  }
0x202: {  	v22 =	vld [tilespmem:s6+$0x380]  }
0x203: {  	v24 =	vmul.f32 v63, v16;
	v20 =	vadd.f32 v23, v20;
	_ =	sdelay $0x1  }
0x204: {  	v23 =	vmul.f32 v21, v17;
	v24 =	vadd.f32 v24, v20;
	_ =	sdelay $0x1  }
0x205: {  	s15 =	sadd.s32 s7, s10;
	s10 =	simm.s32 $0x0;
	s6 =	simm.s32 $0x40;
	v21 =	vmul.f32 v25, v18;
	v20 =	vmul.f32 v22, v19;
	v22 =	vadd.f32 v23, v24  }
.LBB2_10:
0x206: {  	p1 =	sne.s32 s6, $0x2C0  }
0x207: {  	s10 =	sadd.s32 $0x200, s10;
	s7 =	smov.u32 s6;
	s6 =	sadd.s32 $0x40, s6  }
0x208: {  	v21 =	vadd.f32 v21, v22  }
0x209: {  	s11 =	sand.u32 $0x1C00, s10  }
0x20a: {  	s7 =	sand.u32 $0x40, s7;
	s14 =	sadd.s32 s11, s0;
	s11 =	sadd.s32 s11, s1;
	v20 =	vadd.f32 v20, v21  }
0x20b: {  	s22 =	sor.u32 $0x10, s7;
	s20 =	sadd.s32 s7, s14;
	s21 =	sadd.s32 s7, s11  }
0x20c: {  	s19 =	sor.u32 $0x20, s7;
	s18 =	sadd.s32 s22, s11;
	s7 =	sor.u32 $0x30, s7;
	[tilespmem:s15+$0x0] =	vst v20  }
0x20d: {  	s17 =	sadd.s32 s19, s11;
	s15 =	sadd.s32 s7, s11;
	v20 =	vld [tilespmem:s20+$0x0]  }
0x20e: {  	v21 =	vld [tilespmem:s20+$0x80];
	_ =	sdelay $0x1  }
0x20f: {  	v22 =	vld [tilespmem:s20+$0x100];
	_ =	sdelay $0x1  }
0x210: {  	v23 =	vld [tilespmem:s20+$0x180]  }
0x211: {  	v20 =	vmul.f32 v20, v12;
	v21 =	vmul.f32 v21, v13  }
0x212: {  	v24 =	vld [tilespmem:s20+$0x200]  }
0x213: {  	v20 =	vadd.f32 v21, v20;
	v21 =	vmul.f32 v22, v14  }
0x214: {  	v22 =	vld [tilespmem:s20+$0x280]  }
0x215: {  	v20 =	vadd.f32 v21, v20;
	v21 =	vmul.f32 v23, v15  }
0x216: {  	v23 =	vld [tilespmem:s20+$0x300]  }
0x217: {  	v20 =	vadd.f32 v21, v20;
	v21 =	vmul.f32 v24, v16  }
0x218: {  	v24 =	vld [tilespmem:s20+$0x380]  }
0x219: {  	v20 =	vadd.f32 v21, v20;
	v21 =	vmul.f32 v22, v17;
	_ =	sdelay $0x1  }
0x21a: {  	v20 =	vadd.f32 v21, v20;
	v21 =	vmul.f32 v23, v18;
	_ =	sdelay $0x1  }
0x21b: {  	v20 =	vadd.f32 v21, v20;
	v21 =	vmul.f32 v24, v19;
	_ =	sdelay $0x1  }
0x21c: {  	v20 =	vadd.f32 v21, v20;
	_ =	sdelay $0x1  }
0x21d: {  	s11 =	sadd.s32 s22, s14;
	[tilespmem:s21+$0x0] =	vst v20  }
0x21e: {  	v20 =	vld [tilespmem:s11+$0x0]  }
0x21f: {  	v21 =	vld [tilespmem:s11+$0x80];
	_ =	sdelay $0x1  }
0x220: {  	v22 =	vld [tilespmem:s11+$0x100];
	_ =	sdelay $0x1  }
0x221: {  	v23 =	vld [tilespmem:s11+$0x180]  }
0x222: {  	v20 =	vmul.f32 v20, v12;
	v21 =	vmul.f32 v21, v13  }
0x223: {  	v24 =	vld [tilespmem:s11+$0x200]  }
0x224: {  	v20 =	vadd.f32 v21, v20;
	v21 =	vmul.f32 v22, v14  }
0x225: {  	v22 =	vld [tilespmem:s11+$0x280]  }
0x226: {  	v20 =	vadd.f32 v21, v20;
	v21 =	vmul.f32 v23, v15  }
0x227: {  	v23 =	vld [tilespmem:s11+$0x300]  }
0x228: {  	v20 =	vadd.f32 v21, v20;
	v21 =	vmul.f32 v24, v16  }
0x229: {  	v24 =	vld [tilespmem:s11+$0x380]  }
0x22a: {  	v20 =	vadd.f32 v21, v20;
	v21 =	vmul.f32 v22, v17;
	_ =	sdelay $0x1  }
0x22b: {  	v20 =	vadd.f32 v21, v20;
	v21 =	vmul.f32 v23, v18;
	_ =	sdelay $0x1  }
0x22c: {  	v20 =	vadd.f32 v21, v20;
	v21 =	vmul.f32 v24, v19;
	_ =	sdelay $0x1  }
0x22d: {  	v20 =	vadd.f32 v21, v20;
	_ =	sdelay $0x1  }
0x22e: {  	s11 =	sadd.s32 s19, s14;
	[tilespmem:s18+$0x0] =	vst v20  }
0x22f: {  	v20 =	vld [tilespmem:s11+$0x0]  }
0x230: {  	v21 =	vld [tilespmem:s11+$0x80];
	_ =	sdelay $0x1  }
0x231: {  	v22 =	vld [tilespmem:s11+$0x100];
	_ =	sdelay $0x1  }
0x232: {  	v20 =	vmul.f32 v20, v12;
	v23 =	vld [tilespmem:s11+$0x180]  }
0x233: {  	v21 =	vmul.f32 v21, v13  }
0x234: {  	v24 =	vld [tilespmem:s11+$0x200]  }
0x235: {  	v20 =	vadd.f32 v21, v20;
	v21 =	vmul.f32 v22, v14  }
0x236: {  	v22 =	vld [tilespmem:s11+$0x280]  }
0x237: {  	v20 =	vadd.f32 v21, v20;
	v21 =	vmul.f32 v23, v15  }
0x238: {  	v23 =	vld [tilespmem:s11+$0x300]  }
0x239: {  	v20 =	vadd.f32 v21, v20;
	v21 =	vmul.f32 v24, v16  }
0x23a: {  	v24 =	vld [tilespmem:s11+$0x380]  }
0x23b: {  	v20 =	vadd.f32 v21, v20;
	v21 =	vmul.f32 v22, v17;
	_ =	sdelay $0x1  }
0x23c: {  	v20 =	vadd.f32 v21, v20;
	v21 =	vmul.f32 v23, v18;
	_ =	sdelay $0x1  }
0x23d: {  	v20 =	vadd.f32 v21, v20;
	v21 =	vmul.f32 v24, v19;
	_ =	sdelay $0x1  }
0x23e: {  	v20 =	vadd.f32 v21, v20;
	_ =	sdelay $0x1  }
0x23f: {  	s7 =	sadd.s32 s7, s14;
	[tilespmem:s17+$0x0] =	vst v20  }
0x240: {  	v20 =	vld [tilespmem:s7+$0x0]  }
0x241: {  	v21 =	vld [tilespmem:s7+$0x80]  }
0x242: {  	v22 =	vld [tilespmem:s7+$0x100]  }
0x243: {  	v23 =	vld [tilespmem:s7+$0x180]  }
0x244: {  	v24 =	vld [tilespmem:s7+$0x200]  }
0x245: {  	v20 =	vmul.f32 v20, v12;
	v25 =	vld [tilespmem:s7+$0x280]  }
0x246: {  	v21 =	vmul.f32 v21, v13;
	v26 =	vld [tilespmem:s7+$0x300]  }
0x247: {  	v22 =	vmul.f32 v22, v14;
	v27 =	vld [tilespmem:s7+$0x380]  }
0x248: {  	v20 =	vadd.f32 v21, v20  }
0x249: {  	v21 =	vmul.f32 v23, v15  }
0x24a: {  	v20 =	vadd.f32 v22, v20  }
0x24b: {  	v22 =	vmul.f32 v24, v16  }
.Ltmp5:
0x24c: {  	v21 =	vadd.f32 v21, v20;
	v20 =	vmul.f32 v27, v19;
	(pc) =	sbr.rel @p1 .LBB2_10-.Ltmp5, $4  }
0x24d: {  	v23 =	vmul.f32 v25, v17  }
0x24e: {  	v22 =	vadd.f32 v22, v21  }
0x24f: {  	v21 =	vmul.f32 v26, v18  }
0x250: {  	v22 =	vadd.f32 v23, v22  }
0x251: {  	s31 =	sadd.s32 $0x1, s31  }
0x252: {  	p1 =	sne.s32 s31, $0x8  }
.Ltmp6:
0x253: {  	v12 =	vadd.f32 v21, v22;
	(pc) =	sbr.rel @p1 .LBB2_9-.Ltmp6, $3  }
0x254: {  	_ = 	snop  }
0x255: {  	v12 =	vadd.f32 v20, v12;
	_ =	sdelay $0x1  }
0x256: {  	[tilespmem:s15+$0x0] =	vst v12  }
0x257: {  	s0 =	sadd.s32 s12, s29  }
0x258: {  	s0 =	smul.u32 $0x300, s0;
	_ =	sdelay $0x1  }
.Ltmp7:
0x259: {  	s0 =	sadd.s32 s4, s0;
	(pc) =	sbr.rel @p0 .LBB2_14-.Ltmp7, $4  }
0x25a: {  	[hbm4b:s0+s2] =	stream.linear.scatter [tilespmem:s24], [sflag:$0x3], $0x1800, $0x38;
	[tilespmem:$0x1D900] =	vst v63  }
0x25b: {  	_ =	swait.ge [sflag:s16], $0x1800  }
0x25c: {  	[sflag:s16] =	ssyncset.done $0x0  }
0x25d: {  	[sflag:s16] =	ssyncadd.s32 $0xFFFFE800  }
0x25e: {  	s0 =	sadd.s32 s28, s13;
	s1 =	simm.s32 $0x80  }
0x25f: {  	[tilespmem:s1], [sflag:$0x3] =	stream.linear.gather [hbm4b:s0+s2], $0x40, $0x38;
	[tilespmem:$0x1D900] =	vst v63  }
0x260: {  	_ =	swait.ge [sflag:s16], $0x40  }
0x261: {  	[sflag:s16] =	ssyncset.done $0x0  }
0x262: {  	[sflag:s16] =	ssyncadd.s32 $0xFFFFFFC0  }
0x263: {  	v11 =	vld [tilespmem:$0x80];
	_ =	sdelay $0x4  }
0x264: {  	v12 =	vshrl.u32 v11, $0x3  }
0x265: {  	v12 =	vmul.u32 $0x30, v12  }
0x266: {  	v11 =	vand.u32 $0x7, v11  }
0x267: {  	v11 =	vor.u32 v11, v12  }
0x268: {  	v12 =	vperm.xlane v11, v0;
	_ =	sdelay $0x1  }
0x269: {  	v12 =	vadd.s32 v1, v12;
	_ =	sdelay $0x3  }
0x26a: {  	s20 =	simm.s32 $0xC100;
	v11 =	vperm.xlane v11, v2  }
0x26b: {  	[tilespmem:s20], [sflag:$0x2] =	stream.indirect_vreg.gather [hbm4b:s3+s2], $0x80, v12, vm0, $0xb8;
	[tilespmem:$0x1D900] =	vst v63  }
0x26c: {  	s21 =	simm.s32 $0xC900;
	v11 =	vadd.s32 v1, v11  }
0x26d: {  	[tilespmem:s21], [sflag:$0x2] =	stream.indirect_vreg.gather [hbm4b:s8+s2], $0x80, v12, vm0, $0xb8;
	[tilespmem:$0x1D900] =	vst v63  }
0x26e: {  	s22 =	simm.s32 $0xD100  }
0x26f: {  	[tilespmem:s22], [sflag:$0x2] =	stream.indirect_vreg.gather [hbm4b:s9+s2], $0x80, v12, vm0, $0xb8;
	[tilespmem:$0x1D900] =	vst v63  }
0x270: {  	s28 =	simm.s32 $0xD900  }
0x271: {  	[tilespmem:s28], [sflag:$0x2] =	stream.indirect_vreg.gather [hbm4b:s3+s2], $0x80, v11, vm0, $0xb8;
	[tilespmem:$0x1D900] =	vst v63  }
0x272: {  	s29 =	simm.s32 $0xE100  }
0x273: {  	[tilespmem:s29], [sflag:$0x2] =	stream.indirect_vreg.gather [hbm4b:s8+s2], $0x80, v11, vm0, $0xb8;
	[tilespmem:$0x1D900] =	vst v63  }
0x274: {  	s30 =	simm.s32 $0xE900  }
0x275: {  	[tilespmem:s30], [sflag:$0x2] =	stream.indirect_vreg.gather [hbm4b:s9+s2], $0x80, v11, vm0, $0xb8;
	[tilespmem:$0x1D900] =	vst v63  }
0x276: {  	v11 =	vld [tilespmem:$0x90];
	_ =	sdelay $0x4  }
0x277: {  	v61 =	vshrl.u32 v11, $0x3  }
0x278: {  	v12 =	vmul.u32 $0x30, v61  }
0x279: {  	v11 =	vand.u32 $0x7, v11  }
0x27a: {  	v11 =	vor.u32 v11, v12  }
0x27b: {  	v12 =	vperm.xlane v11, v0;
	_ =	sdelay $0x1  }
0x27c: {  	v12 =	vadd.s32 v1, v12;
	_ =	sdelay $0x3  }
0x27d: {  	s31 =	simm.s32 $0xF100;
	v11 =	vperm.xlane v11, v2  }
0x27e: {  	[tilespmem:s31], [sflag:$0x2] =	stream.indirect_vreg.gather [hbm4b:s3+s2], $0x80, v12, vm0, $0xb8;
	[tilespmem:$0x1D900] =	vst v63  }
0x27f: {  	s1 =	simm.s32 $0xF900;
	v11 =	vadd.s32 v1, v11  }
0x280: {  	[tilespmem:s1], [sflag:$0x2] =	stream.indirect_vreg.gather [hbm4b:s8+s2], $0x80, v12, vm0, $0xb8;
	[tilespmem:$0x1D900] =	vst v63  }
0x281: {  	s6 =	simm.s32 $0x10100  }
0x282: {  	[tilespmem:s6], [sflag:$0x2] =	stream.indirect_vreg.gather [hbm4b:s9+s2], $0x80, v12, vm0, $0xb8;
	[tilespmem:$0x1D900] =	vst v63  }
0x283: {  	s7 =	simm.s32 $0x10900  }
0x284: {  	[tilespmem:s7], [sflag:$0x2] =	stream.indirect_vreg.gather [hbm4b:s3+s2], $0x80, v11, vm0, $0xb8;
	[tilespmem:$0x1D900] =	vst v63  }
0x285: {  	s10 =	simm.s32 $0x11100  }
0x286: {  	[tilespmem:s10], [sflag:$0x2] =	stream.indirect_vreg.gather [hbm4b:s8+s2], $0x80, v11, vm0, $0xb8;
	[tilespmem:$0x1D900] =	vst v63  }
0x287: {  	s11 =	simm.s32 $0x11900  }
0x288: {  	[tilespmem:s11], [sflag:$0x2] =	stream.indirect_vreg.gather [hbm4b:s9+s2], $0x80, v11, vm0, $0xb8;
	[tilespmem:$0x1D900] =	vst v63  }
0x289: {  	v11 =	vld [tilespmem:$0xA0];
	_ =	sdelay $0x4  }
0x28a: {  	v62 =	vshrl.u32 v11, $0x3  }
0x28b: {  	v12 =	vmul.u32 $0x30, v62  }
0x28c: {  	v11 =	vand.u32 $0x7, v11  }
0x28d: {  	v11 =	vor.u32 v11, v12  }
0x28e: {  	v12 =	vperm.xlane v11, v0;
	_ =	sdelay $0x1  }
0x28f: {  	v12 =	vadd.s32 v1, v12;
	_ =	sdelay $0x3  }
0x290: {  	s14 =	simm.s32 $0x12100;
	v11 =	vperm.xlane v11, v2  }
0x291: {  	[tilespmem:s14], [sflag:$0x2] =	stream.indirect_vreg.gather [hbm4b:s3+s2], $0x80, v12, vm0, $0xb8;
	[tilespmem:$0x1D900] =	vst v63  }
0x292: {  	s15 =	simm.s32 $0x12900;
	v11 =	vadd.s32 v1, v11  }
0x293: {  	[tilespmem:s15], [sflag:$0x2] =	stream.indirect_vreg.gather [hbm4b:s8+s2], $0x80, v12, vm0, $0xb8;
	[tilespmem:$0x1D900] =	vst v63  }
0x294: {  	s17 =	simm.s32 $0x13100  }
0x295: {  	[tilespmem:s17], [sflag:$0x2] =	stream.indirect_vreg.gather [hbm4b:s9+s2], $0x80, v12, vm0, $0xb8;
	[tilespmem:$0x1D900] =	vst v63  }
0x296: {  	s18 =	simm.s32 $0x13900  }
0x297: {  	[tilespmem:s18], [sflag:$0x2] =	stream.indirect_vreg.gather [hbm4b:s3+s2], $0x80, v11, vm0, $0xb8;
	[tilespmem:$0x1D900] =	vst v63  }
0x298: {  	s19 =	simm.s32 $0x14100  }
0x299: {  	[tilespmem:s19], [sflag:$0x2] =	stream.indirect_vreg.gather [hbm4b:s8+s2], $0x80, v11, vm0, $0xb8;
	[tilespmem:$0x1D900] =	vst v63  }
0x29a: {  	s20 =	simm.s32 $0x14900  }
0x29b: {  	[tilespmem:s20], [sflag:$0x2] =	stream.indirect_vreg.gather [hbm4b:s9+s2], $0x80, v11, vm0, $0xb8;
	[tilespmem:$0x1D900] =	vst v63  }
0x29c: {  	v11 =	vld [tilespmem:$0xB0];
	_ =	sdelay $0x4  }
0x29d: {  	v63 =	vshrl.u32 v11, $0x3  }
0x29e: {  	v12 =	vmul.u32 $0x30, v63  }
0x29f: {  	v11 =	vand.u32 $0x7, v11  }
0x2a0: {  	v11 =	vor.u32 v11, v12  }
0x2a1: {  	v12 =	vperm.xlane v11, v0;
	_ =	sdelay $0x1  }
0x2a2: {  	v12 =	vadd.s32 v1, v12;
	_ =	sdelay $0x3  }
0x2a3: {  	s21 =	simm.s32 $0x15100;
	v11 =	vperm.xlane v11, v2  }
0x2a4: {  	[tilespmem:s21], [sflag:$0x2] =	stream.indirect_vreg.gather [hbm4b:s3+s2], $0x80, v12, vm0, $0xb8;
	[tilespmem:$0x1D900] =	vst v63  }
0x2a5: {  	s22 =	simm.s32 $0x15900;
	v11 =	vadd.s32 v1, v11  }
0x2a6: {  	[tilespmem:s22], [sflag:$0x2] =	stream.indirect_vreg.gather [hbm4b:s8+s2], $0x80, v12, vm0, $0xb8;
	[tilespmem:$0x1D900] =	vst v63  }
0x2a7: {  	s28 =	simm.s32 $0x16100  }
0x2a8: {  	[tilespmem:s28], [sflag:$0x2] =	stream.indirect_vreg.gather [hbm4b:s9+s2], $0x80, v12, vm0, $0xb8;
	[tilespmem:$0x1D900] =	vst v63  }
0x2a9: {  	s29 =	simm.s32 $0x16900  }
0x2aa: {  	[tilespmem:s29], [sflag:$0x2] =	stream.indirect_vreg.gather [hbm4b:s3+s2], $0x80, v11, vm0, $0xb8;
	[tilespmem:$0x1D900] =	vst v63  }
.Ltmp8:
0x2ab: {  	_ = 	snop;
	(pc) =	sbr.rel .LBB2_2-.Ltmp8, $4  }
0x2ac: {  	s30 =	simm.s32 $0x17100  }
0x2ad: {  	[tilespmem:s30], [sflag:$0x2] =	stream.indirect_vreg.gather [hbm4b:s8+s2], $0x80, v11, vm0, $0xb8;
	[tilespmem:$0x1D900] =	vst v63  }
0x2ae: {  	s26 =	sadd.s32 $0x1, s26;
	s31 =	simm.s32 $0x17900  }
0x2af: {  	[tilespmem:s31], [sflag:$0x2] =	stream.indirect_vreg.gather [hbm4b:s9+s2], $0x80, v11, vm0, $0xb8;
	[tilespmem:$0x1D900] =	vst v63  }
.LBB2_15:
0x2b0: {  	_ =	sfence.sel $0x180000  }
0x2b1: {  	[bflag:$0x0] =	sbarrier.arrive $0xFFFF  }
0x2b2: {  	_ =	strace $0x90000047  }
0x2b3: {  	s0 =	stileid.u32;
	[bflag:$0x2] =	sbarrier.arrive $0xFFFF  }
0x2b4: {  	p0 =	sne.s32 s0, $0x0;
	s0 =	rddreg [dreg:$0x2]  }
0x2b5: {  	s0 =	sadd.s32 @!p0 $0x100000, s0  }
0x2b6: {  	[sflag:s0] =	ssyncadd.tile.s32 @!p0 $0x1;
	_ =	shalt  }
.Lfunc_end2:
_tile_overlayer_lowered:
.L_overlay_start_2:
0x2b7: {  	(tag) =	ssettag $0x2  }
0x2b8: {  	s0 =	rddreg [dreg:$0x0];
	s2 =	stileid.u32  }
0x2b9: {  	s1 =	rddreg [dreg:$0x1];
	p0 =	sne.s32 s2, $0x0  }
0x2ba: {  	s3 =	rddreg [dreg:$0x2];
	[bflag:$0x3] =	sbarrier.arrive $0xFFFF;
	s2 =	simm.s32 @!p0 $0x1C03  }
0x2bb: {  	[timem:s3], [sflag:s2] =	dma.local @!p0 [hbm:s0], s1  }
0x2bc: {  	s0 =	simm.s32 @!p0 $0x3  }
0x2bd: {  	_ =	swait.ge @!p0 [sflag:s0], s1  }
0x2be: {  	s1 =	ssub.s32 @!p0 $0x0, s1;
	[sflag:s0] =	ssyncset.done @!p0 $0x0  }
0x2bf: {  	[sflag:s0] =	ssyncadd.s32 @!p0 s1  }
0x2c0: {  	[bflag:$0x3] =	sbarrier.arrive $0xFFFF  }
0x2c1: {  	_ =	shalt  }

</sc_bundles>
